<compile_context>
chip_gen: v7x
topology: tpu7x:2x2x1
jax: 0.10.2.dev20260603
libtpu: 0.0.44.dev20260713+nightly
codegen_flags: <defaults>
</compile_context>

<pallas_src>
import functools

import jax
import jax.numpy as jnp
from jax import lax
from jax.experimental import pallas as pl
from jax.experimental.pallas import tpu as pltpu
from jax.experimental.pallas import tpu_sc as plsc

_MASK_RATIO = 0.5
_NEIGH_WEIGHT = 0.5

_NC = 2
_NS = 16
_NW = _NC * _NS
_CH = 128
_ACC = 10240
_RPT = _ACC // _NS


def _sc_body(nchunk, d, idx_ref, emb_ref, acc_out, deg_out,
             idx_g, buf, zrow, ones_l, zdeg, acc_s, deg_r_s, deg_c_s):
    cid = lax.axis_index("c")
    sid = lax.axis_index("s")
    tid = cid * _NS + sid

    z16 = jnp.zeros((16,), jnp.float32)
    o16 = jnp.full((16,), 1.0, jnp.float32)
    for i in range(16):
        for j in range(d // 16):
            zrow[i, pl.ds(j * 16, 16)] = z16
    for j in range(_CH // 16):
        ones_l[pl.ds(j * 16, 16)] = o16

    def _zero_zdeg(k, carry):
        zdeg[pl.ds(k * 16, 16)] = z16
        return carry

    lax.fori_loop(0, _RPT // 16, _zero_zdeg, 0)

    base = sid * _RPT
    pltpu.sync_copy(zdeg, deg_r_s.at[pl.ds(base, _RPT)])
    pltpu.sync_copy(zdeg, deg_c_s.at[pl.ds(base, _RPT)])
    for b in range(_RPT // 16):
        pltpu.sync_copy(zrow, acc_s.at[pl.ds(base + b * 16, 16)])
    plsc.subcore_barrier()

    def body(c, carry):
        pltpu.sync_copy(idx_ref.at[tid, c], idx_g)
        pltpu.sync_copy(emb_ref.at[idx_g.at[1]], buf)
        pltpu.sync_copy(ones_l, deg_r_s.at[idx_g.at[0]], add=True)
        pltpu.sync_copy(ones_l, deg_c_s.at[idx_g.at[1]], add=True)
        pltpu.sync_copy(buf, acc_s.at[idx_g.at[0]], add=True)
        return carry

    lax.fori_loop(0, nchunk, body, 0)
    plsc.subcore_barrier()

    pltpu.sync_copy(acc_s.at[pl.ds(base, _RPT)],
                    acc_out.at[pl.ds(cid * _ACC + base, _RPT)])
    pltpu.sync_copy(deg_r_s.at[pl.ds(base, _RPT)],
                    deg_out.at[cid, 0, pl.ds(base, _RPT)])
    pltpu.sync_copy(deg_c_s.at[pl.ds(base, _RPT)],
                    deg_out.at[cid, 1, pl.ds(base, _RPT)])


def _tc_body(num_mask, num_edges, emb_ref, acc_ref, deg_ref, mvec_ref, wt_ref,
             out_ref):
    emb = emb_ref[...]
    ns = acc_ref[0] + acc_ref[1]
    dr_raw = deg_ref[0, 0] + deg_ref[1, 0]
    dc = deg_ref[0, 1] + deg_ref[1, 1]
    mvec = mvec_ref[...]

    r = jnp.dot(emb, wt_ref[...], preferred_element_type=jnp.float32)
    nm = ns / jnp.maximum(dr_raw, 1.0)[:, None]
    dvec = r - nm
    recon_sum = jnp.sum(mvec * jnp.sum(dvec * dvec, axis=1))
    nrm = jnp.sum(emb * emb, axis=1)
    sq_sum = jnp.sum((dr_raw + dc) * nrm)
    dot_sum = jnp.sum(emb * ns)

    d = emb.shape[1]
    recon_loss = recon_sum / (num_mask * d)
    neigh_loss = (sq_sum - 2.0 * dot_sum) / num_edges
    total = recon_loss + _NEIGH_WEIGHT * neigh_loss
    out_ref[...] = total[None, None]


def kernel(x, edge_index, embed):
    n, d = embed.shape
    e = edge_index.shape[1]
    num_mask = max(1, int(_MASK_RATIO * n))

    rkey = jax.random.key(42)
    perm = jax.random.permutation(rkey, n)
    mask_idx = perm[:num_mask]
    mvec = jnp.zeros((n,), jnp.float32).at[mask_idx].set(1.0)
    w = jax.random.normal(jax.random.fold_in(rkey, 1), (x.shape[1], d),
                          dtype=jnp.float32) * 0.01
    wt = w.T

    nchunk = -(-e // (_NW * _CH))
    tot = _NW * nchunk * _CH
    junk = jnp.int32(n)
    row = edge_index[0].astype(jnp.int32)
    col = edge_index[1].astype(jnp.int32)
    pad = tot - e
    rc = jnp.stack([
        jnp.concatenate([row, jnp.full((pad,), junk)]),
        jnp.concatenate([col, jnp.full((pad,), junk)]),
    ])
    idx_p = rc.reshape(2, _NW, nchunk, _CH).transpose(1, 2, 0, 3)
    emb_pad = jnp.concatenate([embed, jnp.zeros((16, d), jnp.float32)], axis=0)

    mesh = plsc.VectorSubcoreMesh(core_axis_name="c", subcore_axis_name="s")
    sc_fn = pl.kernel(
        functools.partial(_sc_body, nchunk, d),
        out_type=[
            jax.ShapeDtypeStruct((_NC * _ACC, d), jnp.float32),
            jax.ShapeDtypeStruct((_NC, 2, _ACC), jnp.float32),
        ],
        mesh=mesh,
        scratch_types=[
            pltpu.VMEM((2, _CH), jnp.int32),
            pltpu.VMEM((_CH, d), jnp.float32),
            pltpu.VMEM((16, d), jnp.float32),
            pltpu.VMEM((_CH,), jnp.float32),
            pltpu.VMEM((_RPT,), jnp.float32),
            pltpu.VMEM_SHARED((_ACC, d), jnp.float32),
            pltpu.VMEM_SHARED((_ACC,), jnp.float32),
            pltpu.VMEM_SHARED((_ACC,), jnp.float32),
        ],
    )
    acc_out, deg_out = sc_fn(idx_p, emb_pad)

    out = pl.pallas_call(
        functools.partial(_tc_body, num_mask, e),
        out_shape=jax.ShapeDtypeStruct((1, 1), jnp.float32),
    )(embed, acc_out.reshape(_NC, _ACC, d)[:, :n, :], deg_out[:, :, :n],
      mvec, wt)
    return out[0, 0]

# --- scband reference (transcript-rebuilt; emitter-appended) ---
"""Pipeline reference for scband-graph-prob-contrast-loss-63316407878049 (READ-ONLY COPY).

The authoritative reference and input builder live on the scoring server;
editing this copy changes nothing except your own understanding.
"""

import jax, jax.numpy as jnp
import numpy as np

MASK_RATIO = 0.5
RECON_WEIGHT = 1.0
NEIGH_WEIGHT = 0.5
DETACH_EMBED = True


def setup_inputs(seed: int = 0) -> dict:
    key = jax.random.key(seed)
    k1, k2, k3 = jax.random.split(key, 3)
    x = jax.random.normal(k1, (10000, 128), dtype=jnp.float32)
    edge_index = jax.random.randint(k2, (2, 320000), 0, 10000, dtype=jnp.int64)
    embed = jax.random.normal(k3, (10000, 128), dtype=jnp.float32)
    return {"x": x, "edge_index": edge_index, "embed": embed}


def reference(x, edge_index, embed):
    num_nodes, feat_dim = x.shape
    embed_dim = embed.shape[1]
    num_mask = max(1, int(MASK_RATIO * num_nodes))
    # torch.randperm -> deterministic jax permutation (fixed key stands in for runtime RNG)
    rkey = jax.random.key(42)
    perm = jax.random.permutation(rkey, num_nodes)
    mask_idx = perm[:num_mask]
    x_masked = x[mask_idx]  # computed as in torch, unused downstream
    h_masked = embed[mask_idx]
    if DETACH_EMBED:
        h_masked = jax.lax.stop_gradient(h_masked)
    # torch.randn(feat_dim, embed_dim) * 0.01, F.linear -> h @ W.T
    W = jax.random.normal(jax.random.fold_in(rkey, 1), (feat_dim, embed_dim), dtype=jnp.float32) * 0.01
    recon = h_masked @ W.T
    row = edge_index[0]
    col = edge_index[1]
    deg = jnp.clip(jnp.bincount(row, length=num_nodes).astype(jnp.float32), 1.0, None)
    neigh_sum = jnp.zeros_like(embed).at[row].add(embed[col])
    neigh_mean = neigh_sum / deg[:, None]
    nm_masked = neigh_mean[mask_idx]
    if embed_dim >= feat_dim:
        recon_pred = nm_masked[:, :feat_dim]
    else:
        recon_pred = jnp.pad(nm_masked, ((0, 0), (0, feat_dim - embed_dim)))
    recon_loss = jnp.mean((recon - recon_pred) ** 2)
    diff = embed[row] - embed[col]
    neigh_loss = jnp.mean(jnp.sum(diff ** 2, axis=-1))
    return RECON_WEIGHT * recon_loss + NEIGH_WEIGHT * neigh_loss

if __name__ == "__main__":
    import jax
    _d = setup_inputs()
    print(jax.jit(kernel)(*tuple(_d.values())))

</pallas_src>

<mosaic_0001>
#map = affine_map<(d0, d1) -> (0, 0, 0, 0)>
#map1 = affine_map<(d0, d1) -> (0, 0)>
#map2 = affine_map<(d0, d1) -> (0, 0, 0)>
module attributes {stable_mosaic.version = 14 : i64} {
  func.func @_sc_body(%arg0: i32, %arg1: i32, %arg2: memref<32x79x2x128xi32, #tpu.memory_space<hbm>>, %arg3: memref<10016x128xf32, #tpu.memory_space<hbm>>, %arg4: memref<20480x128xf32, #tpu.memory_space<hbm>>, %arg5: memref<2x2x10240xf32, #tpu.memory_space<hbm>>, %arg6: memref<2x128xi32, #tpu.memory_space<vmem>>, %arg7: memref<128x128xf32, #tpu.memory_space<vmem>>, %arg8: memref<16x128xf32, #tpu.memory_space<vmem>>, %arg9: memref<128xf32, #tpu.memory_space<vmem>>, %arg10: memref<640xf32, #tpu.memory_space<vmem>>, %arg11: memref<10240x128xf32, #tpu.memory_space<vmem_shared>>, %arg12: memref<10240xf32, #tpu.memory_space<vmem_shared>>, %arg13: memref<10240xf32, #tpu.memory_space<vmem_shared>>) attributes {dimension_semantics = [#tpu.dimension_semantics<core_parallel>, #tpu.dimension_semantics<subcore_parallel>], iteration_bounds = array<i64: 2, 16>, scalar_prefetch = 0 : i64, scratch_operands = 8 : i64, tpu.core_type = #tpu.core_type<sc_vector_subcore>, window_params = [{transform_indices = #map}, {transform_indices = #map1}, {transform_indices = #map1}, {transform_indices = #map2}]} {
    %mul3A = arith.constant 16 : i32
    %mul3A_0 = arith.muli %arg0, %mul3A : i32
    %add3A = arith.addi %mul3A_0, %arg1 : i32
    %broadcast_in_dim3A = arith.constant 0.000000e+00 : f32
    %broadcast_in_dim3A_1 = vector.broadcast %broadcast_in_dim3A : f32 to vector<16xf32>
    %broadcast_in_dim3A_2 = arith.constant 1.000000e+00 : f32
    %broadcast_in_dim3A_3 = vector.broadcast %broadcast_in_dim3A_2 : f32 to vector<16xf32>
    %swap3A = arith.constant 0 : i32
    %swap3A_4 = arith.index_cast %swap3A : i32 to index
    %swap3A_5 = arith.constant 0 : index
    %swap3A_6 = tpu.vector_load %arg8[%swap3A_4, %swap3A_5] {strides = array<i32>} : memref<16x128xf32, #tpu.memory_space<vmem>>, vector<1x16xf32>,
    %swap3A_7 = vector.shape_cast %swap3A_6 : vector<1x16xf32> to vector<16xf32>
    %swap3A_8 = vector.shape_cast %broadcast_in_dim3A_1 : vector<16xf32> to vector<1x16xf32>
    tpu.vector_store %arg8[%swap3A_4, %swap3A_5], %swap3A_8 {strides = array<i32>} : memref<16x128xf32, #tpu.memory_space<vmem>>, vector<1x16xf32>,
    %swap3A_9 = arith.constant 0 : i32
    %swap3A_10 = arith.index_cast %swap3A_9 : i32 to index
    %swap3A_11 = arith.constant 16 : index
    %swap3A_12 = tpu.vector_load %arg8[%swap3A_10, %swap3A_11] {strides = array<i32>} : memref<16x128xf32, #tpu.memory_space<vmem>>, vector<1x16xf32>,
    %swap3A_13 = vector.shape_cast %swap3A_12 : vector<1x16xf32> to vector<16xf32>
    %swap3A_14 = vector.shape_cast %broadcast_in_dim3A_1 : vector<16xf32> to vector<1x16xf32>
    tpu.vector_store %arg8[%swap3A_10, %swap3A_11], %swap3A_14 {strides = array<i32>} : memref<16x128xf32, #tpu.memory_space<vmem>>, vector<1x16xf32>,
    %swap3A_15 = arith.constant 0 : i32
    %swap3A_16 = arith.index_cast %swap3A_15 : i32 to index
    %swap3A_17 = arith.constant 32 : index
    %swap3A_18 = tpu.vector_load %arg8[%swap3A_16, %swap3A_17] {strides = array<i32>} : memref<16x128xf32, #tpu.memory_space<vmem>>, vector<1x16xf32>,
    %swap3A_19 = vector.shape_cast %swap3A_18 : vector<1x16xf32> to vector<16xf32>
    %swap3A_20 = vector.shape_cast %broadcast_in_dim3A_1 : vector<16xf32> to vector<1x16xf32>
    tpu.vector_store %arg8[%swap3A_16, %swap3A_17], %swap3A_20 {strides = array<i32>} : memref<16x128xf32, #tpu.memory_space<vmem>>, vector<1x16xf32>,
    %swap3A_21 = arith.constant 0 : i32
    %swap3A_22 = arith.index_cast %swap3A_21 : i32 to index
    %swap3A_23 = arith.constant 48 : index
    %swap3A_24 = tpu.vector_load %arg8[%swap3A_22, %swap3A_23] {strides = array<i32>} : memref<16x128xf32, #tpu.memory_space<vmem>>, vector<1x16xf32>,
    %swap3A_25 = vector.shape_cast %swap3A_24 : vector<1x16xf32> to vector<16xf32>
    %swap3A_26 = vector.shape_cast %broadcast_in_dim3A_1 : vector<16xf32> to vector<1x16xf32>
    tpu.vector_store %arg8[%swap3A_22, %swap3A_23], %swap3A_26 {strides = array<i32>} : memref<16x128xf32, #tpu.memory_space<vmem>>, vector<1x16xf32>,
    %swap3A_27 = arith.constant 0 : i32
    %swap3A_28 = arith.index_cast %swap3A_27 : i32 to index
    %swap3A_29 = arith.constant 64 : index
    %swap3A_30 = tpu.vector_load %arg8[%swap3A_28, %swap3A_29] {strides = array<i32>} : memref<16x128xf32, #tpu.memory_space<vmem>>, vector<1x16xf32>,
    %swap3A_31 = vector.shape_cast %swap3A_30 : vector<1x16xf32> to vector<16xf32>
    %swap3A_32 = vector.shape_cast %broadcast_in_dim3A_1 : vector<16xf32> to vector<1x16xf32>
    tpu.vector_store %arg8[%swap3A_28, %swap3A_29], %swap3A_32 {strides = array<i32>} : memref<16x128xf32, #tpu.memory_space<vmem>>, vector<1x16xf32>,
    %swap3A_33 = arith.constant 0 : i32
    %swap3A_34 = arith.index_cast %swap3A_33 : i32 to index
    %swap3A_35 = arith.constant 80 : index
    %swap3A_36 = tpu.vector_load %arg8[%swap3A_34, %swap3A_35] {strides = array<i32>} : memref<16x128xf32, #tpu.memory_space<vmem>>, vector<1x16xf32>,
    %swap3A_37 = vector.shape_cast %swap3A_36 : vector<1x16xf32> to vector<16xf32>
    %swap3A_38 = vector.shape_cast %broadcast_in_dim3A_1 : vector<16xf32> to vector<1x16xf32>
    tpu.vector_store %arg8[%swap3A_34, %swap3A_35], %swap3A_38 {strides = array<i32>} : memref<16x128xf32, #tpu.memory_space<vmem>>, vector<1x16xf32>,
    %swap3A_39 = arith.constant 0 : i32
    %swap3A_40 = arith.index_cast %swap3A_39 : i32 to index
    %swap3A_41 = arith.constant 96 : index
    %swap3A_42 = tpu.vector_load %arg8[%swap3A_40, %swap3A_41] {strides = array<i32>} : memref<16x128xf32, #tpu.memory_space<vmem>>, vector<1x16xf32>,
    %swap3A_43 = vector.shape_cast %swap3A_42 : vector<1x16xf32> to vector<16xf32>
    %swap3A_44 = vector.shape_cast %broadcast_in_dim3A_1 : vector<16xf32> to vector<1x16xf32>
    tpu.vector_store %arg8[%swap3A_40, %swap3A_41], %swap3A_44 {strides = array<i32>} : memref<16x128xf32, #tpu.memory_space<vmem>>, vector<1x16xf32>,
    %swap3A_45 = arith.constant 0 : i32
    %swap3A_46 = arith.index_cast %swap3A_45 : i32 to index
    %swap3A_47 = arith.constant 112 : index
    %swap3A_48 = tpu.vector_load %arg8[%swap3A_46, %swap3A_47] {strides = array<i32>} : memref<16x128xf32, #tpu.memory_space<vmem>>, vector<1x16xf32>,
    %swap3A_49 = vector.shape_cast %swap3A_48 : vector<1x16xf32> to vector<16xf32>
    %swap3A_50 = vector.shape_cast %broadcast_in_dim3A_1 : vector<16xf32> to vector<1x16xf32>
    tpu.vector_store %arg8[%swap3A_46, %swap3A_47], %swap3A_50 {strides = array<i32>} : memref<16x128xf32, #tpu.memory_space<vmem>>, vector<1x16xf32>,
    %swap3A_51 = arith.constant 1 : i32
    %swap3A_52 = arith.index_cast %swap3A_51 : i32 to index
    %swap3A_53 = arith.constant 0 : index
    %swap3A_54 = tpu.vector_load %arg8[%swap3A_52, %swap3A_53] {strides = array<i32>} : memref<16x128xf32, #tpu.memory_space<vmem>>, vector<1x16xf32>,
    %swap3A_55 = vector.shape_cast %swap3A_54 : vector<1x16xf32> to vector<16xf32>
    %swap3A_56 = vector.shape_cast %broadcast_in_dim3A_1 : vector<16xf32> to vector<1x16xf32>
    tpu.vector_store %arg8[%swap3A_52, %swap3A_53], %swap3A_56 {strides = array<i32>} : memref<16x128xf32, #tpu.memory_space<vmem>>, vector<1x16xf32>,
    %swap3A_57 = arith.constant 1 : i32
    %swap3A_58 = arith.index_cast %swap3A_57 : i32 to index
    %swap3A_59 = arith.constant 16 : index
    %swap3A_60 = tpu.vector_load %arg8[%swap3A_58, %swap3A_59] {strides = array<i32>} : memref<16x128xf32, #tpu.memory_space<vmem>>, vector<1x16xf32>,
    %swap3A_61 = vector.shape_cast %swap3A_60 : vector<1x16xf32> to vector<16xf32>
    %swap3A_62 = vector.shape_cast %broadcast_in_dim3A_1 : vector<16xf32> to vector<1x16xf32>
    tpu.vector_store %arg8[%swap3A_58, %swap3A_59], %swap3A_62 {strides = array<i32>} : memref<16x128xf32, #tpu.memory_space<vmem>>, vector<1x16xf32>,
    %swap3A_63 = arith.constant 1 : i32
    %swap3A_64 = arith.index_cast %swap3A_63 : i32 to index
    %swap3A_65 = arith.constant 32 : index
    %swap3A_66 = tpu.vector_load %arg8[%swap3A_64, %swap3A_65] {strides = array<i32>} : memref<16x128xf32, #tpu.memory_space<vmem>>, vector<1x16xf32>,
    %swap3A_67 = vector.shape_cast %swap3A_66 : vector<1x16xf32> to vector<16xf32>
    %swap3A_68 = vector.shape_cast %broadcast_in_dim3A_1 : vector<16xf32> to vector<1x16xf32>
    tpu.vector_store %arg8[%swap3A_64, %swap3A_65], %swap3A_68 {strides = array<i32>} : memref<16x128xf32, #tpu.memory_space<vmem>>, vector<1x16xf32>,
    %swap3A_69 = arith.constant 1 : i32
    %swap3A_70 = arith.index_cast %swap3A_69 : i32 to index
    %swap3A_71 = arith.constant 48 : index
    %swap3A_72 = tpu.vector_load %arg8[%swap3A_70, %swap3A_71] {strides = array<i32>} : memref<16x128xf32, #tpu.memory_space<vmem>>, vector<1x16xf32>,
    %swap3A_73 = vector.shape_cast %swap3A_72 : vector<1x16xf32> to vector<16xf32>
    %swap3A_74 = vector.shape_cast %broadcast_in_dim3A_1 : vector<16xf32> to vector<1x16xf32>
    tpu.vector_store %arg8[%swap3A_70, %swap3A_71], %swap3A_74 {strides = array<i32>} : memref<16x128xf32, #tpu.memory_space<vmem>>, vector<1x16xf32>,
    %swap3A_75 = arith.constant 1 : i32
    %swap3A_76 = arith.index_cast %swap3A_75 : i32 to index
    %swap3A_77 = arith.constant 64 : index
    %swap3A_78 = tpu.vector_load %arg8[%swap3A_76, %swap3A_77] {strides = array<i32>} : memref<16x128xf32, #tpu.memory_space<vmem>>, vector<1x16xf32>,
    %swap3A_79 = vector.shape_cast %swap3A_78 : vector<1x16xf32> to vector<16xf32>
    %swap3A_80 = vector.shape_cast %broadcast_in_dim3A_1 : vector<16xf32> to vector<1x16xf32>
    tpu.vector_store %arg8[%swap3A_76, %swap3A_77], %swap3A_80 {strides = array<i32>} : memref<16x128xf32, #tpu.memory_space<vmem>>, vector<1x16xf32>,
    %swap3A_81 = arith.constant 1 : i32
    %swap3A_82 = arith.index_cast %swap3A_81 : i32 to index
    %swap3A_83 = arith.constant 80 : index
    %swap3A_84 = tpu.vector_load %arg8[%swap3A_82, %swap3A_83] {strides = array<i32>} : memref<16x128xf32, #tpu.memory_space<vmem>>, vector<1x16xf32>,
    %swap3A_85 = vector.shape_cast %swap3A_84 : vector<1x16xf32> to vector<16xf32>
    %swap3A_86 = vector.shape_cast %broadcast_in_dim3A_1 : vector<16xf32> to vector<1x16xf32>
    tpu.vector_store %arg8[%swap3A_82, %swap3A_83], %swap3A_86 {strides = array<i32>} : memref<16x128xf32, #tpu.memory_space<vmem>>, vector<1x16xf32>,
    %swap3A_87 = arith.constant 1 : i32
    %swap3A_88 = arith.index_cast %swap3A_87 : i32 to index
    %swap3A_89 = arith.constant 96 : index
    %swap3A_90 = tpu.vector_load %arg8[%swap3A_88, %swap3A_89] {strides = array<i32>} : memref<16x128xf32, #tpu.memory_space<vmem>>, vector<1x16xf32>,
    %swap3A_91 = vector.shape_cast %swap3A_90 : vector<1x16xf32> to vector<16xf32>
    %swap3A_92 = vector.shape_cast %broadcast_in_dim3A_1 : vector<16xf32> to vector<1x16xf32>
    tpu.vector_store %arg8[%swap3A_88, %swap3A_89], %swap3A_92 {strides = array<i32>} : memref<16x128xf32, #tpu.memory_space<vmem>>, vector<1x16xf32>,
    %swap3A_93 = arith.constant 1 : i32
    %swap3A_94 = arith.index_cast %swap3A_93 : i32 to index
    %swap3A_95 = arith.constant 112 : index
    %swap3A_96 = tpu.vector_load %arg8[%swap3A_94, %swap3A_95] {strides = array<i32>} : memref<16x128xf32, #tpu.memory_space<vmem>>, vector<1x16xf32>,
    %swap3A_97 = vector.shape_cast %swap3A_96 : vector<1x16xf32> to vector<16xf32>
    %swap3A_98 = vector.shape_cast %broadcast_in_dim3A_1 : vector<16xf32> to vector<1x16xf32>
    tpu.vector_store %arg8[%swap3A_94, %swap3A_95], %swap3A_98 {strides = array<i32>} : memref<16x128xf32, #tpu.memory_space<vmem>>, vector<1x16xf32>,
    %swap3A_99 = arith.constant 2 : i32
    %swap3A_100 = arith.index_cast %swap3A_99 : i32 to index
    %swap3A_101 = arith.constant 0 : index
    %swap3A_102 = tpu.vector_load %arg8[%swap3A_100, %swap3A_101] {strides = array<i32>} : memref<16x128xf32, #tpu.memory_space<vmem>>, vector<1x16xf32>,
    %swap3A_103 = vector.shape_cast %swap3A_102 : vector<1x16xf32> to vector<16xf32>
    %swap3A_104 = vector.shape_cast %broadcast_in_dim3A_1 : vector<16xf32> to vector<1x16xf32>
    tpu.vector_store %arg8[%swap3A_100, %swap3A_101], %swap3A_104 {strides = array<i32>} : memref<16x128xf32, #tpu.memory_space<vmem>>, vector<1x16xf32>,
    %swap3A_105 = arith.constant 2 : i32
    %swap3A_106 = arith.index_cast %swap3A_105 : i32 to index
    %swap3A_107 = arith.constant 16 : index
    %swap3A_108 = tpu.vector_load %arg8[%swap3A_106, %swap3A_107] {strides = array<i32>} : memref<16x128xf32, #tpu.memory_space<vmem>>, vector<1x16xf32>,
    %swap3A_109 = vector.shape_cast %swap3A_108 : vector<1x16xf32> to vector<16xf32>
    %swap3A_110 = vector.shape_cast %broadcast_in_dim3A_1 : vector<16xf32> to vector<1x16xf32>
    tpu.vector_store %arg8[%swap3A_106, %swap3A_107], %swap3A_110 {strides = array<i32>} : memref<16x128xf32, #tpu.memory_space<vmem>>, vector<1x16xf32>,
    %swap3A_111 = arith.constant 2 : i32
    %swap3A_112 = arith.index_cast %swap3A_111 : i32 to index
    %swap3A_113 = arith.constant 32 : index
    %swap3A_114 = tpu.vector_load %arg8[%swap3A_112, %swap3A_113] {strides = array<i32>} : memref<16x128xf32, #tpu.memory_space<vmem>>, vector<1x16xf32>,
    %swap3A_115 = vector.shape_cast %swap3A_114 : vector<1x16xf32> to vector<16xf32>
    %swap3A_116 = vector.shape_cast %broadcast_in_dim3A_1 : vector<16xf32> to vector<1x16xf32>
    tpu.vector_store %arg8[%swap3A_112, %swap3A_113], %swap3A_116 {strides = array<i32>} : memref<16x128xf32, #tpu.memory_space<vmem>>, vector<1x16xf32>,
    %swap3A_117 = arith.constant 2 : i32
    %swap3A_118 = arith.index_cast %swap3A_117 : i32 to index
    %swap3A_119 = arith.constant 48 : index
    %swap3A_120 = tpu.vector_load %arg8[%swap3A_118, %swap3A_119] {strides = array<i32>} : memref<16x128xf32, #tpu.memory_space<vmem>>, vector<1x16xf32>,
    %swap3A_121 = vector.shape_cast %swap3A_120 : vector<1x16xf32> to vector<16xf32>
    %swap3A_122 = vector.shape_cast %broadcast_in_dim3A_1 : vector<16xf32> to vector<1x16xf32>
    tpu.vector_store %arg8[%swap3A_118, %swap3A_119], %swap3A_122 {strides = array<i32>} : memref<16x128xf32, #tpu.memory_space<vmem>>, vector<1x16xf32>,
    %swap3A_123 = arith.constant 2 : i32
    %swap3A_124 = arith.index_cast %swap3A_123 : i32 to index
    %swap3A_125 = arith.constant 64 : index
    %swap3A_126 = tpu.vector_load %arg8[%swap3A_124, %swap3A_125] {strides = array<i32>} : memref<16x128xf32, #tpu.memory_space<vmem>>, vector<1x16xf32>,
    %swap3A_127 = vector.shape_cast %swap3A_126 : vector<1x16xf32> to vector<16xf32>
    %swap3A_128 = vector.shape_cast %broadcast_in_dim3A_1 : vector<16xf32> to vector<1x16xf32>
    tpu.vector_store %arg8[%swap3A_124, %swap3A_125], %swap3A_128 {strides = array<i32>} : memref<16x128xf32, #tpu.memory_space<vmem>>, vector<1x16xf32>,
    %swap3A_129 = arith.constant 2 : i32
    %swap3A_130 = arith.index_cast %swap3A_129 : i32 to index
    %swap3A_131 = arith.constant 80 : index
    %swap3A_132 = tpu.vector_load %arg8[%swap3A_130, %swap3A_131] {strides = array<i32>} : memref<16x128xf32, #tpu.memory_space<vmem>>, vector<1x16xf32>,
    %swap3A_133 = vector.shape_cast %swap3A_132 : vector<1x16xf32> to vector<16xf32>
    %swap3A_134 = vector.shape_cast %broadcast_in_dim3A_1 : vector<16xf32> to vector<1x16xf32>
    tpu.vector_store %arg8[%swap3A_130, %swap3A_131], %swap3A_134 {strides = array<i32>} : memref<16x128xf32, #tpu.memory_space<vmem>>, vector<1x16xf32>,
    %swap3A_135 = arith.constant 2 : i32
    %swap3A_136 = arith.index_cast %swap3A_135 : i32 to index
    %swap3A_137 = arith.constant 96 : index
    %swap3A_138 = tpu.vector_load %arg8[%swap3A_136, %swap3A_137] {strides = array<i32>} : memref<16x128xf32, #tpu.memory_space<vmem>>, vector<1x16xf32>,
    %swap3A_139 = vector.shape_cast %swap3A_138 : vector<1x16xf32> to vector<16xf32>
    %swap3A_140 = vector.shape_cast %broadcast_in_dim3A_1 : vector<16xf32> to vector<1x16xf32>
    tpu.vector_store %arg8[%swap3A_136, %swap3A_137], %swap3A_140 {strides = array<i32>} : memref<16x128xf32, #tpu.memory_space<vmem>>, vector<1x16xf32>,
    %swap3A_141 = arith.constant 2 : i32
    %swap3A_142 = arith.index_cast %swap3A_141 : i32 to index
    %swap3A_143 = arith.constant 112 : index
    %swap3A_144 = tpu.vector_load %arg8[%swap3A_142, %swap3A_143] {strides = array<i32>} : memref<16x128xf32, #tpu.memory_space<vmem>>, vector<1x16xf32>,
    %swap3A_145 = vector.shape_cast %swap3A_144 : vector<1x16xf32> to vector<16xf32>
    %swap3A_146 = vector.shape_cast %broadcast_in_dim3A_1 : vector<16xf32> to vector<1x16xf32>
    tpu.vector_store %arg8[%swap3A_142, %swap3A_143], %swap3A_146 {strides = array<i32>} : memref<16x128xf32, #tpu.memory_space<vmem>>, vector<1x16xf32>,
    %swap3A_147 = arith.constant 3 : i32
    %swap3A_148 = arith.index_cast %swap3A_147 : i32 to index
    %swap3A_149 = arith.constant 0 : index
    %swap3A_150 = tpu.vector_load %arg8[%swap3A_148, %swap3A_149] {strides = array<i32>} : memref<16x128xf32, #tpu.memory_space<vmem>>, vector<1x16xf32>,
    %swap3A_151 = vector.shape_cast %swap3A_150 : vector<1x16xf32> to vector<16xf32>
    %swap3A_152 = vector.shape_cast %broadcast_in_dim3A_1 : vector<16xf32> to vector<1x16xf32>
    tpu.vector_store %arg8[%swap3A_148, %swap3A_149], %swap3A_152 {strides = array<i32>} : memref<16x128xf32, #tpu.memory_space<vmem>>, vector<1x16xf32>,
    %swap3A_153 = arith.constant 3 : i32
    %swap3A_154 = arith.index_cast %swap3A_153 : i32 to index
    %swap3A_155 = arith.constant 16 : index
    %swap3A_156 = tpu.vector_load %arg8[%swap3A_154, %swap3A_155] {strides = array<i32>} : memref<16x128xf32, #tpu.memory_space<vmem>>, vector<1x16xf32>,
    %swap3A_157 = vector.shape_cast %swap3A_156 : vector<1x16xf32> to vector<16xf32>
    %swap3A_158 = vector.shape_cast %broadcast_in_dim3A_1 : vector<16xf32> to vector<1x16xf32>
    tpu.vector_store %arg8[%swap3A_154, %swap3A_155], %swap3A_158 {strides = array<i32>} : memref<16x128xf32, #tpu.memory_space<vmem>>, vector<1x16xf32>,
    %swap3A_159 = arith.constant 3 : i32
    %swap3A_160 = arith.index_cast %swap3A_159 : i32 to index
    %swap3A_161 = arith.constant 32 : index
    %swap3A_162 = tpu.vector_load %arg8[%swap3A_160, %swap3A_161] {strides = array<i32>} : memref<16x128xf32, #tpu.memory_space<vmem>>, vector<1x16xf32>,
    %swap3A_163 = vector.shape_cast %swap3A_162 : vector<1x16xf32> to vector<16xf32>
    %swap3A_164 = vector.shape_cast %broadcast_in_dim3A_1 : vector<16xf32> to vector<1x16xf32>
    tpu.vector_store %arg8[%swap3A_160, %swap3A_161], %swap3A_164 {strides = array<i32>} : memref<16x128xf32, #tpu.memory_space<vmem>>, vector<1x16xf32>,
    %swap3A_165 = arith.constant 3 : i32
    %swap3A_166 = arith.index_cast %swap3A_165 : i32 to index
    %swap3A_167 = arith.constant 48 : index
    %swap3A_168 = tpu.vector_load %arg8[%swap3A_166, %swap3A_167] {strides = array<i32>} : memref<16x128xf32, #tpu.memory_space<vmem>>, vector<1x16xf32>,
    %swap3A_169 = vector.shape_cast %swap3A_168 : vector<1x16xf32> to vector<16xf32>
    %swap3A_170 = vector.shape_cast %broadcast_in_dim3A_1 : vector<16xf32> to vector<1x16xf32>
    tpu.vector_store %arg8[%swap3A_166, %swap3A_167], %swap3A_170 {strides = array<i32>} : memref<16x128xf32, #tpu.memory_space<vmem>>, vector<1x16xf32>,
    %swap3A_171 = arith.constant 3 : i32
    %swap3A_172 = arith.index_cast %swap3A_171 : i32 to index
    %swap3A_173 = arith.constant 64 : index
    %swap3A_174 = tpu.vector_load %arg8[%swap3A_172, %swap3A_173] {strides = array<i32>} : memref<16x128xf32, #tpu.memory_space<vmem>>, vector<1x16xf32>,
    %swap3A_175 = vector.shape_cast %swap3A_174 : vector<1x16xf32> to vector<16xf32>
    %swap3A_176 = vector.shape_cast %broadcast_in_dim3A_1 : vector<16xf32> to vector<1x16xf32>
    tpu.vector_store %arg8[%swap3A_172, %swap3A_173], %swap3A_176 {strides = array<i32>} : memref<16x128xf32, #tpu.memory_space<vmem>>, vector<1x16xf32>,
    %swap3A_177 = arith.constant 3 : i32
    %swap3A_178 = arith.index_cast %swap3A_177 : i32 to index
    %swap3A_179 = arith.constant 80 : index
    %swap3A_180 = tpu.vector_load %arg8[%swap3A_178, %swap3A_179] {strides = array<i32>} : memref<16x128xf32, #tpu.memory_space<vmem>>, vector<1x16xf32>,
    %swap3A_181 = vector.shape_cast %swap3A_180 : vector<1x16xf32> to vector<16xf32>
    %swap3A_182 = vector.shape_cast %broadcast_in_dim3A_1 : vector<16xf32> to vector<1x16xf32>
    tpu.vector_store %arg8[%swap3A_178, %swap3A_179], %swap3A_182 {strides = array<i32>} : memref<16x128xf32, #tpu.memory_space<vmem>>, vector<1x16xf32>,
    %swap3A_183 = arith.constant 3 : i32
    %swap3A_184 = arith.index_cast %swap3A_183 : i32 to index
    %swap3A_185 = arith.constant 96 : index
    %swap3A_186 = tpu.vector_load %arg8[%swap3A_184, %swap3A_185] {strides = array<i32>} : memref<16x128xf32, #tpu.memory_space<vmem>>, vector<1x16xf32>,
    %swap3A_187 = vector.shape_cast %swap3A_186 : vector<1x16xf32> to vector<16xf32>
    %swap3A_188 = vector.shape_cast %broadcast_in_dim3A_1 : vector<16xf32> to vector<1x16xf32>
    tpu.vector_store %arg8[%swap3A_184, %swap3A_185], %swap3A_188 {strides = array<i32>} : memref<16x128xf32, #tpu.memory_space<vmem>>, vector<1x16xf32>,
    %swap3A_189 = arith.constant 3 : i32
    %swap3A_190 = arith.index_cast %swap3A_189 : i32 to index
    %swap3A_191 = arith.constant 112 : index
    %swap3A_192 = tpu.vector_load %arg8[%swap3A_190, %swap3A_191] {strides = array<i32>} : memref<16x128xf32, #tpu.memory_space<vmem>>, vector<1x16xf32>,
    %swap3A_193 = vector.shape_cast %swap3A_192 : vector<1x16xf32> to vector<16xf32>
    %swap3A_194 = vector.shape_cast %broadcast_in_dim3A_1 : vector<16xf32> to vector<1x16xf32>
    tpu.vector_store %arg8[%swap3A_190, %swap3A_191], %swap3A_194 {strides = array<i32>} : memref<16x128xf32, #tpu.memory_space<vmem>>, vector<1x16xf32>,
    %swap3A_195 = arith.constant 4 : i32
    %swap3A_196 = arith.index_cast %swap3A_195 : i32 to index
    %swap3A_197 = arith.constant 0 : index
    %swap3A_198 = tpu.vector_load %arg8[%swap3A_196, %swap3A_197] {strides = array<i32>} : memref<16x128xf32, #tpu.memory_space<vmem>>, vector<1x16xf32>,
    %swap3A_199 = vector.shape_cast %swap3A_198 : vector<1x16xf32> to vector<16xf32>
    %swap3A_200 = vector.shape_cast %broadcast_in_dim3A_1 : vector<16xf32> to vector<1x16xf32>
    tpu.vector_store %arg8[%swap3A_196, %swap3A_197], %swap3A_200 {strides = array<i32>} : memref<16x128xf32, #tpu.memory_space<vmem>>, vector<1x16xf32>,
    %swap3A_201 = arith.constant 4 : i32
    %swap3A_202 = arith.index_cast %swap3A_201 : i32 to index
    %swap3A_203 = arith.constant 16 : index
    %swap3A_204 = tpu.vector_load %arg8[%swap3A_202, %swap3A_203] {strides = array<i32>} : memref<16x128xf32, #tpu.memory_space<vmem>>, vector<1x16xf32>,
    %swap3A_205 = vector.shape_cast %swap3A_204 : vector<1x16xf32> to vector<16xf32>
    %swap3A_206 = vector.shape_cast %broadcast_in_dim3A_1 : vector<16xf32> to vector<1x16xf32>
    tpu.vector_store %arg8[%swap3A_202, %swap3A_203], %swap3A_206 {strides = array<i32>} : memref<16x128xf32, #tpu.memory_space<vmem>>, vector<1x16xf32>,
    %swap3A_207 = arith.constant 4 : i32
    %swap3A_208 = arith.index_cast %swap3A_207 : i32 to index
    %swap3A_209 = arith.constant 32 : index
    %swap3A_210 = tpu.vector_load %arg8[%swap3A_208, %swap3A_209] {strides = array<i32>} : memref<16x128xf32, #tpu.memory_space<vmem>>, vector<1x16xf32>,
    %swap3A_211 = vector.shape_cast %swap3A_210 : vector<1x16xf32> to vector<16xf32>
    %swap3A_212 = vector.shape_cast %broadcast_in_dim3A_1 : vector<16xf32> to vector<1x16xf32>
    tpu.vector_store %arg8[%swap3A_208, %swap3A_209], %swap3A_212 {strides = array<i32>} : memref<16x128xf32, #tpu.memory_space<vmem>>, vector<1x16xf32>,
    %swap3A_213 = arith.constant 4 : i32
    %swap3A_214 = arith.index_cast %swap3A_213 : i32 to index
    %swap3A_215 = arith.constant 48 : index
    %swap3A_216 = tpu.vector_load %arg8[%swap3A_214, %swap3A_215] {strides = array<i32>} : memref<16x128xf32, #tpu.memory_space<vmem>>, vector<1x16xf32>,
    %swap3A_217 = vector.shape_cast %swap3A_216 : vector<1x16xf32> to vector<16xf32>
    %swap3A_218 = vector.shape_cast %broadcast_in_dim3A_1 : vector<16xf32> to vector<1x16xf32>
    tpu.vector_store %arg8[%swap3A_214, %swap3A_215], %swap3A_218 {strides = array<i32>} : memref<16x128xf32, #tpu.memory_space<vmem>>, vector<1x16xf32>,
    %swap3A_219 = arith.constant 4 : i32
    %swap3A_220 = arith.index_cast %swap3A_219 : i32 to index
    %swap3A_221 = arith.constant 64 : index
    %swap3A_222 = tpu.vector_load %arg8[%swap3A_220, %swap3A_221] {strides = array<i32>} : memref<16x128xf32, #tpu.memory_space<vmem>>, vector<1x16xf32>,
    %swap3A_223 = vector.shape_cast %swap3A_222 : vector<1x16xf32> to vector<16xf32>
    %swap3A_224 = vector.shape_cast %broadcast_in_dim3A_1 : vector<16xf32> to vector<1x16xf32>
    tpu.vector_store %arg8[%swap3A_220, %swap3A_221], %swap3A_224 {strides = array<i32>} : memref<16x128xf32, #tpu.memory_space<vmem>>, vector<1x16xf32>,
    %swap3A_225 = arith.constant 4 : i32
    %swap3A_226 = arith.index_cast %swap3A_225 : i32 to index
    %swap3A_227 = arith.constant 80 : index
    %swap3A_228 = tpu.vector_load %arg8[%swap3A_226, %swap3A_227] {strides = array<i32>} : memref<16x128xf32, #tpu.memory_space<vmem>>, vector<1x16xf32>,
    %swap3A_229 = vector.shape_cast %swap3A_228 : vector<1x16xf32> to vector<16xf32>
    %swap3A_230 = vector.shape_cast %broadcast_in_dim3A_1 : vector<16xf32> to vector<1x16xf32>
    tpu.vector_store %arg8[%swap3A_226, %swap3A_227], %swap3A_230 {strides = array<i32>} : memref<16x128xf32, #tpu.memory_space<vmem>>, vector<1x16xf32>,
    %swap3A_231 = arith.constant 4 : i32
    %swap3A_232 = arith.index_cast %swap3A_231 : i32 to index
    %swap3A_233 = arith.constant 96 : index
    %swap3A_234 = tpu.vector_load %arg8[%swap3A_232, %swap3A_233] {strides = array<i32>} : memref<16x128xf32, #tpu.memory_space<vmem>>, vector<1x16xf32>,
    %swap3A_235 = vector.shape_cast %swap3A_234 : vector<1x16xf32> to vector<16xf32>
    %swap3A_236 = vector.shape_cast %broadcast_in_dim3A_1 : vector<16xf32> to vector<1x16xf32>
    tpu.vector_store %arg8[%swap3A_232, %swap3A_233], %swap3A_236 {strides = array<i32>} : memref<16x128xf32, #tpu.memory_space<vmem>>, vector<1x16xf32>,
    %swap3A_237 = arith.constant 4 : i32
    %swap3A_238 = arith.index_cast %swap3A_237 : i32 to index
    %swap3A_239 = arith.constant 112 : index
    %swap3A_240 = tpu.vector_load %arg8[%swap3A_238, %swap3A_239] {strides = array<i32>} : memref<16x128xf32, #tpu.memory_space<vmem>>, vector<1x16xf32>,
    %swap3A_241 = vector.shape_cast %swap3A_240 : vector<1x16xf32> to vector<16xf32>
    %swap3A_242 = vector.shape_cast %broadcast_in_dim3A_1 : vector<16xf32> to vector<1x16xf32>
    tpu.vector_store %arg8[%swap3A_238, %swap3A_239], %swap3A_242 {strides = array<i32>} : memref<16x128xf32, #tpu.memory_space<vmem>>, vector<1x16xf32>,
    %swap3A_243 = arith.constant 5 : i32
    %swap3A_244 = arith.index_cast %swap3A_243 : i32 to index
    %swap3A_245 = arith.constant 0 : index
    %swap3A_246 = tpu.vector_load %arg8[%swap3A_244, %swap3A_245] {strides = array<i32>} : memref<16x128xf32, #tpu.memory_space<vmem>>, vector<1x16xf32>,
    %swap3A_247 = vector.shape_cast %swap3A_246 : vector<1x16xf32> to vector<16xf32>
    %swap3A_248 = vector.shape_cast %broadcast_in_dim3A_1 : vector<16xf32> to vector<1x16xf32>
    tpu.vector_store %arg8[%swap3A_244, %swap3A_245], %swap3A_248 {strides = array<i32>} : memref<16x128xf32, #tpu.memory_space<vmem>>, vector<1x16xf32>,
    %swap3A_249 = arith.constant 5 : i32
    %swap3A_250 = arith.index_cast %swap3A_249 : i32 to index
    %swap3A_251 = arith.constant 16 : index
    %swap3A_252 = tpu.vector_load %arg8[%swap3A_250, %swap3A_251] {strides = array<i32>} : memref<16x128xf32, #tpu.memory_space<vmem>>, vector<1x16xf32>,
    %swap3A_253 = vector.shape_cast %swap3A_252 : vector<1x16xf32> to vector<16xf32>
    %swap3A_254 = vector.shape_cast %broadcast_in_dim3A_1 : vector<16xf32> to vector<1x16xf32>
    tpu.vector_store %arg8[%swap3A_250, %swap3A_251], %swap3A_254 {strides = array<i32>} : memref<16x128xf32, #tpu.memory_space<vmem>>, vector<1x16xf32>,
    %swap3A_255 = arith.constant 5 : i32
    %swap3A_256 = arith.index_cast %swap3A_255 : i32 to index
    %swap3A_257 = arith.constant 32 : index
    %swap3A_258 = tpu.vector_load %arg8[%swap3A_256, %swap3A_257] {strides = array<i32>} : memref<16x128xf32, #tpu.memory_space<vmem>>, vector<1x16xf32>,
    %swap3A_259 = vector.shape_cast %swap3A_258 : vector<1x16xf32> to vector<16xf32>
    %swap3A_260 = vector.shape_cast %broadcast_in_dim3A_1 : vector<16xf32> to vector<1x16xf32>
    tpu.vector_store %arg8[%swap3A_256, %swap3A_257], %swap3A_260 {strides = array<i32>} : memref<16x128xf32, #tpu.memory_space<vmem>>, vector<1x16xf32>,
    %swap3A_261 = arith.constant 5 : i32
    %swap3A_262 = arith.index_cast %swap3A_261 : i32 to index
    %swap3A_263 = arith.constant 48 : index
    %swap3A_264 = tpu.vector_load %arg8[%swap3A_262, %swap3A_263] {strides = array<i32>} : memref<16x128xf32, #tpu.memory_space<vmem>>, vector<1x16xf32>,
    %swap3A_265 = vector.shape_cast %swap3A_264 : vector<1x16xf32> to vector<16xf32>
    %swap3A_266 = vector.shape_cast %broadcast_in_dim3A_1 : vector<16xf32> to vector<1x16xf32>
    tpu.vector_store %arg8[%swap3A_262, %swap3A_263], %swap3A_266 {strides = array<i32>} : memref<16x128xf32, #tpu.memory_space<vmem>>, vector<1x16xf32>,
    %swap3A_267 = arith.constant 5 : i32
    %swap3A_268 = arith.index_cast %swap3A_267 : i32 to index
    %swap3A_269 = arith.constant 64 : index
    %swap3A_270 = tpu.vector_load %arg8[%swap3A_268, %swap3A_269] {strides = array<i32>} : memref<16x128xf32, #tpu.memory_space<vmem>>, vector<1x16xf32>,
    %swap3A_271 = vector.shape_cast %swap3A_270 : vector<1x16xf32> to vector<16xf32>
    %swap3A_272 = vector.shape_cast %broadcast_in_dim3A_1 : vector<16xf32> to vector<1x16xf32>
    tpu.vector_store %arg8[%swap3A_268, %swap3A_269], %swap3A_272 {strides = array<i32>} : memref<16x128xf32, #tpu.memory_space<vmem>>, vector<1x16xf32>,
    %swap3A_273 = arith.constant 5 : i32
    %swap3A_274 = arith.index_cast %swap3A_273 : i32 to index
    %swap3A_275 = arith.constant 80 : index
    %swap3A_276 = tpu.vector_load %arg8[%swap3A_274, %swap3A_275] {strides = array<i32>} : memref<16x128xf32, #tpu.memory_space<vmem>>, vector<1x16xf32>,
    %swap3A_277 = vector.shape_cast %swap3A_276 : vector<1x16xf32> to vector<16xf32>
    %swap3A_278 = vector.shape_cast %broadcast_in_dim3A_1 : vector<16xf32> to vector<1x16xf32>
    tpu.vector_store %arg8[%swap3A_274, %swap3A_275], %swap3A_278 {strides = array<i32>} : memref<16x128xf32, #tpu.memory_space<vmem>>, vector<1x16xf32>,
    %swap3A_279 = arith.constant 5 : i32
    %swap3A_280 = arith.index_cast %swap3A_279 : i32 to index
    %swap3A_281 = arith.constant 96 : index
    %swap3A_282 = tpu.vector_load %arg8[%swap3A_280, %swap3A_281] {strides = array<i32>} : memref<16x128xf32, #tpu.memory_space<vmem>>, vector<1x16xf32>,
    %swap3A_283 = vector.shape_cast %swap3A_282 : vector<1x16xf32> to vector<16xf32>
    %swap3A_284 = vector.shape_cast %broadcast_in_dim3A_1 : vector<16xf32> to vector<1x16xf32>
    tpu.vector_store %arg8[%swap3A_280, %swap3A_281], %swap3A_284 {strides = array<i32>} : memref<16x128xf32, #tpu.memory_space<vmem>>, vector<1x16xf32>,
    %swap3A_285 = arith.constant 5 : i32
    %swap3A_286 = arith.index_cast %swap3A_285 : i32 to index
    %swap3A_287 = arith.constant 112 : index
    %swap3A_288 = tpu.vector_load %arg8[%swap3A_286, %swap3A_287] {strides = array<i32>} : memref<16x128xf32, #tpu.memory_space<vmem>>, vector<1x16xf32>,
    %swap3A_289 = vector.shape_cast %swap3A_288 : vector<1x16xf32> to vector<16xf32>
    %swap3A_290 = vector.shape_cast %broadcast_in_dim3A_1 : vector<16xf32> to vector<1x16xf32>
    tpu.vector_store %arg8[%swap3A_286, %swap3A_287], %swap3A_290 {strides = array<i32>} : memref<16x128xf32, #tpu.memory_space<vmem>>, vector<1x16xf32>,
    %swap3A_291 = arith.constant 6 : i32
    %swap3A_292 = arith.index_cast %swap3A_291 : i32 to index
    %swap3A_293 = arith.constant 0 : index
    %swap3A_294 = tpu.vector_load %arg8[%swap3A_292, %swap3A_293] {strides = array<i32>} : memref<16x128xf32, #tpu.memory_space<vmem>>, vector<1x16xf32>,
    %swap3A_295 = vector.shape_cast %swap3A_294 : vector<1x16xf32> to vector<16xf32>
    %swap3A_296 = vector.shape_cast %broadcast_in_dim3A_1 : vector<16xf32> to vector<1x16xf32>
    tpu.vector_store %arg8[%swap3A_292, %swap3A_293], %swap3A_296 {strides = array<i32>} : memref<16x128xf32, #tpu.memory_space<vmem>>, vector<1x16xf32>,
    %swap3A_297 = arith.constant 6 : i32
    %swap3A_298 = arith.index_cast %swap3A_297 : i32 to index
    %swap3A_299 = arith.constant 16 : index
    %swap3A_300 = tpu.vector_load %arg8[%swap3A_298, %swap3A_299] {strides = array<i32>} : memref<16x128xf32, #tpu.memory_space<vmem>>, vector<1x16xf32>,
    %swap3A_301 = vector.shape_cast %swap3A_300 : vector<1x16xf32> to vector<16xf32>
    %swap3A_302 = vector.shape_cast %broadcast_in_dim3A_1 : vector<16xf32> to vector<1x16xf32>
    tpu.vector_store %arg8[%swap3A_298, %swap3A_299], %swap3A_302 {strides = array<i32>} : memref<16x128xf32, #tpu.memory_space<vmem>>, vector<1x16xf32>,
    %swap3A_303 = arith.constant 6 : i32
    %swap3A_304 = arith.index_cast %swap3A_303 : i32 to index
    %swap3A_305 = arith.constant 32 : index
    %swap3A_306 = tpu.vector_load %arg8[%swap3A_304, %swap3A_305] {strides = array<i32>} : memref<16x128xf32, #tpu.memory_space<vmem>>, vector<1x16xf32>,
    %swap3A_307 = vector.shape_cast %swap3A_306 : vector<1x16xf32> to vector<16xf32>
    %swap3A_308 = vector.shape_cast %broadcast_in_dim3A_1 : vector<16xf32> to vector<1x16xf32>
    tpu.vector_store %arg8[%swap3A_304, %swap3A_305], %swap3A_308 {strides = array<i32>} : memref<16x128xf32, #tpu.memory_space<vmem>>, vector<1x16xf32>,
    %swap3A_309 = arith.constant 6 : i32
    %swap3A_310 = arith.index_cast %swap3A_309 : i32 to index
    %swap3A_311 = arith.constant 48 : index
    %swap3A_312 = tpu.vector_load %arg8[%swap3A_310, %swap3A_311] {strides = array<i32>} : memref<16x128xf32, #tpu.memory_space<vmem>>, vector<1x16xf32>,
    %swap3A_313 = vector.shape_cast %swap3A_312 : vector<1x16xf32> to vector<16xf32>
    %swap3A_314 = vector.shape_cast %broadcast_in_dim3A_1 : vector<16xf32> to vector<1x16xf32>
    tpu.vector_store %arg8[%swap3A_310, %swap3A_311], %swap3A_314 {strides = array<i32>} : memref<16x128xf32, #tpu.memory_space<vmem>>, vector<1x16xf32>,
    %swap3A_315 = arith.constant 6 : i32
    %swap3A_316 = arith.index_cast %swap3A_315 : i32 to index
    %swap3A_317 = arith.constant 64 : index
    %swap3A_318 = tpu.vector_load %arg8[%swap3A_316, %swap3A_317] {strides = array<i32>} : memref<16x128xf32, #tpu.memory_space<vmem>>, vector<1x16xf32>,
    %swap3A_319 = vector.shape_cast %swap3A_318 : vector<1x16xf32> to vector<16xf32>
    %swap3A_320 = vector.shape_cast %broadcast_in_dim3A_1 : vector<16xf32> to vector<1x16xf32>
    tpu.vector_store %arg8[%swap3A_316, %swap3A_317], %swap3A_320 {strides = array<i32>} : memref<16x128xf32, #tpu.memory_space<vmem>>, vector<1x16xf32>,
    %swap3A_321 = arith.constant 6 : i32
    %swap3A_322 = arith.index_cast %swap3A_321 : i32 to index
    %swap3A_323 = arith.constant 80 : index
    %swap3A_324 = tpu.vector_load %arg8[%swap3A_322, %swap3A_323] {strides = array<i32>} : memref<16x128xf32, #tpu.memory_space<vmem>>, vector<1x16xf32>,
    %swap3A_325 = vector.shape_cast %swap3A_324 : vector<1x16xf32> to vector<16xf32>
    %swap3A_326 = vector.shape_cast %broadcast_in_dim3A_1 : vector<16xf32> to vector<1x16xf32>
    tpu.vector_store %arg8[%swap3A_322, %swap3A_323], %swap3A_326 {strides = array<i32>} : memref<16x128xf32, #tpu.memory_space<vmem>>, vector<1x16xf32>,
    %swap3A_327 = arith.constant 6 : i32
    %swap3A_328 = arith.index_cast %swap3A_327 : i32 to index
    %swap3A_329 = arith.constant 96 : index
    %swap3A_330 = tpu.vector_load %arg8[%swap3A_328, %swap3A_329] {strides = array<i32>} : memref<16x128xf32, #tpu.memory_space<vmem>>, vector<1x16xf32>,
    %swap3A_331 = vector.shape_cast %swap3A_330 : vector<1x16xf32> to vector<16xf32>
    %swap3A_332 = vector.shape_cast %broadcast_in_dim3A_1 : vector<16xf32> to vector<1x16xf32>
    tpu.vector_store %arg8[%swap3A_328, %swap3A_329], %swap3A_332 {strides = array<i32>} : memref<16x128xf32, #tpu.memory_space<vmem>>, vector<1x16xf32>,
    %swap3A_333 = arith.constant 6 : i32
    %swap3A_334 = arith.index_cast %swap3A_333 : i32 to index
    %swap3A_335 = arith.constant 112 : index
    %swap3A_336 = tpu.vector_load %arg8[%swap3A_334, %swap3A_335] {strides = array<i32>} : memref<16x128xf32, #tpu.memory_space<vmem>>, vector<1x16xf32>,
    %swap3A_337 = vector.shape_cast %swap3A_336 : vector<1x16xf32> to vector<16xf32>
    %swap3A_338 = vector.shape_cast %broadcast_in_dim3A_1 : vector<16xf32> to vector<1x16xf32>
    tpu.vector_store %arg8[%swap3A_334, %swap3A_335], %swap3A_338 {strides = array<i32>} : memref<16x128xf32, #tpu.memory_space<vmem>>, vector<1x16xf32>,
    %swap3A_339 = arith.constant 7 : i32
    %swap3A_340 = arith.index_cast %swap3A_339 : i32 to index
    %swap3A_341 = arith.constant 0 : index
    %swap3A_342 = tpu.vector_load %arg8[%swap3A_340, %swap3A_341] {strides = array<i32>} : memref<16x128xf32, #tpu.memory_space<vmem>>, vector<1x16xf32>,
    %swap3A_343 = vector.shape_cast %swap3A_342 : vector<1x16xf32> to vector<16xf32>
    %swap3A_344 = vector.shape_cast %broadcast_in_dim3A_1 : vector<16xf32> to vector<1x16xf32>
    tpu.vector_store %arg8[%swap3A_340, %swap3A_341], %swap3A_344 {strides = array<i32>} : memref<16x128xf32, #tpu.memory_space<vmem>>, vector<1x16xf32>,
    %swap3A_345 = arith.constant 7 : i32
    %swap3A_346 = arith.index_cast %swap3A_345 : i32 to index
    %swap3A_347 = arith.constant 16 : index
    %swap3A_348 = tpu.vector_load %arg8[%swap3A_346, %swap3A_347] {strides = array<i32>} : memref<16x128xf32, #tpu.memory_space<vmem>>, vector<1x16xf32>,
    %swap3A_349 = vector.shape_cast %swap3A_348 : vector<1x16xf32> to vector<16xf32>
    %swap3A_350 = vector.shape_cast %broadcast_in_dim3A_1 : vector<16xf32> to vector<1x16xf32>
    tpu.vector_store %arg8[%swap3A_346, %swap3A_347], %swap3A_350 {strides = array<i32>} : memref<16x128xf32, #tpu.memory_space<vmem>>, vector<1x16xf32>,
    %swap3A_351 = arith.constant 7 : i32
    %swap3A_352 = arith.index_cast %swap3A_351 : i32 to index
    %swap3A_353 = arith.constant 32 : index
    %swap3A_354 = tpu.vector_load %arg8[%swap3A_352, %swap3A_353] {strides = array<i32>} : memref<16x128xf32, #tpu.memory_space<vmem>>, vector<1x16xf32>,
    %swap3A_355 = vector.shape_cast %swap3A_354 : vector<1x16xf32> to vector<16xf32>
    %swap3A_356 = vector.shape_cast %broadcast_in_dim3A_1 : vector<16xf32> to vector<1x16xf32>
    tpu.vector_store %arg8[%swap3A_352, %swap3A_353], %swap3A_356 {strides = array<i32>} : memref<16x128xf32, #tpu.memory_space<vmem>>, vector<1x16xf32>,
    %swap3A_357 = arith.constant 7 : i32
    %swap3A_358 = arith.index_cast %swap3A_357 : i32 to index
    %swap3A_359 = arith.constant 48 : index
    %swap3A_360 = tpu.vector_load %arg8[%swap3A_358, %swap3A_359] {strides = array<i32>} : memref<16x128xf32, #tpu.memory_space<vmem>>, vector<1x16xf32>,
    %swap3A_361 = vector.shape_cast %swap3A_360 : vector<1x16xf32> to vector<16xf32>
    %swap3A_362 = vector.shape_cast %broadcast_in_dim3A_1 : vector<16xf32> to vector<1x16xf32>
    tpu.vector_store %arg8[%swap3A_358, %swap3A_359], %swap3A_362 {strides = array<i32>} : memref<16x128xf32, #tpu.memory_space<vmem>>, vector<1x16xf32>,
    %swap3A_363 = arith.constant 7 : i32
    %swap3A_364 = arith.index_cast %swap3A_363 : i32 to index
    %swap3A_365 = arith.constant 64 : index
    %swap3A_366 = tpu.vector_load %arg8[%swap3A_364, %swap3A_365] {strides = array<i32>} : memref<16x128xf32, #tpu.memory_space<vmem>>, vector<1x16xf32>,
    %swap3A_367 = vector.shape_cast %swap3A_366 : vector<1x16xf32> to vector<16xf32>
    %swap3A_368 = vector.shape_cast %broadcast_in_dim3A_1 : vector<16xf32> to vector<1x16xf32>
    tpu.vector_store %arg8[%swap3A_364, %swap3A_365], %swap3A_368 {strides = array<i32>} : memref<16x128xf32, #tpu.memory_space<vmem>>, vector<1x16xf32>,
    %swap3A_369 = arith.constant 7 : i32
    %swap3A_370 = arith.index_cast %swap3A_369 : i32 to index
    %swap3A_371 = arith.constant 80 : index
    %swap3A_372 = tpu.vector_load %arg8[%swap3A_370, %swap3A_371] {strides = array<i32>} : memref<16x128xf32, #tpu.memory_space<vmem>>, vector<1x16xf32>,
    %swap3A_373 = vector.shape_cast %swap3A_372 : vector<1x16xf32> to vector<16xf32>
    %swap3A_374 = vector.shape_cast %broadcast_in_dim3A_1 : vector<16xf32> to vector<1x16xf32>
    tpu.vector_store %arg8[%swap3A_370, %swap3A_371], %swap3A_374 {strides = array<i32>} : memref<16x128xf32, #tpu.memory_space<vmem>>, vector<1x16xf32>,
    %swap3A_375 = arith.constant 7 : i32
    %swap3A_376 = arith.index_cast %swap3A_375 : i32 to index
    %swap3A_377 = arith.constant 96 : index
    %swap3A_378 = tpu.vector_load %arg8[%swap3A_376, %swap3A_377] {strides = array<i32>} : memref<16x128xf32, #tpu.memory_space<vmem>>, vector<1x16xf32>,
    %swap3A_379 = vector.shape_cast %swap3A_378 : vector<1x16xf32> to vector<16xf32>
    %swap3A_380 = vector.shape_cast %broadcast_in_dim3A_1 : vector<16xf32> to vector<1x16xf32>
    tpu.vector_store %arg8[%swap3A_376, %swap3A_377], %swap3A_380 {strides = array<i32>} : memref<16x128xf32, #tpu.memory_space<vmem>>, vector<1x16xf32>,
    %swap3A_381 = arith.constant 7 : i32
    %swap3A_382 = arith.index_cast %swap3A_381 : i32 to index
    %swap3A_383 = arith.constant 112 : index
    %swap3A_384 = tpu.vector_load %arg8[%swap3A_382, %swap3A_383] {strides = array<i32>} : memref<16x128xf32, #tpu.memory_space<vmem>>, vector<1x16xf32>,
    %swap3A_385 = vector.shape_cast %swap3A_384 : vector<1x16xf32> to vector<16xf32>
    %swap3A_386 = vector.shape_cast %broadcast_in_dim3A_1 : vector<16xf32> to vector<1x16xf32>
    tpu.vector_store %arg8[%swap3A_382, %swap3A_383], %swap3A_386 {strides = array<i32>} : memref<16x128xf32, #tpu.memory_space<vmem>>, vector<1x16xf32>,
    %swap3A_387 = arith.constant 8 : i32
    %swap3A_388 = arith.index_cast %swap3A_387 : i32 to index
    %swap3A_389 = arith.constant 0 : index
    %swap3A_390 = tpu.vector_load %arg8[%swap3A_388, %swap3A_389] {strides = array<i32>} : memref<16x128xf32, #tpu.memory_space<vmem>>, vector<1x16xf32>,
    %swap3A_391 = vector.shape_cast %swap3A_390 : vector<1x16xf32> to vector<16xf32>
    %swap3A_392 = vector.shape_cast %broadcast_in_dim3A_1 : vector<16xf32> to vector<1x16xf32>
    tpu.vector_store %arg8[%swap3A_388, %swap3A_389], %swap3A_392 {strides = array<i32>} : memref<16x128xf32, #tpu.memory_space<vmem>>, vector<1x16xf32>,
    %swap3A_393 = arith.constant 8 : i32
    %swap3A_394 = arith.index_cast %swap3A_393 : i32 to index
    %swap3A_395 = arith.constant 16 : index
    %swap3A_396 = tpu.vector_load %arg8[%swap3A_394, %swap3A_395] {strides = array<i32>} : memref<16x128xf32, #tpu.memory_space<vmem>>, vector<1x16xf32>,
    %swap3A_397 = vector.shape_cast %swap3A_396 : vector<1x16xf32> to vector<16xf32>
    %swap3A_398 = vector.shape_cast %broadcast_in_dim3A_1 : vector<16xf32> to vector<1x16xf32>
    tpu.vector_store %arg8[%swap3A_394, %swap3A_395], %swap3A_398 {strides = array<i32>} : memref<16x128xf32, #tpu.memory_space<vmem>>, vector<1x16xf32>,
    %swap3A_399 = arith.constant 8 : i32
    %swap3A_400 = arith.index_cast %swap3A_399 : i32 to index
    %swap3A_401 = arith.constant 32 : index
    %swap3A_402 = tpu.vector_load %arg8[%swap3A_400, %swap3A_401] {strides = array<i32>} : memref<16x128xf32, #tpu.memory_space<vmem>>, vector<1x16xf32>,
    %swap3A_403 = vector.shape_cast %swap3A_402 : vector<1x16xf32> to vector<16xf32>
    %swap3A_404 = vector.shape_cast %broadcast_in_dim3A_1 : vector<16xf32> to vector<1x16xf32>
    tpu.vector_store %arg8[%swap3A_400, %swap3A_401], %swap3A_404 {strides = array<i32>} : memref<16x128xf32, #tpu.memory_space<vmem>>, vector<1x16xf32>,
    %swap3A_405 = arith.constant 8 : i32
    %swap3A_406 = arith.index_cast %swap3A_405 : i32 to index
    %swap3A_407 = arith.constant 48 : index
    %swap3A_408 = tpu.vector_load %arg8[%swap3A_406, %swap3A_407] {strides = array<i32>} : memref<16x128xf32, #tpu.memory_space<vmem>>, vector<1x16xf32>,
    %swap3A_409 = vector.shape_cast %swap3A_408 : vector<1x16xf32> to vector<16xf32>
    %swap3A_410 = vector.shape_cast %broadcast_in_dim3A_1 : vector<16xf32> to vector<1x16xf32>
    tpu.vector_store %arg8[%swap3A_406, %swap3A_407], %swap3A_410 {strides = array<i32>} : memref<16x128xf32, #tpu.memory_space<vmem>>, vector<1x16xf32>,
    %swap3A_411 = arith.constant 8 : i32
    %swap3A_412 = arith.index_cast %swap3A_411 : i32 to index
    %swap3A_413 = arith.constant 64 : index
    %swap3A_414 = tpu.vector_load %arg8[%swap3A_412, %swap3A_413] {strides = array<i32>} : memref<16x128xf32, #tpu.memory_space<vmem>>, vector<1x16xf32>,
    %swap3A_415 = vector.shape_cast %swap3A_414 : vector<1x16xf32> to vector<16xf32>
    %swap3A_416 = vector.shape_cast %broadcast_in_dim3A_1 : vector<16xf32> to vector<1x16xf32>
    tpu.vector_store %arg8[%swap3A_412, %swap3A_413], %swap3A_416 {strides = array<i32>} : memref<16x128xf32, #tpu.memory_space<vmem>>, vector<1x16xf32>,
    %swap3A_417 = arith.constant 8 : i32
    %swap3A_418 = arith.index_cast %swap3A_417 : i32 to index
    %swap3A_419 = arith.constant 80 : index
    %swap3A_420 = tpu.vector_load %arg8[%swap3A_418, %swap3A_419] {strides = array<i32>} : memref<16x128xf32, #tpu.memory_space<vmem>>, vector<1x16xf32>,
    %swap3A_421 = vector.shape_cast %swap3A_420 : vector<1x16xf32> to vector<16xf32>
    %swap3A_422 = vector.shape_cast %broadcast_in_dim3A_1 : vector<16xf32> to vector<1x16xf32>
    tpu.vector_store %arg8[%swap3A_418, %swap3A_419], %swap3A_422 {strides = array<i32>} : memref<16x128xf32, #tpu.memory_space<vmem>>, vector<1x16xf32>,
    %swap3A_423 = arith.constant 8 : i32
    %swap3A_424 = arith.index_cast %swap3A_423 : i32 to index
    %swap3A_425 = arith.constant 96 : index
    %swap3A_426 = tpu.vector_load %arg8[%swap3A_424, %swap3A_425] {strides = array<i32>} : memref<16x128xf32, #tpu.memory_space<vmem>>, vector<1x16xf32>,
    %swap3A_427 = vector.shape_cast %swap3A_426 : vector<1x16xf32> to vector<16xf32>
    %swap3A_428 = vector.shape_cast %broadcast_in_dim3A_1 : vector<16xf32> to vector<1x16xf32>
    tpu.vector_store %arg8[%swap3A_424, %swap3A_425], %swap3A_428 {strides = array<i32>} : memref<16x128xf32, #tpu.memory_space<vmem>>, vector<1x16xf32>,
    %swap3A_429 = arith.constant 8 : i32
    %swap3A_430 = arith.index_cast %swap3A_429 : i32 to index
    %swap3A_431 = arith.constant 112 : index
    %swap3A_432 = tpu.vector_load %arg8[%swap3A_430, %swap3A_431] {strides = array<i32>} : memref<16x128xf32, #tpu.memory_space<vmem>>, vector<1x16xf32>,
    %swap3A_433 = vector.shape_cast %swap3A_432 : vector<1x16xf32> to vector<16xf32>
    %swap3A_434 = vector.shape_cast %broadcast_in_dim3A_1 : vector<16xf32> to vector<1x16xf32>
    tpu.vector_store %arg8[%swap3A_430, %swap3A_431], %swap3A_434 {strides = array<i32>} : memref<16x128xf32, #tpu.memory_space<vmem>>, vector<1x16xf32>,
    %swap3A_435 = arith.constant 9 : i32
    %swap3A_436 = arith.index_cast %swap3A_435 : i32 to index
    %swap3A_437 = arith.constant 0 : index
    %swap3A_438 = tpu.vector_load %arg8[%swap3A_436, %swap3A_437] {strides = array<i32>} : memref<16x128xf32, #tpu.memory_space<vmem>>, vector<1x16xf32>,
    %swap3A_439 = vector.shape_cast %swap3A_438 : vector<1x16xf32> to vector<16xf32>
    %swap3A_440 = vector.shape_cast %broadcast_in_dim3A_1 : vector<16xf32> to vector<1x16xf32>
    tpu.vector_store %arg8[%swap3A_436, %swap3A_437], %swap3A_440 {strides = array<i32>} : memref<16x128xf32, #tpu.memory_space<vmem>>, vector<1x16xf32>,
    %swap3A_441 = arith.constant 9 : i32
    %swap3A_442 = arith.index_cast %swap3A_441 : i32 to index
    %swap3A_443 = arith.constant 16 : index
    %swap3A_444 = tpu.vector_load %arg8[%swap3A_442, %swap3A_443] {strides = array<i32>} : memref<16x128xf32, #tpu.memory_space<vmem>>, vector<1x16xf32>,
    %swap3A_445 = vector.shape_cast %swap3A_444 : vector<1x16xf32> to vector<16xf32>
    %swap3A_446 = vector.shape_cast %broadcast_in_dim3A_1 : vector<16xf32> to vector<1x16xf32>
    tpu.vector_store %arg8[%swap3A_442, %swap3A_443], %swap3A_446 {strides = array<i32>} : memref<16x128xf32, #tpu.memory_space<vmem>>, vector<1x16xf32>,
    %swap3A_447 = arith.constant 9 : i32
    %swap3A_448 = arith.index_cast %swap3A_447 : i32 to index
    %swap3A_449 = arith.constant 32 : index
    %swap3A_450 = tpu.vector_load %arg8[%swap3A_448, %swap3A_449] {strides = array<i32>} : memref<16x128xf32, #tpu.memory_space<vmem>>, vector<1x16xf32>,
    %swap3A_451 = vector.shape_cast %swap3A_450 : vector<1x16xf32> to vector<16xf32>
    %swap3A_452 = vector.shape_cast %broadcast_in_dim3A_1 : vector<16xf32> to vector<1x16xf32>
    tpu.vector_store %arg8[%swap3A_448, %swap3A_449], %swap3A_452 {strides = array<i32>} : memref<16x128xf32, #tpu.memory_space<vmem>>, vector<1x16xf32>,
    %swap3A_453 = arith.constant 9 : i32
    %swap3A_454 = arith.index_cast %swap3A_453 : i32 to index
    %swap3A_455 = arith.constant 48 : index
    %swap3A_456 = tpu.vector_load %arg8[%swap3A_454, %swap3A_455] {strides = array<i32>} : memref<16x128xf32, #tpu.memory_space<vmem>>, vector<1x16xf32>,
    %swap3A_457 = vector.shape_cast %swap3A_456 : vector<1x16xf32> to vector<16xf32>
    %swap3A_458 = vector.shape_cast %broadcast_in_dim3A_1 : vector<16xf32> to vector<1x16xf32>
    tpu.vector_store %arg8[%swap3A_454, %swap3A_455], %swap3A_458 {strides = array<i32>} : memref<16x128xf32, #tpu.memory_space<vmem>>, vector<1x16xf32>,
    %swap3A_459 = arith.constant 9 : i32
    %swap3A_460 = arith.index_cast %swap3A_459 : i32 to index
    %swap3A_461 = arith.constant 64 : index
    %swap3A_462 = tpu.vector_load %arg8[%swap3A_460, %swap3A_461] {strides = array<i32>} : memref<16x128xf32, #tpu.memory_space<vmem>>, vector<1x16xf32>,
    %swap3A_463 = vector.shape_cast %swap3A_462 : vector<1x16xf32> to vector<16xf32>
    %swap3A_464 = vector.shape_cast %broadcast_in_dim3A_1 : vector<16xf32> to vector<1x16xf32>
    tpu.vector_store %arg8[%swap3A_460, %swap3A_461], %swap3A_464 {strides = array<i32>} : memref<16x128xf32, #tpu.memory_space<vmem>>, vector<1x16xf32>,
    %swap3A_465 = arith.constant 9 : i32
    %swap3A_466 = arith.index_cast %swap3A_465 : i32 to index
    %swap3A_467 = arith.constant 80 : index
    %swap3A_468 = tpu.vector_load %arg8[%swap3A_466, %swap3A_467] {strides = array<i32>} : memref<16x128xf32, #tpu.memory_space<vmem>>, vector<1x16xf32>,
    %swap3A_469 = vector.shape_cast %swap3A_468 : vector<1x16xf32> to vector<16xf32>
    %swap3A_470 = vector.shape_cast %broadcast_in_dim3A_1 : vector<16xf32> to vector<1x16xf32>
    tpu.vector_store %arg8[%swap3A_466, %swap3A_467], %swap3A_470 {strides = array<i32>} : memref<16x128xf32, #tpu.memory_space<vmem>>, vector<1x16xf32>,
    %swap3A_471 = arith.constant 9 : i32
    %swap3A_472 = arith.index_cast %swap3A_471 : i32 to index
    %swap3A_473 = arith.constant 96 : index
    %swap3A_474 = tpu.vector_load %arg8[%swap3A_472, %swap3A_473] {strides = array<i32>} : memref<16x128xf32, #tpu.memory_space<vmem>>, vector<1x16xf32>,
    %swap3A_475 = vector.shape_cast %swap3A_474 : vector<1x16xf32> to vector<16xf32>
    %swap3A_476 = vector.shape_cast %broadcast_in_dim3A_1 : vector<16xf32> to vector<1x16xf32>
    tpu.vector_store %arg8[%swap3A_472, %swap3A_473], %swap3A_476 {strides = array<i32>} : memref<16x128xf32, #tpu.memory_space<vmem>>, vector<1x16xf32>,
    %swap3A_477 = arith.constant 9 : i32
    %swap3A_478 = arith.index_cast %swap3A_477 : i32 to index
    %swap3A_479 = arith.constant 112 : index
    %swap3A_480 = tpu.vector_load %arg8[%swap3A_478, %swap3A_479] {strides = array<i32>} : memref<16x128xf32, #tpu.memory_space<vmem>>, vector<1x16xf32>,
    %swap3A_481 = vector.shape_cast %swap3A_480 : vector<1x16xf32> to vector<16xf32>
    %swap3A_482 = vector.shape_cast %broadcast_in_dim3A_1 : vector<16xf32> to vector<1x16xf32>
    tpu.vector_store %arg8[%swap3A_478, %swap3A_479], %swap3A_482 {strides = array<i32>} : memref<16x128xf32, #tpu.memory_space<vmem>>, vector<1x16xf32>,
    %swap3A_483 = arith.constant 10 : i32
    %swap3A_484 = arith.index_cast %swap3A_483 : i32 to index
    %swap3A_485 = arith.constant 0 : index
    %swap3A_486 = tpu.vector_load %arg8[%swap3A_484, %swap3A_485] {strides = array<i32>} : memref<16x128xf32, #tpu.memory_space<vmem>>, vector<1x16xf32>,
    %swap3A_487 = vector.shape_cast %swap3A_486 : vector<1x16xf32> to vector<16xf32>
    %swap3A_488 = vector.shape_cast %broadcast_in_dim3A_1 : vector<16xf32> to vector<1x16xf32>
    tpu.vector_store %arg8[%swap3A_484, %swap3A_485], %swap3A_488 {strides = array<i32>} : memref<16x128xf32, #tpu.memory_space<vmem>>, vector<1x16xf32>,
    %swap3A_489 = arith.constant 10 : i32
    %swap3A_490 = arith.index_cast %swap3A_489 : i32 to index
    %swap3A_491 = arith.constant 16 : index
    %swap3A_492 = tpu.vector_load %arg8[%swap3A_490, %swap3A_491] {strides = array<i32>} : memref<16x128xf32, #tpu.memory_space<vmem>>, vector<1x16xf32>,
    %swap3A_493 = vector.shape_cast %swap3A_492 : vector<1x16xf32> to vector<16xf32>
    %swap3A_494 = vector.shape_cast %broadcast_in_dim3A_1 : vector<16xf32> to vector<1x16xf32>
    tpu.vector_store %arg8[%swap3A_490, %swap3A_491], %swap3A_494 {strides = array<i32>} : memref<16x128xf32, #tpu.memory_space<vmem>>, vector<1x16xf32>,
    %swap3A_495 = arith.constant 10 : i32
    %swap3A_496 = arith.index_cast %swap3A_495 : i32 to index
    %swap3A_497 = arith.constant 32 : index
    %swap3A_498 = tpu.vector_load %arg8[%swap3A_496, %swap3A_497] {strides = array<i32>} : memref<16x128xf32, #tpu.memory_space<vmem>>, vector<1x16xf32>,
    %swap3A_499 = vector.shape_cast %swap3A_498 : vector<1x16xf32> to vector<16xf32>
    %swap3A_500 = vector.shape_cast %broadcast_in_dim3A_1 : vector<16xf32> to vector<1x16xf32>
    tpu.vector_store %arg8[%swap3A_496, %swap3A_497], %swap3A_500 {strides = array<i32>} : memref<16x128xf32, #tpu.memory_space<vmem>>, vector<1x16xf32>,
    %swap3A_501 = arith.constant 10 : i32
    %swap3A_502 = arith.index_cast %swap3A_501 : i32 to index
    %swap3A_503 = arith.constant 48 : index
    %swap3A_504 = tpu.vector_load %arg8[%swap3A_502, %swap3A_503] {strides = array<i32>} : memref<16x128xf32, #tpu.memory_space<vmem>>, vector<1x16xf32>,
    %swap3A_505 = vector.shape_cast %swap3A_504 : vector<1x16xf32> to vector<16xf32>
    %swap3A_506 = vector.shape_cast %broadcast_in_dim3A_1 : vector<16xf32> to vector<1x16xf32>
    tpu.vector_store %arg8[%swap3A_502, %swap3A_503], %swap3A_506 {strides = array<i32>} : memref<16x128xf32, #tpu.memory_space<vmem>>, vector<1x16xf32>,
    %swap3A_507 = arith.constant 10 : i32
    %swap3A_508 = arith.index_cast %swap3A_507 : i32 to index
    %swap3A_509 = arith.constant 64 : index
    %swap3A_510 = tpu.vector_load %arg8[%swap3A_508, %swap3A_509] {strides = array<i32>} : memref<16x128xf32, #tpu.memory_space<vmem>>, vector<1x16xf32>,
    %swap3A_511 = vector.shape_cast %swap3A_510 : vector<1x16xf32> to vector<16xf32>
    %swap3A_512 = vector.shape_cast %broadcast_in_dim3A_1 : vector<16xf32> to vector<1x16xf32>
    tpu.vector_store %arg8[%swap3A_508, %swap3A_509], %swap3A_512 {strides = array<i32>} : memref<16x128xf32, #tpu.memory_space<vmem>>, vector<1x16xf32>,
    %swap3A_513 = arith.constant 10 : i32
    %swap3A_514 = arith.index_cast %swap3A_513 : i32 to index
    %swap3A_515 = arith.constant 80 : index
    %swap3A_516 = tpu.vector_load %arg8[%swap3A_514, %swap3A_515] {strides = array<i32>} : memref<16x128xf32, #tpu.memory_space<vmem>>, vector<1x16xf32>,
    %swap3A_517 = vector.shape_cast %swap3A_516 : vector<1x16xf32> to vector<16xf32>
    %swap3A_518 = vector.shape_cast %broadcast_in_dim3A_1 : vector<16xf32> to vector<1x16xf32>
    tpu.vector_store %arg8[%swap3A_514, %swap3A_515], %swap3A_518 {strides = array<i32>} : memref<16x128xf32, #tpu.memory_space<vmem>>, vector<1x16xf32>,
    %swap3A_519 = arith.constant 10 : i32
    %swap3A_520 = arith.index_cast %swap3A_519 : i32 to index
    %swap3A_521 = arith.constant 96 : index
    %swap3A_522 = tpu.vector_load %arg8[%swap3A_520, %swap3A_521] {strides = array<i32>} : memref<16x128xf32, #tpu.memory_space<vmem>>, vector<1x16xf32>,
    %swap3A_523 = vector.shape_cast %swap3A_522 : vector<1x16xf32> to vector<16xf32>
    %swap3A_524 = vector.shape_cast %broadcast_in_dim3A_1 : vector<16xf32> to vector<1x16xf32>
    tpu.vector_store %arg8[%swap3A_520, %swap3A_521], %swap3A_524 {strides = array<i32>} : memref<16x128xf32, #tpu.memory_space<vmem>>, vector<1x16xf32>,
    %swap3A_525 = arith.constant 10 : i32
    %swap3A_526 = arith.index_cast %swap3A_525 : i32 to index
    %swap3A_527 = arith.constant 112 : index
    %swap3A_528 = tpu.vector_load %arg8[%swap3A_526, %swap3A_527] {strides = array<i32>} : memref<16x128xf32, #tpu.memory_space<vmem>>, vector<1x16xf32>,
    %swap3A_529 = vector.shape_cast %swap3A_528 : vector<1x16xf32> to vector<16xf32>
    %swap3A_530 = vector.shape_cast %broadcast_in_dim3A_1 : vector<16xf32> to vector<1x16xf32>
    tpu.vector_store %arg8[%swap3A_526, %swap3A_527], %swap3A_530 {strides = array<i32>} : memref<16x128xf32, #tpu.memory_space<vmem>>, vector<1x16xf32>,
    %swap3A_531 = arith.constant 11 : i32
    %swap3A_532 = arith.index_cast %swap3A_531 : i32 to index
    %swap3A_533 = arith.constant 0 : index
    %swap3A_534 = tpu.vector_load %arg8[%swap3A_532, %swap3A_533] {strides = array<i32>} : memref<16x128xf32, #tpu.memory_space<vmem>>, vector<1x16xf32>,
    %swap3A_535 = vector.shape_cast %swap3A_534 : vector<1x16xf32> to vector<16xf32>
    %swap3A_536 = vector.shape_cast %broadcast_in_dim3A_1 : vector<16xf32> to vector<1x16xf32>
    tpu.vector_store %arg8[%swap3A_532, %swap3A_533], %swap3A_536 {strides = array<i32>} : memref<16x128xf32, #tpu.memory_space<vmem>>, vector<1x16xf32>,
    %swap3A_537 = arith.constant 11 : i32
    %swap3A_538 = arith.index_cast %swap3A_537 : i32 to index
    %swap3A_539 = arith.constant 16 : index
    %swap3A_540 = tpu.vector_load %arg8[%swap3A_538, %swap3A_539] {strides = array<i32>} : memref<16x128xf32, #tpu.memory_space<vmem>>, vector<1x16xf32>,
    %swap3A_541 = vector.shape_cast %swap3A_540 : vector<1x16xf32> to vector<16xf32>
    %swap3A_542 = vector.shape_cast %broadcast_in_dim3A_1 : vector<16xf32> to vector<1x16xf32>
    tpu.vector_store %arg8[%swap3A_538, %swap3A_539], %swap3A_542 {strides = array<i32>} : memref<16x128xf32, #tpu.memory_space<vmem>>, vector<1x16xf32>,
    %swap3A_543 = arith.constant 11 : i32
    %swap3A_544 = arith.index_cast %swap3A_543 : i32 to index
    %swap3A_545 = arith.constant 32 : index
    %swap3A_546 = tpu.vector_load %arg8[%swap3A_544, %swap3A_545] {strides = array<i32>} : memref<16x128xf32, #tpu.memory_space<vmem>>, vector<1x16xf32>,
    %swap3A_547 = vector.shape_cast %swap3A_546 : vector<1x16xf32> to vector<16xf32>
    %swap3A_548 = vector.shape_cast %broadcast_in_dim3A_1 : vector<16xf32> to vector<1x16xf32>
    tpu.vector_store %arg8[%swap3A_544, %swap3A_545], %swap3A_548 {strides = array<i32>} : memref<16x128xf32, #tpu.memory_space<vmem>>, vector<1x16xf32>,
    %swap3A_549 = arith.constant 11 : i32
    %swap3A_550 = arith.index_cast %swap3A_549 : i32 to index
    %swap3A_551 = arith.constant 48 : index
    %swap3A_552 = tpu.vector_load %arg8[%swap3A_550, %swap3A_551] {strides = array<i32>} : memref<16x128xf32, #tpu.memory_space<vmem>>, vector<1x16xf32>,
    %swap3A_553 = vector.shape_cast %swap3A_552 : vector<1x16xf32> to vector<16xf32>
    %swap3A_554 = vector.shape_cast %broadcast_in_dim3A_1 : vector<16xf32> to vector<1x16xf32>
    tpu.vector_store %arg8[%swap3A_550, %swap3A_551], %swap3A_554 {strides = array<i32>} : memref<16x128xf32, #tpu.memory_space<vmem>>, vector<1x16xf32>,
    %swap3A_555 = arith.constant 11 : i32
    %swap3A_556 = arith.index_cast %swap3A_555 : i32 to index
    %swap3A_557 = arith.constant 64 : index
    %swap3A_558 = tpu.vector_load %arg8[%swap3A_556, %swap3A_557] {strides = array<i32>} : memref<16x128xf32, #tpu.memory_space<vmem>>, vector<1x16xf32>,
    %swap3A_559 = vector.shape_cast %swap3A_558 : vector<1x16xf32> to vector<16xf32>
    %swap3A_560 = vector.shape_cast %broadcast_in_dim3A_1 : vector<16xf32> to vector<1x16xf32>
    tpu.vector_store %arg8[%swap3A_556, %swap3A_557], %swap3A_560 {strides = array<i32>} : memref<16x128xf32, #tpu.memory_space<vmem>>, vector<1x16xf32>,
    %swap3A_561 = arith.constant 11 : i32
    %swap3A_562 = arith.index_cast %swap3A_561 : i32 to index
    %swap3A_563 = arith.constant 80 : index
    %swap3A_564 = tpu.vector_load %arg8[%swap3A_562, %swap3A_563] {strides = array<i32>} : memref<16x128xf32, #tpu.memory_space<vmem>>, vector<1x16xf32>,
    %swap3A_565 = vector.shape_cast %swap3A_564 : vector<1x16xf32> to vector<16xf32>
    %swap3A_566 = vector.shape_cast %broadcast_in_dim3A_1 : vector<16xf32> to vector<1x16xf32>
    tpu.vector_store %arg8[%swap3A_562, %swap3A_563], %swap3A_566 {strides = array<i32>} : memref<16x128xf32, #tpu.memory_space<vmem>>, vector<1x16xf32>,
    %swap3A_567 = arith.constant 11 : i32
    %swap3A_568 = arith.index_cast %swap3A_567 : i32 to index
    %swap3A_569 = arith.constant 96 : index
    %swap3A_570 = tpu.vector_load %arg8[%swap3A_568, %swap3A_569] {strides = array<i32>} : memref<16x128xf32, #tpu.memory_space<vmem>>, vector<1x16xf32>,
    %swap3A_571 = vector.shape_cast %swap3A_570 : vector<1x16xf32> to vector<16xf32>
    %swap3A_572 = vector.shape_cast %broadcast_in_dim3A_1 : vector<16xf32> to vector<1x16xf32>
    tpu.vector_store %arg8[%swap3A_568, %swap3A_569], %swap3A_572 {strides = array<i32>} : memref<16x128xf32, #tpu.memory_space<vmem>>, vector<1x16xf32>,
    %swap3A_573 = arith.constant 11 : i32
    %swap3A_574 = arith.index_cast %swap3A_573 : i32 to index
    %swap3A_575 = arith.constant 112 : index
    %swap3A_576 = tpu.vector_load %arg8[%swap3A_574, %swap3A_575] {strides = array<i32>} : memref<16x128xf32, #tpu.memory_space<vmem>>, vector<1x16xf32>,
    %swap3A_577 = vector.shape_cast %swap3A_576 : vector<1x16xf32> to vector<16xf32>
    %swap3A_578 = vector.shape_cast %broadcast_in_dim3A_1 : vector<16xf32> to vector<1x16xf32>
    tpu.vector_store %arg8[%swap3A_574, %swap3A_575], %swap3A_578 {strides = array<i32>} : memref<16x128xf32, #tpu.memory_space<vmem>>, vector<1x16xf32>,
    %swap3A_579 = arith.constant 12 : i32
    %swap3A_580 = arith.index_cast %swap3A_579 : i32 to index
    %swap3A_581 = arith.constant 0 : index
    %swap3A_582 = tpu.vector_load %arg8[%swap3A_580, %swap3A_581] {strides = array<i32>} : memref<16x128xf32, #tpu.memory_space<vmem>>, vector<1x16xf32>,
    %swap3A_583 = vector.shape_cast %swap3A_582 : vector<1x16xf32> to vector<16xf32>
    %swap3A_584 = vector.shape_cast %broadcast_in_dim3A_1 : vector<16xf32> to vector<1x16xf32>
    tpu.vector_store %arg8[%swap3A_580, %swap3A_581], %swap3A_584 {strides = array<i32>} : memref<16x128xf32, #tpu.memory_space<vmem>>, vector<1x16xf32>,
    %swap3A_585 = arith.constant 12 : i32
    %swap3A_586 = arith.index_cast %swap3A_585 : i32 to index
    %swap3A_587 = arith.constant 16 : index
    %swap3A_588 = tpu.vector_load %arg8[%swap3A_586, %swap3A_587] {strides = array<i32>} : memref<16x128xf32, #tpu.memory_space<vmem>>, vector<1x16xf32>,
    %swap3A_589 = vector.shape_cast %swap3A_588 : vector<1x16xf32> to vector<16xf32>
    %swap3A_590 = vector.shape_cast %broadcast_in_dim3A_1 : vector<16xf32> to vector<1x16xf32>
    tpu.vector_store %arg8[%swap3A_586, %swap3A_587], %swap3A_590 {strides = array<i32>} : memref<16x128xf32, #tpu.memory_space<vmem>>, vector<1x16xf32>,
    %swap3A_591 = arith.constant 12 : i32
    %swap3A_592 = arith.index_cast %swap3A_591 : i32 to index
    %swap3A_593 = arith.constant 32 : index
    %swap3A_594 = tpu.vector_load %arg8[%swap3A_592, %swap3A_593] {strides = array<i32>} : memref<16x128xf32, #tpu.memory_space<vmem>>, vector<1x16xf32>,
    %swap3A_595 = vector.shape_cast %swap3A_594 : vector<1x16xf32> to vector<16xf32>
    %swap3A_596 = vector.shape_cast %broadcast_in_dim3A_1 : vector<16xf32> to vector<1x16xf32>
    tpu.vector_store %arg8[%swap3A_592, %swap3A_593], %swap3A_596 {strides = array<i32>} : memref<16x128xf32, #tpu.memory_space<vmem>>, vector<1x16xf32>,
    %swap3A_597 = arith.constant 12 : i32
    %swap3A_598 = arith.index_cast %swap3A_597 : i32 to index
    %swap3A_599 = arith.constant 48 : index
    %swap3A_600 = tpu.vector_load %arg8[%swap3A_598, %swap3A_599] {strides = array<i32>} : memref<16x128xf32, #tpu.memory_space<vmem>>, vector<1x16xf32>,
    %swap3A_601 = vector.shape_cast %swap3A_600 : vector<1x16xf32> to vector<16xf32>
    %swap3A_602 = vector.shape_cast %broadcast_in_dim3A_1 : vector<16xf32> to vector<1x16xf32>
    tpu.vector_store %arg8[%swap3A_598, %swap3A_599], %swap3A_602 {strides = array<i32>} : memref<16x128xf32, #tpu.memory_space<vmem>>, vector<1x16xf32>,
    %swap3A_603 = arith.constant 12 : i32
    %swap3A_604 = arith.index_cast %swap3A_603 : i32 to index
    %swap3A_605 = arith.constant 64 : index
    %swap3A_606 = tpu.vector_load %arg8[%swap3A_604, %swap3A_605] {strides = array<i32>} : memref<16x128xf32, #tpu.memory_space<vmem>>, vector<1x16xf32>,
    %swap3A_607 = vector.shape_cast %swap3A_606 : vector<1x16xf32> to vector<16xf32>
    %swap3A_608 = vector.shape_cast %broadcast_in_dim3A_1 : vector<16xf32> to vector<1x16xf32>
    tpu.vector_store %arg8[%swap3A_604, %swap3A_605], %swap3A_608 {strides = array<i32>} : memref<16x128xf32, #tpu.memory_space<vmem>>, vector<1x16xf32>,
    %swap3A_609 = arith.constant 12 : i32
    %swap3A_610 = arith.index_cast %swap3A_609 : i32 to index
    %swap3A_611 = arith.constant 80 : index
    %swap3A_612 = tpu.vector_load %arg8[%swap3A_610, %swap3A_611] {strides = array<i32>} : memref<16x128xf32, #tpu.memory_space<vmem>>, vector<1x16xf32>,
    %swap3A_613 = vector.shape_cast %swap3A_612 : vector<1x16xf32> to vector<16xf32>
    %swap3A_614 = vector.shape_cast %broadcast_in_dim3A_1 : vector<16xf32> to vector<1x16xf32>
    tpu.vector_store %arg8[%swap3A_610, %swap3A_611], %swap3A_614 {strides = array<i32>} : memref<16x128xf32, #tpu.memory_space<vmem>>, vector<1x16xf32>,
    %swap3A_615 = arith.constant 12 : i32
    %swap3A_616 = arith.index_cast %swap3A_615 : i32 to index
    %swap3A_617 = arith.constant 96 : index
    %swap3A_618 = tpu.vector_load %arg8[%swap3A_616, %swap3A_617] {strides = array<i32>} : memref<16x128xf32, #tpu.memory_space<vmem>>, vector<1x16xf32>,
    %swap3A_619 = vector.shape_cast %swap3A_618 : vector<1x16xf32> to vector<16xf32>
    %swap3A_620 = vector.shape_cast %broadcast_in_dim3A_1 : vector<16xf32> to vector<1x16xf32>
    tpu.vector_store %arg8[%swap3A_616, %swap3A_617], %swap3A_620 {strides = array<i32>} : memref<16x128xf32, #tpu.memory_space<vmem>>, vector<1x16xf32>,
    %swap3A_621 = arith.constant 12 : i32
    %swap3A_622 = arith.index_cast %swap3A_621 : i32 to index
    %swap3A_623 = arith.constant 112 : index
    %swap3A_624 = tpu.vector_load %arg8[%swap3A_622, %swap3A_623] {strides = array<i32>} : memref<16x128xf32, #tpu.memory_space<vmem>>, vector<1x16xf32>,
    %swap3A_625 = vector.shape_cast %swap3A_624 : vector<1x16xf32> to vector<16xf32>
    %swap3A_626 = vector.shape_cast %broadcast_in_dim3A_1 : vector<16xf32> to vector<1x16xf32>
    tpu.vector_store %arg8[%swap3A_622, %swap3A_623], %swap3A_626 {strides = array<i32>} : memref<16x128xf32, #tpu.memory_space<vmem>>, vector<1x16xf32>,
    %swap3A_627 = arith.constant 13 : i32
    %swap3A_628 = arith.index_cast %swap3A_627 : i32 to index
    %swap3A_629 = arith.constant 0 : index
    %swap3A_630 = tpu.vector_load %arg8[%swap3A_628, %swap3A_629] {strides = array<i32>} : memref<16x128xf32, #tpu.memory_space<vmem>>, vector<1x16xf32>,
    %swap3A_631 = vector.shape_cast %swap3A_630 : vector<1x16xf32> to vector<16xf32>
    %swap3A_632 = vector.shape_cast %broadcast_in_dim3A_1 : vector<16xf32> to vector<1x16xf32>
    tpu.vector_store %arg8[%swap3A_628, %swap3A_629], %swap3A_632 {strides = array<i32>} : memref<16x128xf32, #tpu.memory_space<vmem>>, vector<1x16xf32>,
    %swap3A_633 = arith.constant 13 : i32
    %swap3A_634 = arith.index_cast %swap3A_633 : i32 to index
    %swap3A_635 = arith.constant 16 : index
    %swap3A_636 = tpu.vector_load %arg8[%swap3A_634, %swap3A_635] {strides = array<i32>} : memref<16x128xf32, #tpu.memory_space<vmem>>, vector<1x16xf32>,
    %swap3A_637 = vector.shape_cast %swap3A_636 : vector<1x16xf32> to vector<16xf32>
    %swap3A_638 = vector.shape_cast %broadcast_in_dim3A_1 : vector<16xf32> to vector<1x16xf32>
    tpu.vector_store %arg8[%swap3A_634, %swap3A_635], %swap3A_638 {strides = array<i32>} : memref<16x128xf32, #tpu.memory_space<vmem>>, vector<1x16xf32>,
    %swap3A_639 = arith.constant 13 : i32
    %swap3A_640 = arith.index_cast %swap3A_639 : i32 to index
    %swap3A_641 = arith.constant 32 : index
    %swap3A_642 = tpu.vector_load %arg8[%swap3A_640, %swap3A_641] {strides = array<i32>} : memref<16x128xf32, #tpu.memory_space<vmem>>, vector<1x16xf32>,
    %swap3A_643 = vector.shape_cast %swap3A_642 : vector<1x16xf32> to vector<16xf32>
    %swap3A_644 = vector.shape_cast %broadcast_in_dim3A_1 : vector<16xf32> to vector<1x16xf32>
    tpu.vector_store %arg8[%swap3A_640, %swap3A_641], %swap3A_644 {strides = array<i32>} : memref<16x128xf32, #tpu.memory_space<vmem>>, vector<1x16xf32>,
    %swap3A_645 = arith.constant 13 : i32
    %swap3A_646 = arith.index_cast %swap3A_645 : i32 to index
    %swap3A_647 = arith.constant 48 : index
    %swap3A_648 = tpu.vector_load %arg8[%swap3A_646, %swap3A_647] {strides = array<i32>} : memref<16x128xf32, #tpu.memory_space<vmem>>, vector<1x16xf32>,
    %swap3A_649 = vector.shape_cast %swap3A_648 : vector<1x16xf32> to vector<16xf32>
    %swap3A_650 = vector.shape_cast %broadcast_in_dim3A_1 : vector<16xf32> to vector<1x16xf32>
    tpu.vector_store %arg8[%swap3A_646, %swap3A_647], %swap3A_650 {strides = array<i32>} : memref<16x128xf32, #tpu.memory_space<vmem>>, vector<1x16xf32>,
    %swap3A_651 = arith.constant 13 : i32
    %swap3A_652 = arith.index_cast %swap3A_651 : i32 to index
    %swap3A_653 = arith.constant 64 : index
    %swap3A_654 = tpu.vector_load %arg8[%swap3A_652, %swap3A_653] {strides = array<i32>} : memref<16x128xf32, #tpu.memory_space<vmem>>, vector<1x16xf32>,
    %swap3A_655 = vector.shape_cast %swap3A_654 : vector<1x16xf32> to vector<16xf32>
    %swap3A_656 = vector.shape_cast %broadcast_in_dim3A_1 : vector<16xf32> to vector<1x16xf32>
    tpu.vector_store %arg8[%swap3A_652, %swap3A_653], %swap3A_656 {strides = array<i32>} : memref<16x128xf32, #tpu.memory_space<vmem>>, vector<1x16xf32>,
    %swap3A_657 = arith.constant 13 : i32
    %swap3A_658 = arith.index_cast %swap3A_657 : i32 to index
    %swap3A_659 = arith.constant 80 : index
    %swap3A_660 = tpu.vector_load %arg8[%swap3A_658, %swap3A_659] {strides = array<i32>} : memref<16x128xf32, #tpu.memory_space<vmem>>, vector<1x16xf32>,
    %swap3A_661 = vector.shape_cast %swap3A_660 : vector<1x16xf32> to vector<16xf32>
    %swap3A_662 = vector.shape_cast %broadcast_in_dim3A_1 : vector<16xf32> to vector<1x16xf32>
    tpu.vector_store %arg8[%swap3A_658, %swap3A_659], %swap3A_662 {strides = array<i32>} : memref<16x128xf32, #tpu.memory_space<vmem>>, vector<1x16xf32>,
    %swap3A_663 = arith.constant 13 : i32
    %swap3A_664 = arith.index_cast %swap3A_663 : i32 to index
    %swap3A_665 = arith.constant 96 : index
    %swap3A_666 = tpu.vector_load %arg8[%swap3A_664, %swap3A_665] {strides = array<i32>} : memref<16x128xf32, #tpu.memory_space<vmem>>, vector<1x16xf32>,
    %swap3A_667 = vector.shape_cast %swap3A_666 : vector<1x16xf32> to vector<16xf32>
    %swap3A_668 = vector.shape_cast %broadcast_in_dim3A_1 : vector<16xf32> to vector<1x16xf32>
    tpu.vector_store %arg8[%swap3A_664, %swap3A_665], %swap3A_668 {strides = array<i32>} : memref<16x128xf32, #tpu.memory_space<vmem>>, vector<1x16xf32>,
    %swap3A_669 = arith.constant 13 : i32
    %swap3A_670 = arith.index_cast %swap3A_669 : i32 to index
    %swap3A_671 = arith.constant 112 : index
    %swap3A_672 = tpu.vector_load %arg8[%swap3A_670, %swap3A_671] {strides = array<i32>} : memref<16x128xf32, #tpu.memory_space<vmem>>, vector<1x16xf32>,
    %swap3A_673 = vector.shape_cast %swap3A_672 : vector<1x16xf32> to vector<16xf32>
    %swap3A_674 = vector.shape_cast %broadcast_in_dim3A_1 : vector<16xf32> to vector<1x16xf32>
    tpu.vector_store %arg8[%swap3A_670, %swap3A_671], %swap3A_674 {strides = array<i32>} : memref<16x128xf32, #tpu.memory_space<vmem>>, vector<1x16xf32>,
    %swap3A_675 = arith.constant 14 : i32
    %swap3A_676 = arith.index_cast %swap3A_675 : i32 to index
    %swap3A_677 = arith.constant 0 : index
    %swap3A_678 = tpu.vector_load %arg8[%swap3A_676, %swap3A_677] {strides = array<i32>} : memref<16x128xf32, #tpu.memory_space<vmem>>, vector<1x16xf32>,
    %swap3A_679 = vector.shape_cast %swap3A_678 : vector<1x16xf32> to vector<16xf32>
    %swap3A_680 = vector.shape_cast %broadcast_in_dim3A_1 : vector<16xf32> to vector<1x16xf32>
    tpu.vector_store %arg8[%swap3A_676, %swap3A_677], %swap3A_680 {strides = array<i32>} : memref<16x128xf32, #tpu.memory_space<vmem>>, vector<1x16xf32>,
    %swap3A_681 = arith.constant 14 : i32
    %swap3A_682 = arith.index_cast %swap3A_681 : i32 to index
    %swap3A_683 = arith.constant 16 : index
    %swap3A_684 = tpu.vector_load %arg8[%swap3A_682, %swap3A_683] {strides = array<i32>} : memref<16x128xf32, #tpu.memory_space<vmem>>, vector<1x16xf32>,
    %swap3A_685 = vector.shape_cast %swap3A_684 : vector<1x16xf32> to vector<16xf32>
    %swap3A_686 = vector.shape_cast %broadcast_in_dim3A_1 : vector<16xf32> to vector<1x16xf32>
    tpu.vector_store %arg8[%swap3A_682, %swap3A_683], %swap3A_686 {strides = array<i32>} : memref<16x128xf32, #tpu.memory_space<vmem>>, vector<1x16xf32>,
    %swap3A_687 = arith.constant 14 : i32
    %swap3A_688 = arith.index_cast %swap3A_687 : i32 to index
    %swap3A_689 = arith.constant 32 : index
    %swap3A_690 = tpu.vector_load %arg8[%swap3A_688, %swap3A_689] {strides = array<i32>} : memref<16x128xf32, #tpu.memory_space<vmem>>, vector<1x16xf32>,
    %swap3A_691 = vector.shape_cast %swap3A_690 : vector<1x16xf32> to vector<16xf32>
    %swap3A_692 = vector.shape_cast %broadcast_in_dim3A_1 : vector<16xf32> to vector<1x16xf32>
    tpu.vector_store %arg8[%swap3A_688, %swap3A_689], %swap3A_692 {strides = array<i32>} : memref<16x128xf32, #tpu.memory_space<vmem>>, vector<1x16xf32>,
    %swap3A_693 = arith.constant 14 : i32
    %swap3A_694 = arith.index_cast %swap3A_693 : i32 to index
    %swap3A_695 = arith.constant 48 : index
    %swap3A_696 = tpu.vector_load %arg8[%swap3A_694, %swap3A_695] {strides = array<i32>} : memref<16x128xf32, #tpu.memory_space<vmem>>, vector<1x16xf32>,
    %swap3A_697 = vector.shape_cast %swap3A_696 : vector<1x16xf32> to vector<16xf32>
    %swap3A_698 = vector.shape_cast %broadcast_in_dim3A_1 : vector<16xf32> to vector<1x16xf32>
    tpu.vector_store %arg8[%swap3A_694, %swap3A_695], %swap3A_698 {strides = array<i32>} : memref<16x128xf32, #tpu.memory_space<vmem>>, vector<1x16xf32>,
    %swap3A_699 = arith.constant 14 : i32
    %swap3A_700 = arith.index_cast %swap3A_699 : i32 to index
    %swap3A_701 = arith.constant 64 : index
    %swap3A_702 = tpu.vector_load %arg8[%swap3A_700, %swap3A_701] {strides = array<i32>} : memref<16x128xf32, #tpu.memory_space<vmem>>, vector<1x16xf32>,
    %swap3A_703 = vector.shape_cast %swap3A_702 : vector<1x16xf32> to vector<16xf32>
    %swap3A_704 = vector.shape_cast %broadcast_in_dim3A_1 : vector<16xf32> to vector<1x16xf32>
    tpu.vector_store %arg8[%swap3A_700, %swap3A_701], %swap3A_704 {strides = array<i32>} : memref<16x128xf32, #tpu.memory_space<vmem>>, vector<1x16xf32>,
    %swap3A_705 = arith.constant 14 : i32
    %swap3A_706 = arith.index_cast %swap3A_705 : i32 to index
    %swap3A_707 = arith.constant 80 : index
    %swap3A_708 = tpu.vector_load %arg8[%swap3A_706, %swap3A_707] {strides = array<i32>} : memref<16x128xf32, #tpu.memory_space<vmem>>, vector<1x16xf32>,
    %swap3A_709 = vector.shape_cast %swap3A_708 : vector<1x16xf32> to vector<16xf32>
    %swap3A_710 = vector.shape_cast %broadcast_in_dim3A_1 : vector<16xf32> to vector<1x16xf32>
    tpu.vector_store %arg8[%swap3A_706, %swap3A_707], %swap3A_710 {strides = array<i32>} : memref<16x128xf32, #tpu.memory_space<vmem>>, vector<1x16xf32>,
    %swap3A_711 = arith.constant 14 : i32
    %swap3A_712 = arith.index_cast %swap3A_711 : i32 to index
    %swap3A_713 = arith.constant 96 : index
    %swap3A_714 = tpu.vector_load %arg8[%swap3A_712, %swap3A_713] {strides = array<i32>} : memref<16x128xf32, #tpu.memory_space<vmem>>, vector<1x16xf32>,
    %swap3A_715 = vector.shape_cast %swap3A_714 : vector<1x16xf32> to vector<16xf32>
    %swap3A_716 = vector.shape_cast %broadcast_in_dim3A_1 : vector<16xf32> to vector<1x16xf32>
    tpu.vector_store %arg8[%swap3A_712, %swap3A_713], %swap3A_716 {strides = array<i32>} : memref<16x128xf32, #tpu.memory_space<vmem>>, vector<1x16xf32>,
    %swap3A_717 = arith.constant 14 : i32
    %swap3A_718 = arith.index_cast %swap3A_717 : i32 to index
    %swap3A_719 = arith.constant 112 : index
    %swap3A_720 = tpu.vector_load %arg8[%swap3A_718, %swap3A_719] {strides = array<i32>} : memref<16x128xf32, #tpu.memory_space<vmem>>, vector<1x16xf32>,
    %swap3A_721 = vector.shape_cast %swap3A_720 : vector<1x16xf32> to vector<16xf32>
    %swap3A_722 = vector.shape_cast %broadcast_in_dim3A_1 : vector<16xf32> to vector<1x16xf32>
    tpu.vector_store %arg8[%swap3A_718, %swap3A_719], %swap3A_722 {strides = array<i32>} : memref<16x128xf32, #tpu.memory_space<vmem>>, vector<1x16xf32>,
    %swap3A_723 = arith.constant 15 : i32
    %swap3A_724 = arith.index_cast %swap3A_723 : i32 to index
    %swap3A_725 = arith.constant 0 : index
    %swap3A_726 = tpu.vector_load %arg8[%swap3A_724, %swap3A_725] {strides = array<i32>} : memref<16x128xf32, #tpu.memory_space<vmem>>, vector<1x16xf32>,
    %swap3A_727 = vector.shape_cast %swap3A_726 : vector<1x16xf32> to vector<16xf32>
    %swap3A_728 = vector.shape_cast %broadcast_in_dim3A_1 : vector<16xf32> to vector<1x16xf32>
    tpu.vector_store %arg8[%swap3A_724, %swap3A_725], %swap3A_728 {strides = array<i32>} : memref<16x128xf32, #tpu.memory_space<vmem>>, vector<1x16xf32>,
    %swap3A_729 = arith.constant 15 : i32
    %swap3A_730 = arith.index_cast %swap3A_729 : i32 to index
    %swap3A_731 = arith.constant 16 : index
    %swap3A_732 = tpu.vector_load %arg8[%swap3A_730, %swap3A_731] {strides = array<i32>} : memref<16x128xf32, #tpu.memory_space<vmem>>, vector<1x16xf32>,
    %swap3A_733 = vector.shape_cast %swap3A_732 : vector<1x16xf32> to vector<16xf32>
    %swap3A_734 = vector.shape_cast %broadcast_in_dim3A_1 : vector<16xf32> to vector<1x16xf32>
    tpu.vector_store %arg8[%swap3A_730, %swap3A_731], %swap3A_734 {strides = array<i32>} : memref<16x128xf32, #tpu.memory_space<vmem>>, vector<1x16xf32>,
    %swap3A_735 = arith.constant 15 : i32
    %swap3A_736 = arith.index_cast %swap3A_735 : i32 to index
    %swap3A_737 = arith.constant 32 : index
    %swap3A_738 = tpu.vector_load %arg8[%swap3A_736, %swap3A_737] {strides = array<i32>} : memref<16x128xf32, #tpu.memory_space<vmem>>, vector<1x16xf32>,
    %swap3A_739 = vector.shape_cast %swap3A_738 : vector<1x16xf32> to vector<16xf32>
    %swap3A_740 = vector.shape_cast %broadcast_in_dim3A_1 : vector<16xf32> to vector<1x16xf32>
    tpu.vector_store %arg8[%swap3A_736, %swap3A_737], %swap3A_740 {strides = array<i32>} : memref<16x128xf32, #tpu.memory_space<vmem>>, vector<1x16xf32>,
    %swap3A_741 = arith.constant 15 : i32
    %swap3A_742 = arith.index_cast %swap3A_741 : i32 to index
    %swap3A_743 = arith.constant 48 : index
    %swap3A_744 = tpu.vector_load %arg8[%swap3A_742, %swap3A_743] {strides = array<i32>} : memref<16x128xf32, #tpu.memory_space<vmem>>, vector<1x16xf32>,
    %swap3A_745 = vector.shape_cast %swap3A_744 : vector<1x16xf32> to vector<16xf32>
    %swap3A_746 = vector.shape_cast %broadcast_in_dim3A_1 : vector<16xf32> to vector<1x16xf32>
    tpu.vector_store %arg8[%swap3A_742, %swap3A_743], %swap3A_746 {strides = array<i32>} : memref<16x128xf32, #tpu.memory_space<vmem>>, vector<1x16xf32>,
    %swap3A_747 = arith.constant 15 : i32
    %swap3A_748 = arith.index_cast %swap3A_747 : i32 to index
    %swap3A_749 = arith.constant 64 : index
    %swap3A_750 = tpu.vector_load %arg8[%swap3A_748, %swap3A_749] {strides = array<i32>} : memref<16x128xf32, #tpu.memory_space<vmem>>, vector<1x16xf32>,
    %swap3A_751 = vector.shape_cast %swap3A_750 : vector<1x16xf32> to vector<16xf32>
    %swap3A_752 = vector.shape_cast %broadcast_in_dim3A_1 : vector<16xf32> to vector<1x16xf32>
    tpu.vector_store %arg8[%swap3A_748, %swap3A_749], %swap3A_752 {strides = array<i32>} : memref<16x128xf32, #tpu.memory_space<vmem>>, vector<1x16xf32>,
    %swap3A_753 = arith.constant 15 : i32
    %swap3A_754 = arith.index_cast %swap3A_753 : i32 to index
    %swap3A_755 = arith.constant 80 : index
    %swap3A_756 = tpu.vector_load %arg8[%swap3A_754, %swap3A_755] {strides = array<i32>} : memref<16x128xf32, #tpu.memory_space<vmem>>, vector<1x16xf32>,
    %swap3A_757 = vector.shape_cast %swap3A_756 : vector<1x16xf32> to vector<16xf32>
    %swap3A_758 = vector.shape_cast %broadcast_in_dim3A_1 : vector<16xf32> to vector<1x16xf32>
    tpu.vector_store %arg8[%swap3A_754, %swap3A_755], %swap3A_758 {strides = array<i32>} : memref<16x128xf32, #tpu.memory_space<vmem>>, vector<1x16xf32>,
    %swap3A_759 = arith.constant 15 : i32
    %swap3A_760 = arith.index_cast %swap3A_759 : i32 to index
    %swap3A_761 = arith.constant 96 : index
    %swap3A_762 = tpu.vector_load %arg8[%swap3A_760, %swap3A_761] {strides = array<i32>} : memref<16x128xf32, #tpu.memory_space<vmem>>, vector<1x16xf32>,
    %swap3A_763 = vector.shape_cast %swap3A_762 : vector<1x16xf32> to vector<16xf32>
    %swap3A_764 = vector.shape_cast %broadcast_in_dim3A_1 : vector<16xf32> to vector<1x16xf32>
    tpu.vector_store %arg8[%swap3A_760, %swap3A_761], %swap3A_764 {strides = array<i32>} : memref<16x128xf32, #tpu.memory_space<vmem>>, vector<1x16xf32>,
    %swap3A_765 = arith.constant 15 : i32
    %swap3A_766 = arith.index_cast %swap3A_765 : i32 to index
    %swap3A_767 = arith.constant 112 : index
    %swap3A_768 = tpu.vector_load %arg8[%swap3A_766, %swap3A_767] {strides = array<i32>} : memref<16x128xf32, #tpu.memory_space<vmem>>, vector<1x16xf32>,
    %swap3A_769 = vector.shape_cast %swap3A_768 : vector<1x16xf32> to vector<16xf32>
    %swap3A_770 = vector.shape_cast %broadcast_in_dim3A_1 : vector<16xf32> to vector<1x16xf32>
    tpu.vector_store %arg8[%swap3A_766, %swap3A_767], %swap3A_770 {strides = array<i32>} : memref<16x128xf32, #tpu.memory_space<vmem>>, vector<1x16xf32>,
    %swap3A_771 = arith.constant 0 : index
    %swap3A_772 = tpu.vector_load %arg9[%swap3A_771] {strides = array<i32>} : memref<128xf32, #tpu.memory_space<vmem>>, vector<16xf32>,
    %swap3A_773 = vector.shape_cast %swap3A_772 : vector<16xf32> to vector<16xf32>
    %swap3A_774 = vector.shape_cast %broadcast_in_dim3A_3 : vector<16xf32> to vector<16xf32>
    tpu.vector_store %arg9[%swap3A_771], %swap3A_774 {strides = array<i32>} : memref<128xf32, #tpu.memory_space<vmem>>, vector<16xf32>,
    %swap3A_775 = arith.constant 16 : index
    %swap3A_776 = tpu.vector_load %arg9[%swap3A_775] {strides = array<i32>} : memref<128xf32, #tpu.memory_space<vmem>>, vector<16xf32>,
    %swap3A_777 = vector.shape_cast %swap3A_776 : vector<16xf32> to vector<16xf32>
    %swap3A_778 = vector.shape_cast %broadcast_in_dim3A_3 : vector<16xf32> to vector<16xf32>
    tpu.vector_store %arg9[%swap3A_775], %swap3A_778 {strides = array<i32>} : memref<128xf32, #tpu.memory_space<vmem>>, vector<16xf32>,
    %swap3A_779 = arith.constant 32 : index
    %swap3A_780 = tpu.vector_load %arg9[%swap3A_779] {strides = array<i32>} : memref<128xf32, #tpu.memory_space<vmem>>, vector<16xf32>,
    %swap3A_781 = vector.shape_cast %swap3A_780 : vector<16xf32> to vector<16xf32>
    %swap3A_782 = vector.shape_cast %broadcast_in_dim3A_3 : vector<16xf32> to vector<16xf32>
    tpu.vector_store %arg9[%swap3A_779], %swap3A_782 {strides = array<i32>} : memref<128xf32, #tpu.memory_space<vmem>>, vector<16xf32>,
    %swap3A_783 = arith.constant 48 : index
    %swap3A_784 = tpu.vector_load %arg9[%swap3A_783] {strides = array<i32>} : memref<128xf32, #tpu.memory_space<vmem>>, vector<16xf32>,
    %swap3A_785 = vector.shape_cast %swap3A_784 : vector<16xf32> to vector<16xf32>
    %swap3A_786 = vector.shape_cast %broadcast_in_dim3A_3 : vector<16xf32> to vector<16xf32>
    tpu.vector_store %arg9[%swap3A_783], %swap3A_786 {strides = array<i32>} : memref<128xf32, #tpu.memory_space<vmem>>, vector<16xf32>,
    %swap3A_787 = arith.constant 64 : index
    %swap3A_788 = tpu.vector_load %arg9[%swap3A_787] {strides = array<i32>} : memref<128xf32, #tpu.memory_space<vmem>>, vector<16xf32>,
    %swap3A_789 = vector.shape_cast %swap3A_788 : vector<16xf32> to vector<16xf32>
    %swap3A_790 = vector.shape_cast %broadcast_in_dim3A_3 : vector<16xf32> to vector<16xf32>
    tpu.vector_store %arg9[%swap3A_787], %swap3A_790 {strides = array<i32>} : memref<128xf32, #tpu.memory_space<vmem>>, vector<16xf32>,
    %swap3A_791 = arith.constant 80 : index
    %swap3A_792 = tpu.vector_load %arg9[%swap3A_791] {strides = array<i32>} : memref<128xf32, #tpu.memory_space<vmem>>, vector<16xf32>,
    %swap3A_793 = vector.shape_cast %swap3A_792 : vector<16xf32> to vector<16xf32>
    %swap3A_794 = vector.shape_cast %broadcast_in_dim3A_3 : vector<16xf32> to vector<16xf32>
    tpu.vector_store %arg9[%swap3A_791], %swap3A_794 {strides = array<i32>} : memref<128xf32, #tpu.memory_space<vmem>>, vector<16xf32>,
    %swap3A_795 = arith.constant 96 : index
    %swap3A_796 = tpu.vector_load %arg9[%swap3A_795] {strides = array<i32>} : memref<128xf32, #tpu.memory_space<vmem>>, vector<16xf32>,
    %swap3A_797 = vector.shape_cast %swap3A_796 : vector<16xf32> to vector<16xf32>
    %swap3A_798 = vector.shape_cast %broadcast_in_dim3A_3 : vector<16xf32> to vector<16xf32>
    tpu.vector_store %arg9[%swap3A_795], %swap3A_798 {strides = array<i32>} : memref<128xf32, #tpu.memory_space<vmem>>, vector<16xf32>,
    %swap3A_799 = arith.constant 112 : index
    %swap3A_800 = tpu.vector_load %arg9[%swap3A_799] {strides = array<i32>} : memref<128xf32, #tpu.memory_space<vmem>>, vector<16xf32>,
    %swap3A_801 = vector.shape_cast %swap3A_800 : vector<16xf32> to vector<16xf32>
    %swap3A_802 = vector.shape_cast %broadcast_in_dim3A_3 : vector<16xf32> to vector<16xf32>
    tpu.vector_store %arg9[%swap3A_799], %swap3A_802 {strides = array<i32>} : memref<128xf32, #tpu.memory_space<vmem>>, vector<16xf32>,
    %scan3A = arith.constant 0 : i32
    %scan3A_803 = arith.constant 0 : i32
    %scan3A_804 = arith.constant 40 : i32
    %scan3A_805 = arith.addi %scan3A_803, %scan3A_804 : i32
    %scan3A_806 = arith.constant 1 : i32
    scf.for %scan3A_901 = %scan3A_803 to %scan3A_805 step %scan3A_806  : i32 {
      %mul3A_902 = arith.constant 16 : i32
      %mul3A_903 = arith.muli %scan3A_901, %mul3A_902 : i32
      %swap3A_904 = arith.index_cast %mul3A_903 : i32 to index
      %swap3A_905 = tpu.vector_load %arg10[%swap3A_904] {strides = array<i32>} : memref<640xf32, #tpu.memory_space<vmem>>, vector<16xf32>,
      %swap3A_906 = vector.shape_cast %swap3A_905 : vector<16xf32> to vector<16xf32>
      %swap3A_907 = vector.shape_cast %broadcast_in_dim3A_1 : vector<16xf32> to vector<16xf32>
      tpu.vector_store %arg10[%swap3A_904], %swap3A_907 {strides = array<i32>} : memref<640xf32, #tpu.memory_space<vmem>>, vector<16xf32>,
    }
    %scan3A_807 = arith.constant 40 : i32
    %mul3A_808 = arith.constant 640 : i32
    %mul3A_809 = arith.muli %arg1, %mul3A_808 : i32
    "tpu.region"() ({
      %run_scoped3A_901 = tpu.sem_alloc : memref<!tpu.dma_semaphore, #tpu.memory_space<semaphore_mem>>
      %dma_start3A = tpu.memref_slice %arg12[%mul3A_809] : memref<10240xf32, #tpu.memory_space<vmem_shared>> -> memref<640xf32, #tpu.memory_space<vmem_shared>>
      %dma_start3A_902 = tpu.memref_slice %arg12[%mul3A_809] : memref<10240xf32, #tpu.memory_space<vmem_shared>> -> memref<640xf32, #tpu.memory_space<vmem_shared>>
      tpu.enqueue_dma source(%arg10 : memref<640xf32, #tpu.memory_space<vmem>>) target(%dma_start3A_902 : memref<640xf32, #tpu.memory_space<vmem_shared>>) target_semaphore(%run_scoped3A_901 : memref<!tpu.dma_semaphore, #tpu.memory_space<semaphore_mem>>)
      %dma_wait3A = tpu.memref_slice %arg12[%mul3A_809] : memref<10240xf32, #tpu.memory_space<vmem_shared>> -> memref<640xf32, #tpu.memory_space<vmem_shared>>
      %dma_wait3A_903 = tpu.memref_slice %arg12[%mul3A_809] : memref<10240xf32, #tpu.memory_space<vmem_shared>> -> memref<640xf32, #tpu.memory_space<vmem_shared>>
      tpu.wait_dma2 semaphore(%run_scoped3A_901 : memref<!tpu.dma_semaphore, #tpu.memory_space<semaphore_mem>>) src(%arg10 : memref<640xf32, #tpu.memory_space<vmem>>) dst(%dma_wait3A_903 : memref<640xf32, #tpu.memory_space<vmem_shared>>)
      tpu.yield
    }) : () -> ()
    "tpu.region"() ({
      %run_scoped3A_901 = tpu.sem_alloc : memref<!tpu.dma_semaphore, #tpu.memory_space<semaphore_mem>>
      %dma_start3A = tpu.memref_slice %arg13[%mul3A_809] : memref<10240xf32, #tpu.memory_space<vmem_shared>> -> memref<640xf32, #tpu.memory_space<vmem_shared>>
      %dma_start3A_902 = tpu.memref_slice %arg13[%mul3A_809] : memref<10240xf32, #tpu.memory_space<vmem_shared>> -> memref<640xf32, #tpu.memory_space<vmem_shared>>
      tpu.enqueue_dma source(%arg10 : memref<640xf32, #tpu.memory_space<vmem>>) target(%dma_start3A_902 : memref<640xf32, #tpu.memory_space<vmem_shared>>) target_semaphore(%run_scoped3A_901 : memref<!tpu.dma_semaphore, #tpu.memory_space<semaphore_mem>>)
      %dma_wait3A = tpu.memref_slice %arg13[%mul3A_809] : memref<10240xf32, #tpu.memory_space<vmem_shared>> -> memref<640xf32, #tpu.memory_space<vmem_shared>>
      %dma_wait3A_903 = tpu.memref_slice %arg13[%mul3A_809] : memref<10240xf32, #tpu.memory_space<vmem_shared>> -> memref<640xf32, #tpu.memory_space<vmem_shared>>
      tpu.wait_dma2 semaphore(%run_scoped3A_901 : memref<!tpu.dma_semaphore, #tpu.memory_space<semaphore_mem>>) src(%arg10 : memref<640xf32, #tpu.memory_space<vmem>>) dst(%dma_wait3A_903 : memref<640xf32, #tpu.memory_space<vmem_shared>>)
      tpu.yield
    }) : () -> ()
    %add3A_810 = arith.constant 0 : i32
    %add3A_811 = arith.addi %mul3A_809, %add3A_810 : i32
    "tpu.region"() ({
      %run_scoped3A_901 = tpu.sem_alloc : memref<!tpu.dma_semaphore, #tpu.memory_space<semaphore_mem>>
      %dma_start3A = arith.constant 0 : i32
      %dma_start3A_902 = tpu.memref_slice %arg11[%add3A_811, %dma_start3A] : memref<10240x128xf32, #tpu.memory_space<vmem_shared>> -> memref<16x128xf32, #tpu.memory_space<vmem_shared>>
      %dma_start3A_903 = arith.constant 0 : i32
      %dma_start3A_904 = tpu.memref_slice %arg11[%add3A_811, %dma_start3A_903] : memref<10240x128xf32, #tpu.memory_space<vmem_shared>> -> memref<16x128xf32, #tpu.memory_space<vmem_shared>>
      tpu.enqueue_dma source(%arg8 : memref<16x128xf32, #tpu.memory_space<vmem>>) target(%dma_start3A_904 : memref<16x128xf32, #tpu.memory_space<vmem_shared>>) target_semaphore(%run_scoped3A_901 : memref<!tpu.dma_semaphore, #tpu.memory_space<semaphore_mem>>)
      %dma_wait3A = arith.constant 0 : i32
      %dma_wait3A_905 = tpu.memref_slice %arg11[%add3A_811, %dma_wait3A] : memref<10240x128xf32, #tpu.memory_space<vmem_shared>> -> memref<16x128xf32, #tpu.memory_space<vmem_shared>>
      %dma_wait3A_906 = arith.constant 0 : i32
      %dma_wait3A_907 = tpu.memref_slice %arg11[%add3A_811, %dma_wait3A_906] : memref<10240x128xf32, #tpu.memory_space<vmem_shared>> -> memref<16x128xf32, #tpu.memory_space<vmem_shared>>
      tpu.wait_dma2 semaphore(%run_scoped3A_901 : memref<!tpu.dma_semaphore, #tpu.memory_space<semaphore_mem>>) src(%arg8 : memref<16x128xf32, #tpu.memory_space<vmem>>) dst(%dma_wait3A_907 : memref<16x128xf32, #tpu.memory_space<vmem_shared>>)
      tpu.yield
    }) : () -> ()
    %add3A_812 = arith.constant 16 : i32
    %add3A_813 = arith.addi %mul3A_809, %add3A_812 : i32
    "tpu.region"() ({
      %run_scoped3A_901 = tpu.sem_alloc : memref<!tpu.dma_semaphore, #tpu.memory_space<semaphore_mem>>
      %dma_start3A = arith.constant 0 : i32
      %dma_start3A_902 = tpu.memref_slice %arg11[%add3A_813, %dma_start3A] : memref<10240x128xf32, #tpu.memory_space<vmem_shared>> -> memref<16x128xf32, #tpu.memory_space<vmem_shared>>
      %dma_start3A_903 = arith.constant 0 : i32
      %dma_start3A_904 = tpu.memref_slice %arg11[%add3A_813, %dma_start3A_903] : memref<10240x128xf32, #tpu.memory_space<vmem_shared>> -> memref<16x128xf32, #tpu.memory_space<vmem_shared>>
      tpu.enqueue_dma source(%arg8 : memref<16x128xf32, #tpu.memory_space<vmem>>) target(%dma_start3A_904 : memref<16x128xf32, #tpu.memory_space<vmem_shared>>) target_semaphore(%run_scoped3A_901 : memref<!tpu.dma_semaphore, #tpu.memory_space<semaphore_mem>>)
      %dma_wait3A = arith.constant 0 : i32
      %dma_wait3A_905 = tpu.memref_slice %arg11[%add3A_813, %dma_wait3A] : memref<10240x128xf32, #tpu.memory_space<vmem_shared>> -> memref<16x128xf32, #tpu.memory_space<vmem_shared>>
      %dma_wait3A_906 = arith.constant 0 : i32
      %dma_wait3A_907 = tpu.memref_slice %arg11[%add3A_813, %dma_wait3A_906] : memref<10240x128xf32, #tpu.memory_space<vmem_shared>> -> memref<16x128xf32, #tpu.memory_space<vmem_shared>>
      tpu.wait_dma2 semaphore(%run_scoped3A_901 : memref<!tpu.dma_semaphore, #tpu.memory_space<semaphore_mem>>) src(%arg8 : memref<16x128xf32, #tpu.memory_space<vmem>>) dst(%dma_wait3A_907 : memref<16x128xf32, #tpu.memory_space<vmem_shared>>)
      tpu.yield
    }) : () -> ()
    %add3A_814 = arith.constant 32 : i32
    %add3A_815 = arith.addi %mul3A_809, %add3A_814 : i32
    "tpu.region"() ({
      %run_scoped3A_901 = tpu.sem_alloc : memref<!tpu.dma_semaphore, #tpu.memory_space<semaphore_mem>>
      %dma_start3A = arith.constant 0 : i32
      %dma_start3A_902 = tpu.memref_slice %arg11[%add3A_815, %dma_start3A] : memref<10240x128xf32, #tpu.memory_space<vmem_shared>> -> memref<16x128xf32, #tpu.memory_space<vmem_shared>>
      %dma_start3A_903 = arith.constant 0 : i32
      %dma_start3A_904 = tpu.memref_slice %arg11[%add3A_815, %dma_start3A_903] : memref<10240x128xf32, #tpu.memory_space<vmem_shared>> -> memref<16x128xf32, #tpu.memory_space<vmem_shared>>
      tpu.enqueue_dma source(%arg8 : memref<16x128xf32, #tpu.memory_space<vmem>>) target(%dma_start3A_904 : memref<16x128xf32, #tpu.memory_space<vmem_shared>>) target_semaphore(%run_scoped3A_901 : memref<!tpu.dma_semaphore, #tpu.memory_space<semaphore_mem>>)
      %dma_wait3A = arith.constant 0 : i32
      %dma_wait3A_905 = tpu.memref_slice %arg11[%add3A_815, %dma_wait3A] : memref<10240x128xf32, #tpu.memory_space<vmem_shared>> -> memref<16x128xf32, #tpu.memory_space<vmem_shared>>
      %dma_wait3A_906 = arith.constant 0 : i32
      %dma_wait3A_907 = tpu.memref_slice %arg11[%add3A_815, %dma_wait3A_906] : memref<10240x128xf32, #tpu.memory_space<vmem_shared>> -> memref<16x128xf32, #tpu.memory_space<vmem_shared>>
      tpu.wait_dma2 semaphore(%run_scoped3A_901 : memref<!tpu.dma_semaphore, #tpu.memory_space<semaphore_mem>>) src(%arg8 : memref<16x128xf32, #tpu.memory_space<vmem>>) dst(%dma_wait3A_907 : memref<16x128xf32, #tpu.memory_space<vmem_shared>>)
      tpu.yield
    }) : () -> ()
    %add3A_816 = arith.constant 48 : i32
    %add3A_817 = arith.addi %mul3A_809, %add3A_816 : i32
    "tpu.region"() ({
      %run_scoped3A_901 = tpu.sem_alloc : memref<!tpu.dma_semaphore, #tpu.memory_space<semaphore_mem>>
      %dma_start3A = arith.constant 0 : i32
      %dma_start3A_902 = tpu.memref_slice %arg11[%add3A_817, %dma_start3A] : memref<10240x128xf32, #tpu.memory_space<vmem_shared>> -> memref<16x128xf32, #tpu.memory_space<vmem_shared>>
      %dma_start3A_903 = arith.constant 0 : i32
      %dma_start3A_904 = tpu.memref_slice %arg11[%add3A_817, %dma_start3A_903] : memref<10240x128xf32, #tpu.memory_space<vmem_shared>> -> memref<16x128xf32, #tpu.memory_space<vmem_shared>>
      tpu.enqueue_dma source(%arg8 : memref<16x128xf32, #tpu.memory_space<vmem>>) target(%dma_start3A_904 : memref<16x128xf32, #tpu.memory_space<vmem_shared>>) target_semaphore(%run_scoped3A_901 : memref<!tpu.dma_semaphore, #tpu.memory_space<semaphore_mem>>)
      %dma_wait3A = arith.constant 0 : i32
      %dma_wait3A_905 = tpu.memref_slice %arg11[%add3A_817, %dma_wait3A] : memref<10240x128xf32, #tpu.memory_space<vmem_shared>> -> memref<16x128xf32, #tpu.memory_space<vmem_shared>>
      %dma_wait3A_906 = arith.constant 0 : i32
      %dma_wait3A_907 = tpu.memref_slice %arg11[%add3A_817, %dma_wait3A_906] : memref<10240x128xf32, #tpu.memory_space<vmem_shared>> -> memref<16x128xf32, #tpu.memory_space<vmem_shared>>
      tpu.wait_dma2 semaphore(%run_scoped3A_901 : memref<!tpu.dma_semaphore, #tpu.memory_space<semaphore_mem>>) src(%arg8 : memref<16x128xf32, #tpu.memory_space<vmem>>) dst(%dma_wait3A_907 : memref<16x128xf32, #tpu.memory_space<vmem_shared>>)
      tpu.yield
    }) : () -> ()
    %add3A_818 = arith.constant 64 : i32
    %add3A_819 = arith.addi %mul3A_809, %add3A_818 : i32
    "tpu.region"() ({
      %run_scoped3A_901 = tpu.sem_alloc : memref<!tpu.dma_semaphore, #tpu.memory_space<semaphore_mem>>
      %dma_start3A = arith.constant 0 : i32
      %dma_start3A_902 = tpu.memref_slice %arg11[%add3A_819, %dma_start3A] : memref<10240x128xf32, #tpu.memory_space<vmem_shared>> -> memref<16x128xf32, #tpu.memory_space<vmem_shared>>
      %dma_start3A_903 = arith.constant 0 : i32
      %dma_start3A_904 = tpu.memref_slice %arg11[%add3A_819, %dma_start3A_903] : memref<10240x128xf32, #tpu.memory_space<vmem_shared>> -> memref<16x128xf32, #tpu.memory_space<vmem_shared>>
      tpu.enqueue_dma source(%arg8 : memref<16x128xf32, #tpu.memory_space<vmem>>) target(%dma_start3A_904 : memref<16x128xf32, #tpu.memory_space<vmem_shared>>) target_semaphore(%run_scoped3A_901 : memref<!tpu.dma_semaphore, #tpu.memory_space<semaphore_mem>>)
      %dma_wait3A = arith.constant 0 : i32
      %dma_wait3A_905 = tpu.memref_slice %arg11[%add3A_819, %dma_wait3A] : memref<10240x128xf32, #tpu.memory_space<vmem_shared>> -> memref<16x128xf32, #tpu.memory_space<vmem_shared>>
      %dma_wait3A_906 = arith.constant 0 : i32
      %dma_wait3A_907 = tpu.memref_slice %arg11[%add3A_819, %dma_wait3A_906] : memref<10240x128xf32, #tpu.memory_space<vmem_shared>> -> memref<16x128xf32, #tpu.memory_space<vmem_shared>>
      tpu.wait_dma2 semaphore(%run_scoped3A_901 : memref<!tpu.dma_semaphore, #tpu.memory_space<semaphore_mem>>) src(%arg8 : memref<16x128xf32, #tpu.memory_space<vmem>>) dst(%dma_wait3A_907 : memref<16x128xf32, #tpu.memory_space<vmem_shared>>)
      tpu.yield
    }) : () -> ()
    %add3A_820 = arith.constant 80 : i32
    %add3A_821 = arith.addi %mul3A_809, %add3A_820 : i32
    "tpu.region"() ({
      %run_scoped3A_901 = tpu.sem_alloc : memref<!tpu.dma_semaphore, #tpu.memory_space<semaphore_mem>>
      %dma_start3A = arith.constant 0 : i32
      %dma_start3A_902 = tpu.memref_slice %arg11[%add3A_821, %dma_start3A] : memref<10240x128xf32, #tpu.memory_space<vmem_shared>> -> memref<16x128xf32, #tpu.memory_space<vmem_shared>>
      %dma_start3A_903 = arith.constant 0 : i32
      %dma_start3A_904 = tpu.memref_slice %arg11[%add3A_821, %dma_start3A_903] : memref<10240x128xf32, #tpu.memory_space<vmem_shared>> -> memref<16x128xf32, #tpu.memory_space<vmem_shared>>
      tpu.enqueue_dma source(%arg8 : memref<16x128xf32, #tpu.memory_space<vmem>>) target(%dma_start3A_904 : memref<16x128xf32, #tpu.memory_space<vmem_shared>>) target_semaphore(%run_scoped3A_901 : memref<!tpu.dma_semaphore, #tpu.memory_space<semaphore_mem>>)
      %dma_wait3A = arith.constant 0 : i32
      %dma_wait3A_905 = tpu.memref_slice %arg11[%add3A_821, %dma_wait3A] : memref<10240x128xf32, #tpu.memory_space<vmem_shared>> -> memref<16x128xf32, #tpu.memory_space<vmem_shared>>
      %dma_wait3A_906 = arith.constant 0 : i32
      %dma_wait3A_907 = tpu.memref_slice %arg11[%add3A_821, %dma_wait3A_906] : memref<10240x128xf32, #tpu.memory_space<vmem_shared>> -> memref<16x128xf32, #tpu.memory_space<vmem_shared>>
      tpu.wait_dma2 semaphore(%run_scoped3A_901 : memref<!tpu.dma_semaphore, #tpu.memory_space<semaphore_mem>>) src(%arg8 : memref<16x128xf32, #tpu.memory_space<vmem>>) dst(%dma_wait3A_907 : memref<16x128xf32, #tpu.memory_space<vmem_shared>>)
      tpu.yield
    }) : () -> ()
    %add3A_822 = arith.constant 96 : i32
    %add3A_823 = arith.addi %mul3A_809, %add3A_822 : i32
    "tpu.region"() ({
      %run_scoped3A_901 = tpu.sem_alloc : memref<!tpu.dma_semaphore, #tpu.memory_space<semaphore_mem>>
      %dma_start3A = arith.constant 0 : i32
      %dma_start3A_902 = tpu.memref_slice %arg11[%add3A_823, %dma_start3A] : memref<10240x128xf32, #tpu.memory_space<vmem_shared>> -> memref<16x128xf32, #tpu.memory_space<vmem_shared>>
      %dma_start3A_903 = arith.constant 0 : i32
      %dma_start3A_904 = tpu.memref_slice %arg11[%add3A_823, %dma_start3A_903] : memref<10240x128xf32, #tpu.memory_space<vmem_shared>> -> memref<16x128xf32, #tpu.memory_space<vmem_shared>>
      tpu.enqueue_dma source(%arg8 : memref<16x128xf32, #tpu.memory_space<vmem>>) target(%dma_start3A_904 : memref<16x128xf32, #tpu.memory_space<vmem_shared>>) target_semaphore(%run_scoped3A_901 : memref<!tpu.dma_semaphore, #tpu.memory_space<semaphore_mem>>)
      %dma_wait3A = arith.constant 0 : i32
      %dma_wait3A_905 = tpu.memref_slice %arg11[%add3A_823, %dma_wait3A] : memref<10240x128xf32, #tpu.memory_space<vmem_shared>> -> memref<16x128xf32, #tpu.memory_space<vmem_shared>>
      %dma_wait3A_906 = arith.constant 0 : i32
      %dma_wait3A_907 = tpu.memref_slice %arg11[%add3A_823, %dma_wait3A_906] : memref<10240x128xf32, #tpu.memory_space<vmem_shared>> -> memref<16x128xf32, #tpu.memory_space<vmem_shared>>
      tpu.wait_dma2 semaphore(%run_scoped3A_901 : memref<!tpu.dma_semaphore, #tpu.memory_space<semaphore_mem>>) src(%arg8 : memref<16x128xf32, #tpu.memory_space<vmem>>) dst(%dma_wait3A_907 : memref<16x128xf32, #tpu.memory_space<vmem_shared>>)
      tpu.yield
    }) : () -> ()
    %add3A_824 = arith.constant 112 : i32
    %add3A_825 = arith.addi %mul3A_809, %add3A_824 : i32
    "tpu.region"() ({
      %run_scoped3A_901 = tpu.sem_alloc : memref<!tpu.dma_semaphore, #tpu.memory_space<semaphore_mem>>
      %dma_start3A = arith.constant 0 : i32
      %dma_start3A_902 = tpu.memref_slice %arg11[%add3A_825, %dma_start3A] : memref<10240x128xf32, #tpu.memory_space<vmem_shared>> -> memref<16x128xf32, #tpu.memory_space<vmem_shared>>
      %dma_start3A_903 = arith.constant 0 : i32
      %dma_start3A_904 = tpu.memref_slice %arg11[%add3A_825, %dma_start3A_903] : memref<10240x128xf32, #tpu.memory_space<vmem_shared>> -> memref<16x128xf32, #tpu.memory_space<vmem_shared>>
      tpu.enqueue_dma source(%arg8 : memref<16x128xf32, #tpu.memory_space<vmem>>) target(%dma_start3A_904 : memref<16x128xf32, #tpu.memory_space<vmem_shared>>) target_semaphore(%run_scoped3A_901 : memref<!tpu.dma_semaphore, #tpu.memory_space<semaphore_mem>>)
      %dma_wait3A = arith.constant 0 : i32
      %dma_wait3A_905 = tpu.memref_slice %arg11[%add3A_825, %dma_wait3A] : memref<10240x128xf32, #tpu.memory_space<vmem_shared>> -> memref<16x128xf32, #tpu.memory_space<vmem_shared>>
      %dma_wait3A_906 = arith.constant 0 : i32
      %dma_wait3A_907 = tpu.memref_slice %arg11[%add3A_825, %dma_wait3A_906] : memref<10240x128xf32, #tpu.memory_space<vmem_shared>> -> memref<16x128xf32, #tpu.memory_space<vmem_shared>>
      tpu.wait_dma2 semaphore(%run_scoped3A_901 : memref<!tpu.dma_semaphore, #tpu.memory_space<semaphore_mem>>) src(%arg8 : memref<16x128xf32, #tpu.memory_space<vmem>>) dst(%dma_wait3A_907 : memref<16x128xf32, #tpu.memory_space<vmem_shared>>)
      tpu.yield
    }) : () -> ()
    %add3A_826 = arith.constant 128 : i32
    %add3A_827 = arith.addi %mul3A_809, %add3A_826 : i32
    "tpu.region"() ({
      %run_scoped3A_901 = tpu.sem_alloc : memref<!tpu.dma_semaphore, #tpu.memory_space<semaphore_mem>>
      %dma_start3A = arith.constant 0 : i32
      %dma_start3A_902 = tpu.memref_slice %arg11[%add3A_827, %dma_start3A] : memref<10240x128xf32, #tpu.memory_space<vmem_shared>> -> memref<16x128xf32, #tpu.memory_space<vmem_shared>>
      %dma_start3A_903 = arith.constant 0 : i32
      %dma_start3A_904 = tpu.memref_slice %arg11[%add3A_827, %dma_start3A_903] : memref<10240x128xf32, #tpu.memory_space<vmem_shared>> -> memref<16x128xf32, #tpu.memory_space<vmem_shared>>
      tpu.enqueue_dma source(%arg8 : memref<16x128xf32, #tpu.memory_space<vmem>>) target(%dma_start3A_904 : memref<16x128xf32, #tpu.memory_space<vmem_shared>>) target_semaphore(%run_scoped3A_901 : memref<!tpu.dma_semaphore, #tpu.memory_space<semaphore_mem>>)
      %dma_wait3A = arith.constant 0 : i32
      %dma_wait3A_905 = tpu.memref_slice %arg11[%add3A_827, %dma_wait3A] : memref<10240x128xf32, #tpu.memory_space<vmem_shared>> -> memref<16x128xf32, #tpu.memory_space<vmem_shared>>
      %dma_wait3A_906 = arith.constant 0 : i32
      %dma_wait3A_907 = tpu.memref_slice %arg11[%add3A_827, %dma_wait3A_906] : memref<10240x128xf32, #tpu.memory_space<vmem_shared>> -> memref<16x128xf32, #tpu.memory_space<vmem_shared>>
      tpu.wait_dma2 semaphore(%run_scoped3A_901 : memref<!tpu.dma_semaphore, #tpu.memory_space<semaphore_mem>>) src(%arg8 : memref<16x128xf32, #tpu.memory_space<vmem>>) dst(%dma_wait3A_907 : memref<16x128xf32, #tpu.memory_space<vmem_shared>>)
      tpu.yield
    }) : () -> ()
    %add3A_828 = arith.constant 144 : i32
    %add3A_829 = arith.addi %mul3A_809, %add3A_828 : i32
    "tpu.region"() ({
      %run_scoped3A_901 = tpu.sem_alloc : memref<!tpu.dma_semaphore, #tpu.memory_space<semaphore_mem>>
      %dma_start3A = arith.constant 0 : i32
      %dma_start3A_902 = tpu.memref_slice %arg11[%add3A_829, %dma_start3A] : memref<10240x128xf32, #tpu.memory_space<vmem_shared>> -> memref<16x128xf32, #tpu.memory_space<vmem_shared>>
      %dma_start3A_903 = arith.constant 0 : i32
      %dma_start3A_904 = tpu.memref_slice %arg11[%add3A_829, %dma_start3A_903] : memref<10240x128xf32, #tpu.memory_space<vmem_shared>> -> memref<16x128xf32, #tpu.memory_space<vmem_shared>>
      tpu.enqueue_dma source(%arg8 : memref<16x128xf32, #tpu.memory_space<vmem>>) target(%dma_start3A_904 : memref<16x128xf32, #tpu.memory_space<vmem_shared>>) target_semaphore(%run_scoped3A_901 : memref<!tpu.dma_semaphore, #tpu.memory_space<semaphore_mem>>)
      %dma_wait3A = arith.constant 0 : i32
      %dma_wait3A_905 = tpu.memref_slice %arg11[%add3A_829, %dma_wait3A] : memref<10240x128xf32, #tpu.memory_space<vmem_shared>> -> memref<16x128xf32, #tpu.memory_space<vmem_shared>>
      %dma_wait3A_906 = arith.constant 0 : i32
      %dma_wait3A_907 = tpu.memref_slice %arg11[%add3A_829, %dma_wait3A_906] : memref<10240x128xf32, #tpu.memory_space<vmem_shared>> -> memref<16x128xf32, #tpu.memory_space<vmem_shared>>
      tpu.wait_dma2 semaphore(%run_scoped3A_901 : memref<!tpu.dma_semaphore, #tpu.memory_space<semaphore_mem>>) src(%arg8 : memref<16x128xf32, #tpu.memory_space<vmem>>) dst(%dma_wait3A_907 : memref<16x128xf32, #tpu.memory_space<vmem_shared>>)
      tpu.yield
    }) : () -> ()
    %add3A_830 = arith.constant 160 : i32
    %add3A_831 = arith.addi %mul3A_809, %add3A_830 : i32
    "tpu.region"() ({
      %run_scoped3A_901 = tpu.sem_alloc : memref<!tpu.dma_semaphore, #tpu.memory_space<semaphore_mem>>
      %dma_start3A = arith.constant 0 : i32
      %dma_start3A_902 = tpu.memref_slice %arg11[%add3A_831, %dma_start3A] : memref<10240x128xf32, #tpu.memory_space<vmem_shared>> -> memref<16x128xf32, #tpu.memory_space<vmem_shared>>
      %dma_start3A_903 = arith.constant 0 : i32
      %dma_start3A_904 = tpu.memref_slice %arg11[%add3A_831, %dma_start3A_903] : memref<10240x128xf32, #tpu.memory_space<vmem_shared>> -> memref<16x128xf32, #tpu.memory_space<vmem_shared>>
      tpu.enqueue_dma source(%arg8 : memref<16x128xf32, #tpu.memory_space<vmem>>) target(%dma_start3A_904 : memref<16x128xf32, #tpu.memory_space<vmem_shared>>) target_semaphore(%run_scoped3A_901 : memref<!tpu.dma_semaphore, #tpu.memory_space<semaphore_mem>>)
      %dma_wait3A = arith.constant 0 : i32
      %dma_wait3A_905 = tpu.memref_slice %arg11[%add3A_831, %dma_wait3A] : memref<10240x128xf32, #tpu.memory_space<vmem_shared>> -> memref<16x128xf32, #tpu.memory_space<vmem_shared>>
      %dma_wait3A_906 = arith.constant 0 : i32
      %dma_wait3A_907 = tpu.memref_slice %arg11[%add3A_831, %dma_wait3A_906] : memref<10240x128xf32, #tpu.memory_space<vmem_shared>> -> memref<16x128xf32, #tpu.memory_space<vmem_shared>>
      tpu.wait_dma2 semaphore(%run_scoped3A_901 : memref<!tpu.dma_semaphore, #tpu.memory_space<semaphore_mem>>) src(%arg8 : memref<16x128xf32, #tpu.memory_space<vmem>>) dst(%dma_wait3A_907 : memref<16x128xf32, #tpu.memory_space<vmem_shared>>)
      tpu.yield
    }) : () -> ()
    %add3A_832 = arith.constant 176 : i32
    %add3A_833 = arith.addi %mul3A_809, %add3A_832 : i32
    "tpu.region"() ({
      %run_scoped3A_901 = tpu.sem_alloc : memref<!tpu.dma_semaphore, #tpu.memory_space<semaphore_mem>>
      %dma_start3A = arith.constant 0 : i32
      %dma_start3A_902 = tpu.memref_slice %arg11[%add3A_833, %dma_start3A] : memref<10240x128xf32, #tpu.memory_space<vmem_shared>> -> memref<16x128xf32, #tpu.memory_space<vmem_shared>>
      %dma_start3A_903 = arith.constant 0 : i32
      %dma_start3A_904 = tpu.memref_slice %arg11[%add3A_833, %dma_start3A_903] : memref<10240x128xf32, #tpu.memory_space<vmem_shared>> -> memref<16x128xf32, #tpu.memory_space<vmem_shared>>
      tpu.enqueue_dma source(%arg8 : memref<16x128xf32, #tpu.memory_space<vmem>>) target(%dma_start3A_904 : memref<16x128xf32, #tpu.memory_space<vmem_shared>>) target_semaphore(%run_scoped3A_901 : memref<!tpu.dma_semaphore, #tpu.memory_space<semaphore_mem>>)
      %dma_wait3A = arith.constant 0 : i32
      %dma_wait3A_905 = tpu.memref_slice %arg11[%add3A_833, %dma_wait3A] : memref<10240x128xf32, #tpu.memory_space<vmem_shared>> -> memref<16x128xf32, #tpu.memory_space<vmem_shared>>
      %dma_wait3A_906 = arith.constant 0 : i32
      %dma_wait3A_907 = tpu.memref_slice %arg11[%add3A_833, %dma_wait3A_906] : memref<10240x128xf32, #tpu.memory_space<vmem_shared>> -> memref<16x128xf32, #tpu.memory_space<vmem_shared>>
      tpu.wait_dma2 semaphore(%run_scoped3A_901 : memref<!tpu.dma_semaphore, #tpu.memory_space<semaphore_mem>>) src(%arg8 : memref<16x128xf32, #tpu.memory_space<vmem>>) dst(%dma_wait3A_907 : memref<16x128xf32, #tpu.memory_space<vmem_shared>>)
      tpu.yield
    }) : () -> ()
    %add3A_834 = arith.constant 192 : i32
    %add3A_835 = arith.addi %mul3A_809, %add3A_834 : i32
    "tpu.region"() ({
      %run_scoped3A_901 = tpu.sem_alloc : memref<!tpu.dma_semaphore, #tpu.memory_space<semaphore_mem>>
      %dma_start3A = arith.constant 0 : i32
      %dma_start3A_902 = tpu.memref_slice %arg11[%add3A_835, %dma_start3A] : memref<10240x128xf32, #tpu.memory_space<vmem_shared>> -> memref<16x128xf32, #tpu.memory_space<vmem_shared>>
      %dma_start3A_903 = arith.constant 0 : i32
      %dma_start3A_904 = tpu.memref_slice %arg11[%add3A_835, %dma_start3A_903] : memref<10240x128xf32, #tpu.memory_space<vmem_shared>> -> memref<16x128xf32, #tpu.memory_space<vmem_shared>>
      tpu.enqueue_dma source(%arg8 : memref<16x128xf32, #tpu.memory_space<vmem>>) target(%dma_start3A_904 : memref<16x128xf32, #tpu.memory_space<vmem_shared>>) target_semaphore(%run_scoped3A_901 : memref<!tpu.dma_semaphore, #tpu.memory_space<semaphore_mem>>)
      %dma_wait3A = arith.constant 0 : i32
      %dma_wait3A_905 = tpu.memref_slice %arg11[%add3A_835, %dma_wait3A] : memref<10240x128xf32, #tpu.memory_space<vmem_shared>> -> memref<16x128xf32, #tpu.memory_space<vmem_shared>>
      %dma_wait3A_906 = arith.constant 0 : i32
      %dma_wait3A_907 = tpu.memref_slice %arg11[%add3A_835, %dma_wait3A_906] : memref<10240x128xf32, #tpu.memory_space<vmem_shared>> -> memref<16x128xf32, #tpu.memory_space<vmem_shared>>
      tpu.wait_dma2 semaphore(%run_scoped3A_901 : memref<!tpu.dma_semaphore, #tpu.memory_space<semaphore_mem>>) src(%arg8 : memref<16x128xf32, #tpu.memory_space<vmem>>) dst(%dma_wait3A_907 : memref<16x128xf32, #tpu.memory_space<vmem_shared>>)
      tpu.yield
    }) : () -> ()
    %add3A_836 = arith.constant 208 : i32
    %add3A_837 = arith.addi %mul3A_809, %add3A_836 : i32
    "tpu.region"() ({
      %run_scoped3A_901 = tpu.sem_alloc : memref<!tpu.dma_semaphore, #tpu.memory_space<semaphore_mem>>
      %dma_start3A = arith.constant 0 : i32
      %dma_start3A_902 = tpu.memref_slice %arg11[%add3A_837, %dma_start3A] : memref<10240x128xf32, #tpu.memory_space<vmem_shared>> -> memref<16x128xf32, #tpu.memory_space<vmem_shared>>
      %dma_start3A_903 = arith.constant 0 : i32
      %dma_start3A_904 = tpu.memref_slice %arg11[%add3A_837, %dma_start3A_903] : memref<10240x128xf32, #tpu.memory_space<vmem_shared>> -> memref<16x128xf32, #tpu.memory_space<vmem_shared>>
      tpu.enqueue_dma source(%arg8 : memref<16x128xf32, #tpu.memory_space<vmem>>) target(%dma_start3A_904 : memref<16x128xf32, #tpu.memory_space<vmem_shared>>) target_semaphore(%run_scoped3A_901 : memref<!tpu.dma_semaphore, #tpu.memory_space<semaphore_mem>>)
      %dma_wait3A = arith.constant 0 : i32
      %dma_wait3A_905 = tpu.memref_slice %arg11[%add3A_837, %dma_wait3A] : memref<10240x128xf32, #tpu.memory_space<vmem_shared>> -> memref<16x128xf32, #tpu.memory_space<vmem_shared>>
      %dma_wait3A_906 = arith.constant 0 : i32
      %dma_wait3A_907 = tpu.memref_slice %arg11[%add3A_837, %dma_wait3A_906] : memref<10240x128xf32, #tpu.memory_space<vmem_shared>> -> memref<16x128xf32, #tpu.memory_space<vmem_shared>>
      tpu.wait_dma2 semaphore(%run_scoped3A_901 : memref<!tpu.dma_semaphore, #tpu.memory_space<semaphore_mem>>) src(%arg8 : memref<16x128xf32, #tpu.memory_space<vmem>>) dst(%dma_wait3A_907 : memref<16x128xf32, #tpu.memory_space<vmem_shared>>)
      tpu.yield
    }) : () -> ()
    %add3A_838 = arith.constant 224 : i32
    %add3A_839 = arith.addi %mul3A_809, %add3A_838 : i32
    "tpu.region"() ({
      %run_scoped3A_901 = tpu.sem_alloc : memref<!tpu.dma_semaphore, #tpu.memory_space<semaphore_mem>>
      %dma_start3A = arith.constant 0 : i32
      %dma_start3A_902 = tpu.memref_slice %arg11[%add3A_839, %dma_start3A] : memref<10240x128xf32, #tpu.memory_space<vmem_shared>> -> memref<16x128xf32, #tpu.memory_space<vmem_shared>>
      %dma_start3A_903 = arith.constant 0 : i32
      %dma_start3A_904 = tpu.memref_slice %arg11[%add3A_839, %dma_start3A_903] : memref<10240x128xf32, #tpu.memory_space<vmem_shared>> -> memref<16x128xf32, #tpu.memory_space<vmem_shared>>
      tpu.enqueue_dma source(%arg8 : memref<16x128xf32, #tpu.memory_space<vmem>>) target(%dma_start3A_904 : memref<16x128xf32, #tpu.memory_space<vmem_shared>>) target_semaphore(%run_scoped3A_901 : memref<!tpu.dma_semaphore, #tpu.memory_space<semaphore_mem>>)
      %dma_wait3A = arith.constant 0 : i32
      %dma_wait3A_905 = tpu.memref_slice %arg11[%add3A_839, %dma_wait3A] : memref<10240x128xf32, #tpu.memory_space<vmem_shared>> -> memref<16x128xf32, #tpu.memory_space<vmem_shared>>
      %dma_wait3A_906 = arith.constant 0 : i32
      %dma_wait3A_907 = tpu.memref_slice %arg11[%add3A_839, %dma_wait3A_906] : memref<10240x128xf32, #tpu.memory_space<vmem_shared>> -> memref<16x128xf32, #tpu.memory_space<vmem_shared>>
      tpu.wait_dma2 semaphore(%run_scoped3A_901 : memref<!tpu.dma_semaphore, #tpu.memory_space<semaphore_mem>>) src(%arg8 : memref<16x128xf32, #tpu.memory_space<vmem>>) dst(%dma_wait3A_907 : memref<16x128xf32, #tpu.memory_space<vmem_shared>>)
      tpu.yield
    }) : () -> ()
    %add3A_840 = arith.constant 240 : i32
    %add3A_841 = arith.addi %mul3A_809, %add3A_840 : i32
    "tpu.region"() ({
      %run_scoped3A_901 = tpu.sem_alloc : memref<!tpu.dma_semaphore, #tpu.memory_space<semaphore_mem>>
      %dma_start3A = arith.constant 0 : i32
      %dma_start3A_902 = tpu.memref_slice %arg11[%add3A_841, %dma_start3A] : memref<10240x128xf32, #tpu.memory_space<vmem_shared>> -> memref<16x128xf32, #tpu.memory_space<vmem_shared>>
      %dma_start3A_903 = arith.constant 0 : i32
      %dma_start3A_904 = tpu.memref_slice %arg11[%add3A_841, %dma_start3A_903] : memref<10240x128xf32, #tpu.memory_space<vmem_shared>> -> memref<16x128xf32, #tpu.memory_space<vmem_shared>>
      tpu.enqueue_dma source(%arg8 : memref<16x128xf32, #tpu.memory_space<vmem>>) target(%dma_start3A_904 : memref<16x128xf32, #tpu.memory_space<vmem_shared>>) target_semaphore(%run_scoped3A_901 : memref<!tpu.dma_semaphore, #tpu.memory_space<semaphore_mem>>)
      %dma_wait3A = arith.constant 0 : i32
      %dma_wait3A_905 = tpu.memref_slice %arg11[%add3A_841, %dma_wait3A] : memref<10240x128xf32, #tpu.memory_space<vmem_shared>> -> memref<16x128xf32, #tpu.memory_space<vmem_shared>>
      %dma_wait3A_906 = arith.constant 0 : i32
      %dma_wait3A_907 = tpu.memref_slice %arg11[%add3A_841, %dma_wait3A_906] : memref<10240x128xf32, #tpu.memory_space<vmem_shared>> -> memref<16x128xf32, #tpu.memory_space<vmem_shared>>
      tpu.wait_dma2 semaphore(%run_scoped3A_901 : memref<!tpu.dma_semaphore, #tpu.memory_space<semaphore_mem>>) src(%arg8 : memref<16x128xf32, #tpu.memory_space<vmem>>) dst(%dma_wait3A_907 : memref<16x128xf32, #tpu.memory_space<vmem_shared>>)
      tpu.yield
    }) : () -> ()
    %add3A_842 = arith.constant 256 : i32
    %add3A_843 = arith.addi %mul3A_809, %add3A_842 : i32
    "tpu.region"() ({
      %run_scoped3A_901 = tpu.sem_alloc : memref<!tpu.dma_semaphore, #tpu.memory_space<semaphore_mem>>
      %dma_start3A = arith.constant 0 : i32
      %dma_start3A_902 = tpu.memref_slice %arg11[%add3A_843, %dma_start3A] : memref<10240x128xf32, #tpu.memory_space<vmem_shared>> -> memref<16x128xf32, #tpu.memory_space<vmem_shared>>
      %dma_start3A_903 = arith.constant 0 : i32
      %dma_start3A_904 = tpu.memref_slice %arg11[%add3A_843, %dma_start3A_903] : memref<10240x128xf32, #tpu.memory_space<vmem_shared>> -> memref<16x128xf32, #tpu.memory_space<vmem_shared>>
      tpu.enqueue_dma source(%arg8 : memref<16x128xf32, #tpu.memory_space<vmem>>) target(%dma_start3A_904 : memref<16x128xf32, #tpu.memory_space<vmem_shared>>) target_semaphore(%run_scoped3A_901 : memref<!tpu.dma_semaphore, #tpu.memory_space<semaphore_mem>>)
      %dma_wait3A = arith.constant 0 : i32
      %dma_wait3A_905 = tpu.memref_slice %arg11[%add3A_843, %dma_wait3A] : memref<10240x128xf32, #tpu.memory_space<vmem_shared>> -> memref<16x128xf32, #tpu.memory_space<vmem_shared>>
      %dma_wait3A_906 = arith.constant 0 : i32
      %dma_wait3A_907 = tpu.memref_slice %arg11[%add3A_843, %dma_wait3A_906] : memref<10240x128xf32, #tpu.memory_space<vmem_shared>> -> memref<16x128xf32, #tpu.memory_space<vmem_shared>>
      tpu.wait_dma2 semaphore(%run_scoped3A_901 : memref<!tpu.dma_semaphore, #tpu.memory_space<semaphore_mem>>) src(%arg8 : memref<16x128xf32, #tpu.memory_space<vmem>>) dst(%dma_wait3A_907 : memref<16x128xf32, #tpu.memory_space<vmem_shared>>)
      tpu.yield
    }) : () -> ()
    %add3A_844 = arith.constant 272 : i32
    %add3A_845 = arith.addi %mul3A_809, %add3A_844 : i32
    "tpu.region"() ({
      %run_scoped3A_901 = tpu.sem_alloc : memref<!tpu.dma_semaphore, #tpu.memory_space<semaphore_mem>>
      %dma_start3A = arith.constant 0 : i32
      %dma_start3A_902 = tpu.memref_slice %arg11[%add3A_845, %dma_start3A] : memref<10240x128xf32, #tpu.memory_space<vmem_shared>> -> memref<16x128xf32, #tpu.memory_space<vmem_shared>>
      %dma_start3A_903 = arith.constant 0 : i32
      %dma_start3A_904 = tpu.memref_slice %arg11[%add3A_845, %dma_start3A_903] : memref<10240x128xf32, #tpu.memory_space<vmem_shared>> -> memref<16x128xf32, #tpu.memory_space<vmem_shared>>
      tpu.enqueue_dma source(%arg8 : memref<16x128xf32, #tpu.memory_space<vmem>>) target(%dma_start3A_904 : memref<16x128xf32, #tpu.memory_space<vmem_shared>>) target_semaphore(%run_scoped3A_901 : memref<!tpu.dma_semaphore, #tpu.memory_space<semaphore_mem>>)
      %dma_wait3A = arith.constant 0 : i32
      %dma_wait3A_905 = tpu.memref_slice %arg11[%add3A_845, %dma_wait3A] : memref<10240x128xf32, #tpu.memory_space<vmem_shared>> -> memref<16x128xf32, #tpu.memory_space<vmem_shared>>
      %dma_wait3A_906 = arith.constant 0 : i32
      %dma_wait3A_907 = tpu.memref_slice %arg11[%add3A_845, %dma_wait3A_906] : memref<10240x128xf32, #tpu.memory_space<vmem_shared>> -> memref<16x128xf32, #tpu.memory_space<vmem_shared>>
      tpu.wait_dma2 semaphore(%run_scoped3A_901 : memref<!tpu.dma_semaphore, #tpu.memory_space<semaphore_mem>>) src(%arg8 : memref<16x128xf32, #tpu.memory_space<vmem>>) dst(%dma_wait3A_907 : memref<16x128xf32, #tpu.memory_space<vmem_shared>>)
      tpu.yield
    }) : () -> ()
    %add3A_846 = arith.constant 288 : i32
    %add3A_847 = arith.addi %mul3A_809, %add3A_846 : i32
    "tpu.region"() ({
      %run_scoped3A_901 = tpu.sem_alloc : memref<!tpu.dma_semaphore, #tpu.memory_space<semaphore_mem>>
      %dma_start3A = arith.constant 0 : i32
      %dma_start3A_902 = tpu.memref_slice %arg11[%add3A_847, %dma_start3A] : memref<10240x128xf32, #tpu.memory_space<vmem_shared>> -> memref<16x128xf32, #tpu.memory_space<vmem_shared>>
      %dma_start3A_903 = arith.constant 0 : i32
      %dma_start3A_904 = tpu.memref_slice %arg11[%add3A_847, %dma_start3A_903] : memref<10240x128xf32, #tpu.memory_space<vmem_shared>> -> memref<16x128xf32, #tpu.memory_space<vmem_shared>>
      tpu.enqueue_dma source(%arg8 : memref<16x128xf32, #tpu.memory_space<vmem>>) target(%dma_start3A_904 : memref<16x128xf32, #tpu.memory_space<vmem_shared>>) target_semaphore(%run_scoped3A_901 : memref<!tpu.dma_semaphore, #tpu.memory_space<semaphore_mem>>)
      %dma_wait3A = arith.constant 0 : i32
      %dma_wait3A_905 = tpu.memref_slice %arg11[%add3A_847, %dma_wait3A] : memref<10240x128xf32, #tpu.memory_space<vmem_shared>> -> memref<16x128xf32, #tpu.memory_space<vmem_shared>>
      %dma_wait3A_906 = arith.constant 0 : i32
      %dma_wait3A_907 = tpu.memref_slice %arg11[%add3A_847, %dma_wait3A_906] : memref<10240x128xf32, #tpu.memory_space<vmem_shared>> -> memref<16x128xf32, #tpu.memory_space<vmem_shared>>
      tpu.wait_dma2 semaphore(%run_scoped3A_901 : memref<!tpu.dma_semaphore, #tpu.memory_space<semaphore_mem>>) src(%arg8 : memref<16x128xf32, #tpu.memory_space<vmem>>) dst(%dma_wait3A_907 : memref<16x128xf32, #tpu.memory_space<vmem_shared>>)
      tpu.yield
    }) : () -> ()
    %add3A_848 = arith.constant 304 : i32
    %add3A_849 = arith.addi %mul3A_809, %add3A_848 : i32
    "tpu.region"() ({
      %run_scoped3A_901 = tpu.sem_alloc : memref<!tpu.dma_semaphore, #tpu.memory_space<semaphore_mem>>
      %dma_start3A = arith.constant 0 : i32
      %dma_start3A_902 = tpu.memref_slice %arg11[%add3A_849, %dma_start3A] : memref<10240x128xf32, #tpu.memory_space<vmem_shared>> -> memref<16x128xf32, #tpu.memory_space<vmem_shared>>
      %dma_start3A_903 = arith.constant 0 : i32
      %dma_start3A_904 = tpu.memref_slice %arg11[%add3A_849, %dma_start3A_903] : memref<10240x128xf32, #tpu.memory_space<vmem_shared>> -> memref<16x128xf32, #tpu.memory_space<vmem_shared>>
      tpu.enqueue_dma source(%arg8 : memref<16x128xf32, #tpu.memory_space<vmem>>) target(%dma_start3A_904 : memref<16x128xf32, #tpu.memory_space<vmem_shared>>) target_semaphore(%run_scoped3A_901 : memref<!tpu.dma_semaphore, #tpu.memory_space<semaphore_mem>>)
      %dma_wait3A = arith.constant 0 : i32
      %dma_wait3A_905 = tpu.memref_slice %arg11[%add3A_849, %dma_wait3A] : memref<10240x128xf32, #tpu.memory_space<vmem_shared>> -> memref<16x128xf32, #tpu.memory_space<vmem_shared>>
      %dma_wait3A_906 = arith.constant 0 : i32
      %dma_wait3A_907 = tpu.memref_slice %arg11[%add3A_849, %dma_wait3A_906] : memref<10240x128xf32, #tpu.memory_space<vmem_shared>> -> memref<16x128xf32, #tpu.memory_space<vmem_shared>>
      tpu.wait_dma2 semaphore(%run_scoped3A_901 : memref<!tpu.dma_semaphore, #tpu.memory_space<semaphore_mem>>) src(%arg8 : memref<16x128xf32, #tpu.memory_space<vmem>>) dst(%dma_wait3A_907 : memref<16x128xf32, #tpu.memory_space<vmem_shared>>)
      tpu.yield
    }) : () -> ()
    %add3A_850 = arith.constant 320 : i32
    %add3A_851 = arith.addi %mul3A_809, %add3A_850 : i32
    "tpu.region"() ({
      %run_scoped3A_901 = tpu.sem_alloc : memref<!tpu.dma_semaphore, #tpu.memory_space<semaphore_mem>>
      %dma_start3A = arith.constant 0 : i32
      %dma_start3A_902 = tpu.memref_slice %arg11[%add3A_851, %dma_start3A] : memref<10240x128xf32, #tpu.memory_space<vmem_shared>> -> memref<16x128xf32, #tpu.memory_space<vmem_shared>>
      %dma_start3A_903 = arith.constant 0 : i32
      %dma_start3A_904 = tpu.memref_slice %arg11[%add3A_851, %dma_start3A_903] : memref<10240x128xf32, #tpu.memory_space<vmem_shared>> -> memref<16x128xf32, #tpu.memory_space<vmem_shared>>
      tpu.enqueue_dma source(%arg8 : memref<16x128xf32, #tpu.memory_space<vmem>>) target(%dma_start3A_904 : memref<16x128xf32, #tpu.memory_space<vmem_shared>>) target_semaphore(%run_scoped3A_901 : memref<!tpu.dma_semaphore, #tpu.memory_space<semaphore_mem>>)
      %dma_wait3A = arith.constant 0 : i32
      %dma_wait3A_905 = tpu.memref_slice %arg11[%add3A_851, %dma_wait3A] : memref<10240x128xf32, #tpu.memory_space<vmem_shared>> -> memref<16x128xf32, #tpu.memory_space<vmem_shared>>
      %dma_wait3A_906 = arith.constant 0 : i32
      %dma_wait3A_907 = tpu.memref_slice %arg11[%add3A_851, %dma_wait3A_906] : memref<10240x128xf32, #tpu.memory_space<vmem_shared>> -> memref<16x128xf32, #tpu.memory_space<vmem_shared>>
      tpu.wait_dma2 semaphore(%run_scoped3A_901 : memref<!tpu.dma_semaphore, #tpu.memory_space<semaphore_mem>>) src(%arg8 : memref<16x128xf32, #tpu.memory_space<vmem>>) dst(%dma_wait3A_907 : memref<16x128xf32, #tpu.memory_space<vmem_shared>>)
      tpu.yield
    }) : () -> ()
    %add3A_852 = arith.constant 336 : i32
    %add3A_853 = arith.addi %mul3A_809, %add3A_852 : i32
    "tpu.region"() ({
      %run_scoped3A_901 = tpu.sem_alloc : memref<!tpu.dma_semaphore, #tpu.memory_space<semaphore_mem>>
      %dma_start3A = arith.constant 0 : i32
      %dma_start3A_902 = tpu.memref_slice %arg11[%add3A_853, %dma_start3A] : memref<10240x128xf32, #tpu.memory_space<vmem_shared>> -> memref<16x128xf32, #tpu.memory_space<vmem_shared>>
      %dma_start3A_903 = arith.constant 0 : i32
      %dma_start3A_904 = tpu.memref_slice %arg11[%add3A_853, %dma_start3A_903] : memref<10240x128xf32, #tpu.memory_space<vmem_shared>> -> memref<16x128xf32, #tpu.memory_space<vmem_shared>>
      tpu.enqueue_dma source(%arg8 : memref<16x128xf32, #tpu.memory_space<vmem>>) target(%dma_start3A_904 : memref<16x128xf32, #tpu.memory_space<vmem_shared>>) target_semaphore(%run_scoped3A_901 : memref<!tpu.dma_semaphore, #tpu.memory_space<semaphore_mem>>)
      %dma_wait3A = arith.constant 0 : i32
      %dma_wait3A_905 = tpu.memref_slice %arg11[%add3A_853, %dma_wait3A] : memref<10240x128xf32, #tpu.memory_space<vmem_shared>> -> memref<16x128xf32, #tpu.memory_space<vmem_shared>>
      %dma_wait3A_906 = arith.constant 0 : i32
      %dma_wait3A_907 = tpu.memref_slice %arg11[%add3A_853, %dma_wait3A_906] : memref<10240x128xf32, #tpu.memory_space<vmem_shared>> -> memref<16x128xf32, #tpu.memory_space<vmem_shared>>
      tpu.wait_dma2 semaphore(%run_scoped3A_901 : memref<!tpu.dma_semaphore, #tpu.memory_space<semaphore_mem>>) src(%arg8 : memref<16x128xf32, #tpu.memory_space<vmem>>) dst(%dma_wait3A_907 : memref<16x128xf32, #tpu.memory_space<vmem_shared>>)
      tpu.yield
    }) : () -> ()
    %add3A_854 = arith.constant 352 : i32
    %add3A_855 = arith.addi %mul3A_809, %add3A_854 : i32
    "tpu.region"() ({
      %run_scoped3A_901 = tpu.sem_alloc : memref<!tpu.dma_semaphore, #tpu.memory_space<semaphore_mem>>
      %dma_start3A = arith.constant 0 : i32
      %dma_start3A_902 = tpu.memref_slice %arg11[%add3A_855, %dma_start3A] : memref<10240x128xf32, #tpu.memory_space<vmem_shared>> -> memref<16x128xf32, #tpu.memory_space<vmem_shared>>
      %dma_start3A_903 = arith.constant 0 : i32
      %dma_start3A_904 = tpu.memref_slice %arg11[%add3A_855, %dma_start3A_903] : memref<10240x128xf32, #tpu.memory_space<vmem_shared>> -> memref<16x128xf32, #tpu.memory_space<vmem_shared>>
      tpu.enqueue_dma source(%arg8 : memref<16x128xf32, #tpu.memory_space<vmem>>) target(%dma_start3A_904 : memref<16x128xf32, #tpu.memory_space<vmem_shared>>) target_semaphore(%run_scoped3A_901 : memref<!tpu.dma_semaphore, #tpu.memory_space<semaphore_mem>>)
      %dma_wait3A = arith.constant 0 : i32
      %dma_wait3A_905 = tpu.memref_slice %arg11[%add3A_855, %dma_wait3A] : memref<10240x128xf32, #tpu.memory_space<vmem_shared>> -> memref<16x128xf32, #tpu.memory_space<vmem_shared>>
      %dma_wait3A_906 = arith.constant 0 : i32
      %dma_wait3A_907 = tpu.memref_slice %arg11[%add3A_855, %dma_wait3A_906] : memref<10240x128xf32, #tpu.memory_space<vmem_shared>> -> memref<16x128xf32, #tpu.memory_space<vmem_shared>>
      tpu.wait_dma2 semaphore(%run_scoped3A_901 : memref<!tpu.dma_semaphore, #tpu.memory_space<semaphore_mem>>) src(%arg8 : memref<16x128xf32, #tpu.memory_space<vmem>>) dst(%dma_wait3A_907 : memref<16x128xf32, #tpu.memory_space<vmem_shared>>)
      tpu.yield
    }) : () -> ()
    %add3A_856 = arith.constant 368 : i32
    %add3A_857 = arith.addi %mul3A_809, %add3A_856 : i32
    "tpu.region"() ({
      %run_scoped3A_901 = tpu.sem_alloc : memref<!tpu.dma_semaphore, #tpu.memory_space<semaphore_mem>>
      %dma_start3A = arith.constant 0 : i32
      %dma_start3A_902 = tpu.memref_slice %arg11[%add3A_857, %dma_start3A] : memref<10240x128xf32, #tpu.memory_space<vmem_shared>> -> memref<16x128xf32, #tpu.memory_space<vmem_shared>>
      %dma_start3A_903 = arith.constant 0 : i32
      %dma_start3A_904 = tpu.memref_slice %arg11[%add3A_857, %dma_start3A_903] : memref<10240x128xf32, #tpu.memory_space<vmem_shared>> -> memref<16x128xf32, #tpu.memory_space<vmem_shared>>
      tpu.enqueue_dma source(%arg8 : memref<16x128xf32, #tpu.memory_space<vmem>>) target(%dma_start3A_904 : memref<16x128xf32, #tpu.memory_space<vmem_shared>>) target_semaphore(%run_scoped3A_901 : memref<!tpu.dma_semaphore, #tpu.memory_space<semaphore_mem>>)
      %dma_wait3A = arith.constant 0 : i32
      %dma_wait3A_905 = tpu.memref_slice %arg11[%add3A_857, %dma_wait3A] : memref<10240x128xf32, #tpu.memory_space<vmem_shared>> -> memref<16x128xf32, #tpu.memory_space<vmem_shared>>
      %dma_wait3A_906 = arith.constant 0 : i32
      %dma_wait3A_907 = tpu.memref_slice %arg11[%add3A_857, %dma_wait3A_906] : memref<10240x128xf32, #tpu.memory_space<vmem_shared>> -> memref<16x128xf32, #tpu.memory_space<vmem_shared>>
      tpu.wait_dma2 semaphore(%run_scoped3A_901 : memref<!tpu.dma_semaphore, #tpu.memory_space<semaphore_mem>>) src(%arg8 : memref<16x128xf32, #tpu.memory_space<vmem>>) dst(%dma_wait3A_907 : memref<16x128xf32, #tpu.memory_space<vmem_shared>>)
      tpu.yield
    }) : () -> ()
    %add3A_858 = arith.constant 384 : i32
    %add3A_859 = arith.addi %mul3A_809, %add3A_858 : i32
    "tpu.region"() ({
      %run_scoped3A_901 = tpu.sem_alloc : memref<!tpu.dma_semaphore, #tpu.memory_space<semaphore_mem>>
      %dma_start3A = arith.constant 0 : i32
      %dma_start3A_902 = tpu.memref_slice %arg11[%add3A_859, %dma_start3A] : memref<10240x128xf32, #tpu.memory_space<vmem_shared>> -> memref<16x128xf32, #tpu.memory_space<vmem_shared>>
      %dma_start3A_903 = arith.constant 0 : i32
      %dma_start3A_904 = tpu.memref_slice %arg11[%add3A_859, %dma_start3A_903] : memref<10240x128xf32, #tpu.memory_space<vmem_shared>> -> memref<16x128xf32, #tpu.memory_space<vmem_shared>>
      tpu.enqueue_dma source(%arg8 : memref<16x128xf32, #tpu.memory_space<vmem>>) target(%dma_start3A_904 : memref<16x128xf32, #tpu.memory_space<vmem_shared>>) target_semaphore(%run_scoped3A_901 : memref<!tpu.dma_semaphore, #tpu.memory_space<semaphore_mem>>)
      %dma_wait3A = arith.constant 0 : i32
      %dma_wait3A_905 = tpu.memref_slice %arg11[%add3A_859, %dma_wait3A] : memref<10240x128xf32, #tpu.memory_space<vmem_shared>> -> memref<16x128xf32, #tpu.memory_space<vmem_shared>>
      %dma_wait3A_906 = arith.constant 0 : i32
      %dma_wait3A_907 = tpu.memref_slice %arg11[%add3A_859, %dma_wait3A_906] : memref<10240x128xf32, #tpu.memory_space<vmem_shared>> -> memref<16x128xf32, #tpu.memory_space<vmem_shared>>
      tpu.wait_dma2 semaphore(%run_scoped3A_901 : memref<!tpu.dma_semaphore, #tpu.memory_space<semaphore_mem>>) src(%arg8 : memref<16x128xf32, #tpu.memory_space<vmem>>) dst(%dma_wait3A_907 : memref<16x128xf32, #tpu.memory_space<vmem_shared>>)
      tpu.yield
    }) : () -> ()
    %add3A_860 = arith.constant 400 : i32
    %add3A_861 = arith.addi %mul3A_809, %add3A_860 : i32
    "tpu.region"() ({
      %run_scoped3A_901 = tpu.sem_alloc : memref<!tpu.dma_semaphore, #tpu.memory_space<semaphore_mem>>
      %dma_start3A = arith.constant 0 : i32
      %dma_start3A_902 = tpu.memref_slice %arg11[%add3A_861, %dma_start3A] : memref<10240x128xf32, #tpu.memory_space<vmem_shared>> -> memref<16x128xf32, #tpu.memory_space<vmem_shared>>
      %dma_start3A_903 = arith.constant 0 : i32
      %dma_start3A_904 = tpu.memref_slice %arg11[%add3A_861, %dma_start3A_903] : memref<10240x128xf32, #tpu.memory_space<vmem_shared>> -> memref<16x128xf32, #tpu.memory_space<vmem_shared>>
      tpu.enqueue_dma source(%arg8 : memref<16x128xf32, #tpu.memory_space<vmem>>) target(%dma_start3A_904 : memref<16x128xf32, #tpu.memory_space<vmem_shared>>) target_semaphore(%run_scoped3A_901 : memref<!tpu.dma_semaphore, #tpu.memory_space<semaphore_mem>>)
      %dma_wait3A = arith.constant 0 : i32
      %dma_wait3A_905 = tpu.memref_slice %arg11[%add3A_861, %dma_wait3A] : memref<10240x128xf32, #tpu.memory_space<vmem_shared>> -> memref<16x128xf32, #tpu.memory_space<vmem_shared>>
      %dma_wait3A_906 = arith.constant 0 : i32
      %dma_wait3A_907 = tpu.memref_slice %arg11[%add3A_861, %dma_wait3A_906] : memref<10240x128xf32, #tpu.memory_space<vmem_shared>> -> memref<16x128xf32, #tpu.memory_space<vmem_shared>>
      tpu.wait_dma2 semaphore(%run_scoped3A_901 : memref<!tpu.dma_semaphore, #tpu.memory_space<semaphore_mem>>) src(%arg8 : memref<16x128xf32, #tpu.memory_space<vmem>>) dst(%dma_wait3A_907 : memref<16x128xf32, #tpu.memory_space<vmem_shared>>)
      tpu.yield
    }) : () -> ()
    %add3A_862 = arith.constant 416 : i32
    %add3A_863 = arith.addi %mul3A_809, %add3A_862 : i32
    "tpu.region"() ({
      %run_scoped3A_901 = tpu.sem_alloc : memref<!tpu.dma_semaphore, #tpu.memory_space<semaphore_mem>>
      %dma_start3A = arith.constant 0 : i32
      %dma_start3A_902 = tpu.memref_slice %arg11[%add3A_863, %dma_start3A] : memref<10240x128xf32, #tpu.memory_space<vmem_shared>> -> memref<16x128xf32, #tpu.memory_space<vmem_shared>>
      %dma_start3A_903 = arith.constant 0 : i32
      %dma_start3A_904 = tpu.memref_slice %arg11[%add3A_863, %dma_start3A_903] : memref<10240x128xf32, #tpu.memory_space<vmem_shared>> -> memref<16x128xf32, #tpu.memory_space<vmem_shared>>
      tpu.enqueue_dma source(%arg8 : memref<16x128xf32, #tpu.memory_space<vmem>>) target(%dma_start3A_904 : memref<16x128xf32, #tpu.memory_space<vmem_shared>>) target_semaphore(%run_scoped3A_901 : memref<!tpu.dma_semaphore, #tpu.memory_space<semaphore_mem>>)
      %dma_wait3A = arith.constant 0 : i32
      %dma_wait3A_905 = tpu.memref_slice %arg11[%add3A_863, %dma_wait3A] : memref<10240x128xf32, #tpu.memory_space<vmem_shared>> -> memref<16x128xf32, #tpu.memory_space<vmem_shared>>
      %dma_wait3A_906 = arith.constant 0 : i32
      %dma_wait3A_907 = tpu.memref_slice %arg11[%add3A_863, %dma_wait3A_906] : memref<10240x128xf32, #tpu.memory_space<vmem_shared>> -> memref<16x128xf32, #tpu.memory_space<vmem_shared>>
      tpu.wait_dma2 semaphore(%run_scoped3A_901 : memref<!tpu.dma_semaphore, #tpu.memory_space<semaphore_mem>>) src(%arg8 : memref<16x128xf32, #tpu.memory_space<vmem>>) dst(%dma_wait3A_907 : memref<16x128xf32, #tpu.memory_space<vmem_shared>>)
      tpu.yield
    }) : () -> ()
    %add3A_864 = arith.constant 432 : i32
    %add3A_865 = arith.addi %mul3A_809, %add3A_864 : i32
    "tpu.region"() ({
      %run_scoped3A_901 = tpu.sem_alloc : memref<!tpu.dma_semaphore, #tpu.memory_space<semaphore_mem>>
      %dma_start3A = arith.constant 0 : i32
      %dma_start3A_902 = tpu.memref_slice %arg11[%add3A_865, %dma_start3A] : memref<10240x128xf32, #tpu.memory_space<vmem_shared>> -> memref<16x128xf32, #tpu.memory_space<vmem_shared>>
      %dma_start3A_903 = arith.constant 0 : i32
      %dma_start3A_904 = tpu.memref_slice %arg11[%add3A_865, %dma_start3A_903] : memref<10240x128xf32, #tpu.memory_space<vmem_shared>> -> memref<16x128xf32, #tpu.memory_space<vmem_shared>>
      tpu.enqueue_dma source(%arg8 : memref<16x128xf32, #tpu.memory_space<vmem>>) target(%dma_start3A_904 : memref<16x128xf32, #tpu.memory_space<vmem_shared>>) target_semaphore(%run_scoped3A_901 : memref<!tpu.dma_semaphore, #tpu.memory_space<semaphore_mem>>)
      %dma_wait3A = arith.constant 0 : i32
      %dma_wait3A_905 = tpu.memref_slice %arg11[%add3A_865, %dma_wait3A] : memref<10240x128xf32, #tpu.memory_space<vmem_shared>> -> memref<16x128xf32, #tpu.memory_space<vmem_shared>>
      %dma_wait3A_906 = arith.constant 0 : i32
      %dma_wait3A_907 = tpu.memref_slice %arg11[%add3A_865, %dma_wait3A_906] : memref<10240x128xf32, #tpu.memory_space<vmem_shared>> -> memref<16x128xf32, #tpu.memory_space<vmem_shared>>
      tpu.wait_dma2 semaphore(%run_scoped3A_901 : memref<!tpu.dma_semaphore, #tpu.memory_space<semaphore_mem>>) src(%arg8 : memref<16x128xf32, #tpu.memory_space<vmem>>) dst(%dma_wait3A_907 : memref<16x128xf32, #tpu.memory_space<vmem_shared>>)
      tpu.yield
    }) : () -> ()
    %add3A_866 = arith.constant 448 : i32
    %add3A_867 = arith.addi %mul3A_809, %add3A_866 : i32
    "tpu.region"() ({
      %run_scoped3A_901 = tpu.sem_alloc : memref<!tpu.dma_semaphore, #tpu.memory_space<semaphore_mem>>
      %dma_start3A = arith.constant 0 : i32
      %dma_start3A_902 = tpu.memref_slice %arg11[%add3A_867, %dma_start3A] : memref<10240x128xf32, #tpu.memory_space<vmem_shared>> -> memref<16x128xf32, #tpu.memory_space<vmem_shared>>
      %dma_start3A_903 = arith.constant 0 : i32
      %dma_start3A_904 = tpu.memref_slice %arg11[%add3A_867, %dma_start3A_903] : memref<10240x128xf32, #tpu.memory_space<vmem_shared>> -> memref<16x128xf32, #tpu.memory_space<vmem_shared>>
      tpu.enqueue_dma source(%arg8 : memref<16x128xf32, #tpu.memory_space<vmem>>) target(%dma_start3A_904 : memref<16x128xf32, #tpu.memory_space<vmem_shared>>) target_semaphore(%run_scoped3A_901 : memref<!tpu.dma_semaphore, #tpu.memory_space<semaphore_mem>>)
      %dma_wait3A = arith.constant 0 : i32
      %dma_wait3A_905 = tpu.memref_slice %arg11[%add3A_867, %dma_wait3A] : memref<10240x128xf32, #tpu.memory_space<vmem_shared>> -> memref<16x128xf32, #tpu.memory_space<vmem_shared>>
      %dma_wait3A_906 = arith.constant 0 : i32
      %dma_wait3A_907 = tpu.memref_slice %arg11[%add3A_867, %dma_wait3A_906] : memref<10240x128xf32, #tpu.memory_space<vmem_shared>> -> memref<16x128xf32, #tpu.memory_space<vmem_shared>>
      tpu.wait_dma2 semaphore(%run_scoped3A_901 : memref<!tpu.dma_semaphore, #tpu.memory_space<semaphore_mem>>) src(%arg8 : memref<16x128xf32, #tpu.memory_space<vmem>>) dst(%dma_wait3A_907 : memref<16x128xf32, #tpu.memory_space<vmem_shared>>)
      tpu.yield
    }) : () -> ()
    %add3A_868 = arith.constant 464 : i32
    %add3A_869 = arith.addi %mul3A_809, %add3A_868 : i32
    "tpu.region"() ({
      %run_scoped3A_901 = tpu.sem_alloc : memref<!tpu.dma_semaphore, #tpu.memory_space<semaphore_mem>>
      %dma_start3A = arith.constant 0 : i32
      %dma_start3A_902 = tpu.memref_slice %arg11[%add3A_869, %dma_start3A] : memref<10240x128xf32, #tpu.memory_space<vmem_shared>> -> memref<16x128xf32, #tpu.memory_space<vmem_shared>>
      %dma_start3A_903 = arith.constant 0 : i32
      %dma_start3A_904 = tpu.memref_slice %arg11[%add3A_869, %dma_start3A_903] : memref<10240x128xf32, #tpu.memory_space<vmem_shared>> -> memref<16x128xf32, #tpu.memory_space<vmem_shared>>
      tpu.enqueue_dma source(%arg8 : memref<16x128xf32, #tpu.memory_space<vmem>>) target(%dma_start3A_904 : memref<16x128xf32, #tpu.memory_space<vmem_shared>>) target_semaphore(%run_scoped3A_901 : memref<!tpu.dma_semaphore, #tpu.memory_space<semaphore_mem>>)
      %dma_wait3A = arith.constant 0 : i32
      %dma_wait3A_905 = tpu.memref_slice %arg11[%add3A_869, %dma_wait3A] : memref<10240x128xf32, #tpu.memory_space<vmem_shared>> -> memref<16x128xf32, #tpu.memory_space<vmem_shared>>
      %dma_wait3A_906 = arith.constant 0 : i32
      %dma_wait3A_907 = tpu.memref_slice %arg11[%add3A_869, %dma_wait3A_906] : memref<10240x128xf32, #tpu.memory_space<vmem_shared>> -> memref<16x128xf32, #tpu.memory_space<vmem_shared>>
      tpu.wait_dma2 semaphore(%run_scoped3A_901 : memref<!tpu.dma_semaphore, #tpu.memory_space<semaphore_mem>>) src(%arg8 : memref<16x128xf32, #tpu.memory_space<vmem>>) dst(%dma_wait3A_907 : memref<16x128xf32, #tpu.memory_space<vmem_shared>>)
      tpu.yield
    }) : () -> ()
    %add3A_870 = arith.constant 480 : i32
    %add3A_871 = arith.addi %mul3A_809, %add3A_870 : i32
    "tpu.region"() ({
      %run_scoped3A_901 = tpu.sem_alloc : memref<!tpu.dma_semaphore, #tpu.memory_space<semaphore_mem>>
      %dma_start3A = arith.constant 0 : i32
      %dma_start3A_902 = tpu.memref_slice %arg11[%add3A_871, %dma_start3A] : memref<10240x128xf32, #tpu.memory_space<vmem_shared>> -> memref<16x128xf32, #tpu.memory_space<vmem_shared>>
      %dma_start3A_903 = arith.constant 0 : i32
      %dma_start3A_904 = tpu.memref_slice %arg11[%add3A_871, %dma_start3A_903] : memref<10240x128xf32, #tpu.memory_space<vmem_shared>> -> memref<16x128xf32, #tpu.memory_space<vmem_shared>>
      tpu.enqueue_dma source(%arg8 : memref<16x128xf32, #tpu.memory_space<vmem>>) target(%dma_start3A_904 : memref<16x128xf32, #tpu.memory_space<vmem_shared>>) target_semaphore(%run_scoped3A_901 : memref<!tpu.dma_semaphore, #tpu.memory_space<semaphore_mem>>)
      %dma_wait3A = arith.constant 0 : i32
      %dma_wait3A_905 = tpu.memref_slice %arg11[%add3A_871, %dma_wait3A] : memref<10240x128xf32, #tpu.memory_space<vmem_shared>> -> memref<16x128xf32, #tpu.memory_space<vmem_shared>>
      %dma_wait3A_906 = arith.constant 0 : i32
      %dma_wait3A_907 = tpu.memref_slice %arg11[%add3A_871, %dma_wait3A_906] : memref<10240x128xf32, #tpu.memory_space<vmem_shared>> -> memref<16x128xf32, #tpu.memory_space<vmem_shared>>
      tpu.wait_dma2 semaphore(%run_scoped3A_901 : memref<!tpu.dma_semaphore, #tpu.memory_space<semaphore_mem>>) src(%arg8 : memref<16x128xf32, #tpu.memory_space<vmem>>) dst(%dma_wait3A_907 : memref<16x128xf32, #tpu.memory_space<vmem_shared>>)
      tpu.yield
    }) : () -> ()
    %add3A_872 = arith.constant 496 : i32
    %add3A_873 = arith.addi %mul3A_809, %add3A_872 : i32
    "tpu.region"() ({
      %run_scoped3A_901 = tpu.sem_alloc : memref<!tpu.dma_semaphore, #tpu.memory_space<semaphore_mem>>
      %dma_start3A = arith.constant 0 : i32
      %dma_start3A_902 = tpu.memref_slice %arg11[%add3A_873, %dma_start3A] : memref<10240x128xf32, #tpu.memory_space<vmem_shared>> -> memref<16x128xf32, #tpu.memory_space<vmem_shared>>
      %dma_start3A_903 = arith.constant 0 : i32
      %dma_start3A_904 = tpu.memref_slice %arg11[%add3A_873, %dma_start3A_903] : memref<10240x128xf32, #tpu.memory_space<vmem_shared>> -> memref<16x128xf32, #tpu.memory_space<vmem_shared>>
      tpu.enqueue_dma source(%arg8 : memref<16x128xf32, #tpu.memory_space<vmem>>) target(%dma_start3A_904 : memref<16x128xf32, #tpu.memory_space<vmem_shared>>) target_semaphore(%run_scoped3A_901 : memref<!tpu.dma_semaphore, #tpu.memory_space<semaphore_mem>>)
      %dma_wait3A = arith.constant 0 : i32
      %dma_wait3A_905 = tpu.memref_slice %arg11[%add3A_873, %dma_wait3A] : memref<10240x128xf32, #tpu.memory_space<vmem_shared>> -> memref<16x128xf32, #tpu.memory_space<vmem_shared>>
      %dma_wait3A_906 = arith.constant 0 : i32
      %dma_wait3A_907 = tpu.memref_slice %arg11[%add3A_873, %dma_wait3A_906] : memref<10240x128xf32, #tpu.memory_space<vmem_shared>> -> memref<16x128xf32, #tpu.memory_space<vmem_shared>>
      tpu.wait_dma2 semaphore(%run_scoped3A_901 : memref<!tpu.dma_semaphore, #tpu.memory_space<semaphore_mem>>) src(%arg8 : memref<16x128xf32, #tpu.memory_space<vmem>>) dst(%dma_wait3A_907 : memref<16x128xf32, #tpu.memory_space<vmem_shared>>)
      tpu.yield
    }) : () -> ()
    %add3A_874 = arith.constant 512 : i32
    %add3A_875 = arith.addi %mul3A_809, %add3A_874 : i32
    "tpu.region"() ({
      %run_scoped3A_901 = tpu.sem_alloc : memref<!tpu.dma_semaphore, #tpu.memory_space<semaphore_mem>>
      %dma_start3A = arith.constant 0 : i32
      %dma_start3A_902 = tpu.memref_slice %arg11[%add3A_875, %dma_start3A] : memref<10240x128xf32, #tpu.memory_space<vmem_shared>> -> memref<16x128xf32, #tpu.memory_space<vmem_shared>>
      %dma_start3A_903 = arith.constant 0 : i32
      %dma_start3A_904 = tpu.memref_slice %arg11[%add3A_875, %dma_start3A_903] : memref<10240x128xf32, #tpu.memory_space<vmem_shared>> -> memref<16x128xf32, #tpu.memory_space<vmem_shared>>
      tpu.enqueue_dma source(%arg8 : memref<16x128xf32, #tpu.memory_space<vmem>>) target(%dma_start3A_904 : memref<16x128xf32, #tpu.memory_space<vmem_shared>>) target_semaphore(%run_scoped3A_901 : memref<!tpu.dma_semaphore, #tpu.memory_space<semaphore_mem>>)
      %dma_wait3A = arith.constant 0 : i32
      %dma_wait3A_905 = tpu.memref_slice %arg11[%add3A_875, %dma_wait3A] : memref<10240x128xf32, #tpu.memory_space<vmem_shared>> -> memref<16x128xf32, #tpu.memory_space<vmem_shared>>
      %dma_wait3A_906 = arith.constant 0 : i32
      %dma_wait3A_907 = tpu.memref_slice %arg11[%add3A_875, %dma_wait3A_906] : memref<10240x128xf32, #tpu.memory_space<vmem_shared>> -> memref<16x128xf32, #tpu.memory_space<vmem_shared>>
      tpu.wait_dma2 semaphore(%run_scoped3A_901 : memref<!tpu.dma_semaphore, #tpu.memory_space<semaphore_mem>>) src(%arg8 : memref<16x128xf32, #tpu.memory_space<vmem>>) dst(%dma_wait3A_907 : memref<16x128xf32, #tpu.memory_space<vmem_shared>>)
      tpu.yield
    }) : () -> ()
    %add3A_876 = arith.constant 528 : i32
    %add3A_877 = arith.addi %mul3A_809, %add3A_876 : i32
    "tpu.region"() ({
      %run_scoped3A_901 = tpu.sem_alloc : memref<!tpu.dma_semaphore, #tpu.memory_space<semaphore_mem>>
      %dma_start3A = arith.constant 0 : i32
      %dma_start3A_902 = tpu.memref_slice %arg11[%add3A_877, %dma_start3A] : memref<10240x128xf32, #tpu.memory_space<vmem_shared>> -> memref<16x128xf32, #tpu.memory_space<vmem_shared>>
      %dma_start3A_903 = arith.constant 0 : i32
      %dma_start3A_904 = tpu.memref_slice %arg11[%add3A_877, %dma_start3A_903] : memref<10240x128xf32, #tpu.memory_space<vmem_shared>> -> memref<16x128xf32, #tpu.memory_space<vmem_shared>>
      tpu.enqueue_dma source(%arg8 : memref<16x128xf32, #tpu.memory_space<vmem>>) target(%dma_start3A_904 : memref<16x128xf32, #tpu.memory_space<vmem_shared>>) target_semaphore(%run_scoped3A_901 : memref<!tpu.dma_semaphore, #tpu.memory_space<semaphore_mem>>)
      %dma_wait3A = arith.constant 0 : i32
      %dma_wait3A_905 = tpu.memref_slice %arg11[%add3A_877, %dma_wait3A] : memref<10240x128xf32, #tpu.memory_space<vmem_shared>> -> memref<16x128xf32, #tpu.memory_space<vmem_shared>>
      %dma_wait3A_906 = arith.constant 0 : i32
      %dma_wait3A_907 = tpu.memref_slice %arg11[%add3A_877, %dma_wait3A_906] : memref<10240x128xf32, #tpu.memory_space<vmem_shared>> -> memref<16x128xf32, #tpu.memory_space<vmem_shared>>
      tpu.wait_dma2 semaphore(%run_scoped3A_901 : memref<!tpu.dma_semaphore, #tpu.memory_space<semaphore_mem>>) src(%arg8 : memref<16x128xf32, #tpu.memory_space<vmem>>) dst(%dma_wait3A_907 : memref<16x128xf32, #tpu.memory_space<vmem_shared>>)
      tpu.yield
    }) : () -> ()
    %add3A_878 = arith.constant 544 : i32
    %add3A_879 = arith.addi %mul3A_809, %add3A_878 : i32
    "tpu.region"() ({
      %run_scoped3A_901 = tpu.sem_alloc : memref<!tpu.dma_semaphore, #tpu.memory_space<semaphore_mem>>
      %dma_start3A = arith.constant 0 : i32
      %dma_start3A_902 = tpu.memref_slice %arg11[%add3A_879, %dma_start3A] : memref<10240x128xf32, #tpu.memory_space<vmem_shared>> -> memref<16x128xf32, #tpu.memory_space<vmem_shared>>
      %dma_start3A_903 = arith.constant 0 : i32
      %dma_start3A_904 = tpu.memref_slice %arg11[%add3A_879, %dma_start3A_903] : memref<10240x128xf32, #tpu.memory_space<vmem_shared>> -> memref<16x128xf32, #tpu.memory_space<vmem_shared>>
      tpu.enqueue_dma source(%arg8 : memref<16x128xf32, #tpu.memory_space<vmem>>) target(%dma_start3A_904 : memref<16x128xf32, #tpu.memory_space<vmem_shared>>) target_semaphore(%run_scoped3A_901 : memref<!tpu.dma_semaphore, #tpu.memory_space<semaphore_mem>>)
      %dma_wait3A = arith.constant 0 : i32
      %dma_wait3A_905 = tpu.memref_slice %arg11[%add3A_879, %dma_wait3A] : memref<10240x128xf32, #tpu.memory_space<vmem_shared>> -> memref<16x128xf32, #tpu.memory_space<vmem_shared>>
      %dma_wait3A_906 = arith.constant 0 : i32
      %dma_wait3A_907 = tpu.memref_slice %arg11[%add3A_879, %dma_wait3A_906] : memref<10240x128xf32, #tpu.memory_space<vmem_shared>> -> memref<16x128xf32, #tpu.memory_space<vmem_shared>>
      tpu.wait_dma2 semaphore(%run_scoped3A_901 : memref<!tpu.dma_semaphore, #tpu.memory_space<semaphore_mem>>) src(%arg8 : memref<16x128xf32, #tpu.memory_space<vmem>>) dst(%dma_wait3A_907 : memref<16x128xf32, #tpu.memory_space<vmem_shared>>)
      tpu.yield
    }) : () -> ()
    %add3A_880 = arith.constant 560 : i32
    %add3A_881 = arith.addi %mul3A_809, %add3A_880 : i32
    "tpu.region"() ({
      %run_scoped3A_901 = tpu.sem_alloc : memref<!tpu.dma_semaphore, #tpu.memory_space<semaphore_mem>>
      %dma_start3A = arith.constant 0 : i32
      %dma_start3A_902 = tpu.memref_slice %arg11[%add3A_881, %dma_start3A] : memref<10240x128xf32, #tpu.memory_space<vmem_shared>> -> memref<16x128xf32, #tpu.memory_space<vmem_shared>>
      %dma_start3A_903 = arith.constant 0 : i32
      %dma_start3A_904 = tpu.memref_slice %arg11[%add3A_881, %dma_start3A_903] : memref<10240x128xf32, #tpu.memory_space<vmem_shared>> -> memref<16x128xf32, #tpu.memory_space<vmem_shared>>
      tpu.enqueue_dma source(%arg8 : memref<16x128xf32, #tpu.memory_space<vmem>>) target(%dma_start3A_904 : memref<16x128xf32, #tpu.memory_space<vmem_shared>>) target_semaphore(%run_scoped3A_901 : memref<!tpu.dma_semaphore, #tpu.memory_space<semaphore_mem>>)
      %dma_wait3A = arith.constant 0 : i32
      %dma_wait3A_905 = tpu.memref_slice %arg11[%add3A_881, %dma_wait3A] : memref<10240x128xf32, #tpu.memory_space<vmem_shared>> -> memref<16x128xf32, #tpu.memory_space<vmem_shared>>
      %dma_wait3A_906 = arith.constant 0 : i32
      %dma_wait3A_907 = tpu.memref_slice %arg11[%add3A_881, %dma_wait3A_906] : memref<10240x128xf32, #tpu.memory_space<vmem_shared>> -> memref<16x128xf32, #tpu.memory_space<vmem_shared>>
      tpu.wait_dma2 semaphore(%run_scoped3A_901 : memref<!tpu.dma_semaphore, #tpu.memory_space<semaphore_mem>>) src(%arg8 : memref<16x128xf32, #tpu.memory_space<vmem>>) dst(%dma_wait3A_907 : memref<16x128xf32, #tpu.memory_space<vmem_shared>>)
      tpu.yield
    }) : () -> ()
    %add3A_882 = arith.constant 576 : i32
    %add3A_883 = arith.addi %mul3A_809, %add3A_882 : i32
    "tpu.region"() ({
      %run_scoped3A_901 = tpu.sem_alloc : memref<!tpu.dma_semaphore, #tpu.memory_space<semaphore_mem>>
      %dma_start3A = arith.constant 0 : i32
      %dma_start3A_902 = tpu.memref_slice %arg11[%add3A_883, %dma_start3A] : memref<10240x128xf32, #tpu.memory_space<vmem_shared>> -> memref<16x128xf32, #tpu.memory_space<vmem_shared>>
      %dma_start3A_903 = arith.constant 0 : i32
      %dma_start3A_904 = tpu.memref_slice %arg11[%add3A_883, %dma_start3A_903] : memref<10240x128xf32, #tpu.memory_space<vmem_shared>> -> memref<16x128xf32, #tpu.memory_space<vmem_shared>>
      tpu.enqueue_dma source(%arg8 : memref<16x128xf32, #tpu.memory_space<vmem>>) target(%dma_start3A_904 : memref<16x128xf32, #tpu.memory_space<vmem_shared>>) target_semaphore(%run_scoped3A_901 : memref<!tpu.dma_semaphore, #tpu.memory_space<semaphore_mem>>)
      %dma_wait3A = arith.constant 0 : i32
      %dma_wait3A_905 = tpu.memref_slice %arg11[%add3A_883, %dma_wait3A] : memref<10240x128xf32, #tpu.memory_space<vmem_shared>> -> memref<16x128xf32, #tpu.memory_space<vmem_shared>>
      %dma_wait3A_906 = arith.constant 0 : i32
      %dma_wait3A_907 = tpu.memref_slice %arg11[%add3A_883, %dma_wait3A_906] : memref<10240x128xf32, #tpu.memory_space<vmem_shared>> -> memref<16x128xf32, #tpu.memory_space<vmem_shared>>
      tpu.wait_dma2 semaphore(%run_scoped3A_901 : memref<!tpu.dma_semaphore, #tpu.memory_space<semaphore_mem>>) src(%arg8 : memref<16x128xf32, #tpu.memory_space<vmem>>) dst(%dma_wait3A_907 : memref<16x128xf32, #tpu.memory_space<vmem_shared>>)
      tpu.yield
    }) : () -> ()
    %add3A_884 = arith.constant 592 : i32
    %add3A_885 = arith.addi %mul3A_809, %add3A_884 : i32
    "tpu.region"() ({
      %run_scoped3A_901 = tpu.sem_alloc : memref<!tpu.dma_semaphore, #tpu.memory_space<semaphore_mem>>
      %dma_start3A = arith.constant 0 : i32
      %dma_start3A_902 = tpu.memref_slice %arg11[%add3A_885, %dma_start3A] : memref<10240x128xf32, #tpu.memory_space<vmem_shared>> -> memref<16x128xf32, #tpu.memory_space<vmem_shared>>
      %dma_start3A_903 = arith.constant 0 : i32
      %dma_start3A_904 = tpu.memref_slice %arg11[%add3A_885, %dma_start3A_903] : memref<10240x128xf32, #tpu.memory_space<vmem_shared>> -> memref<16x128xf32, #tpu.memory_space<vmem_shared>>
      tpu.enqueue_dma source(%arg8 : memref<16x128xf32, #tpu.memory_space<vmem>>) target(%dma_start3A_904 : memref<16x128xf32, #tpu.memory_space<vmem_shared>>) target_semaphore(%run_scoped3A_901 : memref<!tpu.dma_semaphore, #tpu.memory_space<semaphore_mem>>)
      %dma_wait3A = arith.constant 0 : i32
      %dma_wait3A_905 = tpu.memref_slice %arg11[%add3A_885, %dma_wait3A] : memref<10240x128xf32, #tpu.memory_space<vmem_shared>> -> memref<16x128xf32, #tpu.memory_space<vmem_shared>>
      %dma_wait3A_906 = arith.constant 0 : i32
      %dma_wait3A_907 = tpu.memref_slice %arg11[%add3A_885, %dma_wait3A_906] : memref<10240x128xf32, #tpu.memory_space<vmem_shared>> -> memref<16x128xf32, #tpu.memory_space<vmem_shared>>
      tpu.wait_dma2 semaphore(%run_scoped3A_901 : memref<!tpu.dma_semaphore, #tpu.memory_space<semaphore_mem>>) src(%arg8 : memref<16x128xf32, #tpu.memory_space<vmem>>) dst(%dma_wait3A_907 : memref<16x128xf32, #tpu.memory_space<vmem_shared>>)
      tpu.yield
    }) : () -> ()
    %add3A_886 = arith.constant 608 : i32
    %add3A_887 = arith.addi %mul3A_809, %add3A_886 : i32
    "tpu.region"() ({
      %run_scoped3A_901 = tpu.sem_alloc : memref<!tpu.dma_semaphore, #tpu.memory_space<semaphore_mem>>
      %dma_start3A = arith.constant 0 : i32
      %dma_start3A_902 = tpu.memref_slice %arg11[%add3A_887, %dma_start3A] : memref<10240x128xf32, #tpu.memory_space<vmem_shared>> -> memref<16x128xf32, #tpu.memory_space<vmem_shared>>
      %dma_start3A_903 = arith.constant 0 : i32
      %dma_start3A_904 = tpu.memref_slice %arg11[%add3A_887, %dma_start3A_903] : memref<10240x128xf32, #tpu.memory_space<vmem_shared>> -> memref<16x128xf32, #tpu.memory_space<vmem_shared>>
      tpu.enqueue_dma source(%arg8 : memref<16x128xf32, #tpu.memory_space<vmem>>) target(%dma_start3A_904 : memref<16x128xf32, #tpu.memory_space<vmem_shared>>) target_semaphore(%run_scoped3A_901 : memref<!tpu.dma_semaphore, #tpu.memory_space<semaphore_mem>>)
      %dma_wait3A = arith.constant 0 : i32
      %dma_wait3A_905 = tpu.memref_slice %arg11[%add3A_887, %dma_wait3A] : memref<10240x128xf32, #tpu.memory_space<vmem_shared>> -> memref<16x128xf32, #tpu.memory_space<vmem_shared>>
      %dma_wait3A_906 = arith.constant 0 : i32
      %dma_wait3A_907 = tpu.memref_slice %arg11[%add3A_887, %dma_wait3A_906] : memref<10240x128xf32, #tpu.memory_space<vmem_shared>> -> memref<16x128xf32, #tpu.memory_space<vmem_shared>>
      tpu.wait_dma2 semaphore(%run_scoped3A_901 : memref<!tpu.dma_semaphore, #tpu.memory_space<semaphore_mem>>) src(%arg8 : memref<16x128xf32, #tpu.memory_space<vmem>>) dst(%dma_wait3A_907 : memref<16x128xf32, #tpu.memory_space<vmem_shared>>)
      tpu.yield
    }) : () -> ()
    %add3A_888 = arith.constant 624 : i32
    %add3A_889 = arith.addi %mul3A_809, %add3A_888 : i32
    "tpu.region"() ({
      %run_scoped3A_901 = tpu.sem_alloc : memref<!tpu.dma_semaphore, #tpu.memory_space<semaphore_mem>>
      %dma_start3A = arith.constant 0 : i32
      %dma_start3A_902 = tpu.memref_slice %arg11[%add3A_889, %dma_start3A] : memref<10240x128xf32, #tpu.memory_space<vmem_shared>> -> memref<16x128xf32, #tpu.memory_space<vmem_shared>>
      %dma_start3A_903 = arith.constant 0 : i32
      %dma_start3A_904 = tpu.memref_slice %arg11[%add3A_889, %dma_start3A_903] : memref<10240x128xf32, #tpu.memory_space<vmem_shared>> -> memref<16x128xf32, #tpu.memory_space<vmem_shared>>
      tpu.enqueue_dma source(%arg8 : memref<16x128xf32, #tpu.memory_space<vmem>>) target(%dma_start3A_904 : memref<16x128xf32, #tpu.memory_space<vmem_shared>>) target_semaphore(%run_scoped3A_901 : memref<!tpu.dma_semaphore, #tpu.memory_space<semaphore_mem>>)
      %dma_wait3A = arith.constant 0 : i32
      %dma_wait3A_905 = tpu.memref_slice %arg11[%add3A_889, %dma_wait3A] : memref<10240x128xf32, #tpu.memory_space<vmem_shared>> -> memref<16x128xf32, #tpu.memory_space<vmem_shared>>
      %dma_wait3A_906 = arith.constant 0 : i32
      %dma_wait3A_907 = tpu.memref_slice %arg11[%add3A_889, %dma_wait3A_906] : memref<10240x128xf32, #tpu.memory_space<vmem_shared>> -> memref<16x128xf32, #tpu.memory_space<vmem_shared>>
      tpu.wait_dma2 semaphore(%run_scoped3A_901 : memref<!tpu.dma_semaphore, #tpu.memory_space<semaphore_mem>>) src(%arg8 : memref<16x128xf32, #tpu.memory_space<vmem>>) dst(%dma_wait3A_907 : memref<16x128xf32, #tpu.memory_space<vmem_shared>>)
      tpu.yield
    }) : () -> ()
    %barrier3A = arith.constant 0 : index
    tpu.barrier barrier_id(%barrier3A)
    %scan3A_890 = arith.constant 0 : i32
    %scan3A_891 = arith.constant 0 : i32
    %scan3A_892 = arith.constant 79 : i32
    %scan3A_893 = arith.addi %scan3A_891, %scan3A_892 : i32
    %scan3A_894 = arith.constant 1 : i32
    scf.for %scan3A_901 = %scan3A_891 to %scan3A_893 step %scan3A_894  : i32 {
      "tpu.region"() ({
        %run_scoped3A_906 = tpu.sem_alloc : memref<!tpu.dma_semaphore, #tpu.memory_space<semaphore_mem>>
        %dma_start3A = arith.constant 0 : i32
        %dma_start3A_907 = arith.constant 0 : i32
        %dma_start3A_908 = tpu.memref_slice %arg2[%add3A, %scan3A_901, %dma_start3A, %dma_start3A_907] : memref<32x79x2x128xi32, #tpu.memory_space<hbm>> -> memref<1x1x2x128xi32, #tpu.memory_space<hbm>>
        %dma_start3A_909 = tpu.memref_squeeze %dma_start3A_908 : memref<1x1x2x128xi32, #tpu.memory_space<hbm>> -> memref<2x128xi32, #tpu.memory_space<hbm>>
        %dma_start3A_910 = arith.constant 0 : i32
        %dma_start3A_911 = arith.constant 0 : i32
        %dma_start3A_912 = tpu.memref_slice %arg2[%add3A, %scan3A_901, %dma_start3A_910, %dma_start3A_911] : memref<32x79x2x128xi32, #tpu.memory_space<hbm>> -> memref<1x1x2x128xi32, #tpu.memory_space<hbm>>
        %dma_start3A_913 = tpu.memref_squeeze %dma_start3A_912 : memref<1x1x2x128xi32, #tpu.memory_space<hbm>> -> memref<2x128xi32, #tpu.memory_space<hbm>>
        tpu.enqueue_dma source(%dma_start3A_913 : memref<2x128xi32, #tpu.memory_space<hbm>>) target(%arg6 : memref<2x128xi32, #tpu.memory_space<vmem>>) target_semaphore(%run_scoped3A_906 : memref<!tpu.dma_semaphore, #tpu.memory_space<semaphore_mem>>)
        %dma_wait3A = arith.constant 0 : i32
        %dma_wait3A_914 = arith.constant 0 : i32
        %dma_wait3A_915 = tpu.memref_slice %arg2[%add3A, %scan3A_901, %dma_wait3A, %dma_wait3A_914] : memref<32x79x2x128xi32, #tpu.memory_space<hbm>> -> memref<1x1x2x128xi32, #tpu.memory_space<hbm>>
        %dma_wait3A_916 = tpu.memref_squeeze %dma_wait3A_915 : memref<1x1x2x128xi32, #tpu.memory_space<hbm>> -> memref<2x128xi32, #tpu.memory_space<hbm>>
        %dma_wait3A_917 = arith.constant 0 : i32
        %dma_wait3A_918 = arith.constant 0 : i32
        %dma_wait3A_919 = tpu.memref_slice %arg2[%add3A, %scan3A_901, %dma_wait3A_917, %dma_wait3A_918] : memref<32x79x2x128xi32, #tpu.memory_space<hbm>> -> memref<1x1x2x128xi32, #tpu.memory_space<hbm>>
        %dma_wait3A_920 = tpu.memref_squeeze %dma_wait3A_919 : memref<1x1x2x128xi32, #tpu.memory_space<hbm>> -> memref<2x128xi32, #tpu.memory_space<hbm>>
        tpu.wait_dma2 semaphore(%run_scoped3A_906 : memref<!tpu.dma_semaphore, #tpu.memory_space<semaphore_mem>>) src(%dma_wait3A_920 : memref<2x128xi32, #tpu.memory_space<hbm>>) dst(%arg6 : memref<2x128xi32, #tpu.memory_space<vmem>>)
        tpu.yield
      }) : () -> ()
      %run_scoped3A_902 = arith.constant 1 : i32
      "tpu.region"() ({
        %run_scoped3A_906 = tpu.sem_alloc : memref<!tpu.dma_semaphore, #tpu.memory_space<semaphore_mem>>
        %dma_start3A = arith.constant 0 : i32
        %dma_start3A_907 = tpu.memref_slice %arg6[%run_scoped3A_902, %dma_start3A] : memref<2x128xi32, #tpu.memory_space<vmem>> -> memref<1x128xi32, #tpu.memory_space<vmem>>
        %dma_start3A_908 = tpu.memref_squeeze %dma_start3A_907 : memref<1x128xi32, #tpu.memory_space<vmem>> -> memref<128xi32, #tpu.memory_space<vmem>>
        %dma_start3A_909 = arith.constant 0 : i32
        %dma_start3A_910 = arith.constant 0 : i32
        %dma_start3A_911 = tpu.memref_slice %arg3[%dma_start3A_909, %dma_start3A_910] : memref<10016x128xf32, #tpu.memory_space<hbm>> -> memref<10016x128xf32, #tpu.memory_space<hbm>>
        tpu.enqueue_indirect_dma source(%dma_start3A_911 : memref<10016x128xf32, #tpu.memory_space<hbm>>) target(%arg7 : memref<128x128xf32, #tpu.memory_space<vmem>>) offsets(%dma_start3A_908 : memref<128xi32, #tpu.memory_space<vmem>>) semaphore(%run_scoped3A_906 : memref<!tpu.dma_semaphore, #tpu.memory_space<semaphore_mem>>)
        %dma_wait3A = arith.constant 0 : i32
        %dma_wait3A_912 = tpu.memref_slice %arg6[%run_scoped3A_902, %dma_wait3A] : memref<2x128xi32, #tpu.memory_space<vmem>> -> memref<1x128xi32, #tpu.memory_space<vmem>>
        %dma_wait3A_913 = tpu.memref_squeeze %dma_wait3A_912 : memref<1x128xi32, #tpu.memory_space<vmem>> -> memref<128xi32, #tpu.memory_space<vmem>>
        %dma_wait3A_914 = arith.constant 0 : i32
        %dma_wait3A_915 = arith.constant 0 : i32
        %dma_wait3A_916 = tpu.memref_slice %arg3[%dma_wait3A_914, %dma_wait3A_915] : memref<10016x128xf32, #tpu.memory_space<hbm>> -> memref<10016x128xf32, #tpu.memory_space<hbm>>
        tpu.wait_indirect_dma semaphore(%run_scoped3A_906 : memref<!tpu.dma_semaphore, #tpu.memory_space<semaphore_mem>>) src(%dma_wait3A_916 : memref<10016x128xf32, #tpu.memory_space<hbm>>) dst(%arg7 : memref<128x128xf32, #tpu.memory_space<vmem>>)
        tpu.yield
      }) : () -> ()
      %run_scoped3A_903 = arith.constant 0 : i32
      "tpu.region"() ({
        %run_scoped3A_906 = tpu.sem_alloc : memref<!tpu.dma_semaphore, #tpu.memory_space<semaphore_mem>>
        %dma_start3A = arith.constant 0 : i32
        %dma_start3A_907 = tpu.memref_slice %arg6[%run_scoped3A_903, %dma_start3A] : memref<2x128xi32, #tpu.memory_space<vmem>> -> memref<1x128xi32, #tpu.memory_space<vmem>>
        %dma_start3A_908 = tpu.memref_squeeze %dma_start3A_907 : memref<1x128xi32, #tpu.memory_space<vmem>> -> memref<128xi32, #tpu.memory_space<vmem>>
        %dma_start3A_909 = arith.constant 0 : i32
        %dma_start3A_910 = tpu.memref_slice %arg12[%dma_start3A_909] : memref<10240xf32, #tpu.memory_space<vmem_shared>> -> memref<10240xf32, #tpu.memory_space<vmem_shared>>
        tpu.enqueue_indirect_dma source(%arg9 : memref<128xf32, #tpu.memory_space<vmem>>) target(%dma_start3A_910 : memref<10240xf32, #tpu.memory_space<vmem_shared>>) offsets(%dma_start3A_908 : memref<128xi32, #tpu.memory_space<vmem>>) semaphore(%run_scoped3A_906 : memref<!tpu.dma_semaphore, #tpu.memory_space<semaphore_mem>>) {add = true}
        %dma_wait3A = arith.constant 0 : i32
        %dma_wait3A_911 = tpu.memref_slice %arg6[%run_scoped3A_903, %dma_wait3A] : memref<2x128xi32, #tpu.memory_space<vmem>> -> memref<1x128xi32, #tpu.memory_space<vmem>>
        %dma_wait3A_912 = tpu.memref_squeeze %dma_wait3A_911 : memref<1x128xi32, #tpu.memory_space<vmem>> -> memref<128xi32, #tpu.memory_space<vmem>>
        %dma_wait3A_913 = arith.constant 0 : i32
        %dma_wait3A_914 = tpu.memref_slice %arg12[%dma_wait3A_913] : memref<10240xf32, #tpu.memory_space<vmem_shared>> -> memref<10240xf32, #tpu.memory_space<vmem_shared>>
        tpu.wait_indirect_dma semaphore(%run_scoped3A_906 : memref<!tpu.dma_semaphore, #tpu.memory_space<semaphore_mem>>) src(%arg9 : memref<128xf32, #tpu.memory_space<vmem>>) dst(%dma_wait3A_914 : memref<10240xf32, #tpu.memory_space<vmem_shared>>)
        tpu.yield
      }) : () -> ()
      %run_scoped3A_904 = arith.constant 1 : i32
      "tpu.region"() ({
        %run_scoped3A_906 = tpu.sem_alloc : memref<!tpu.dma_semaphore, #tpu.memory_space<semaphore_mem>>
        %dma_start3A = arith.constant 0 : i32
        %dma_start3A_907 = tpu.memref_slice %arg6[%run_scoped3A_904, %dma_start3A] : memref<2x128xi32, #tpu.memory_space<vmem>> -> memref<1x128xi32, #tpu.memory_space<vmem>>
        %dma_start3A_908 = tpu.memref_squeeze %dma_start3A_907 : memref<1x128xi32, #tpu.memory_space<vmem>> -> memref<128xi32, #tpu.memory_space<vmem>>
        %dma_start3A_909 = arith.constant 0 : i32
        %dma_start3A_910 = tpu.memref_slice %arg13[%dma_start3A_909] : memref<10240xf32, #tpu.memory_space<vmem_shared>> -> memref<10240xf32, #tpu.memory_space<vmem_shared>>
        tpu.enqueue_indirect_dma source(%arg9 : memref<128xf32, #tpu.memory_space<vmem>>) target(%dma_start3A_910 : memref<10240xf32, #tpu.memory_space<vmem_shared>>) offsets(%dma_start3A_908 : memref<128xi32, #tpu.memory_space<vmem>>) semaphore(%run_scoped3A_906 : memref<!tpu.dma_semaphore, #tpu.memory_space<semaphore_mem>>) {add = true}
        %dma_wait3A = arith.constant 0 : i32
        %dma_wait3A_911 = tpu.memref_slice %arg6[%run_scoped3A_904, %dma_wait3A] : memref<2x128xi32, #tpu.memory_space<vmem>> -> memref<1x128xi32, #tpu.memory_space<vmem>>
        %dma_wait3A_912 = tpu.memref_squeeze %dma_wait3A_911 : memref<1x128xi32, #tpu.memory_space<vmem>> -> memref<128xi32, #tpu.memory_space<vmem>>
        %dma_wait3A_913 = arith.constant 0 : i32
        %dma_wait3A_914 = tpu.memref_slice %arg13[%dma_wait3A_913] : memref<10240xf32, #tpu.memory_space<vmem_shared>> -> memref<10240xf32, #tpu.memory_space<vmem_shared>>
        tpu.wait_indirect_dma semaphore(%run_scoped3A_906 : memref<!tpu.dma_semaphore, #tpu.memory_space<semaphore_mem>>) src(%arg9 : memref<128xf32, #tpu.memory_space<vmem>>) dst(%dma_wait3A_914 : memref<10240xf32, #tpu.memory_space<vmem_shared>>)
        tpu.yield
      }) : () -> ()
      %run_scoped3A_905 = arith.constant 0 : i32
      "tpu.region"() ({
        %run_scoped3A_906 = tpu.sem_alloc : memref<!tpu.dma_semaphore, #tpu.memory_space<semaphore_mem>>
        %dma_start3A = arith.constant 0 : i32
        %dma_start3A_907 = tpu.memref_slice %arg6[%run_scoped3A_905, %dma_start3A] : memref<2x128xi32, #tpu.memory_space<vmem>> -> memref<1x128xi32, #tpu.memory_space<vmem>>
        %dma_start3A_908 = tpu.memref_squeeze %dma_start3A_907 : memref<1x128xi32, #tpu.memory_space<vmem>> -> memref<128xi32, #tpu.memory_space<vmem>>
        %dma_start3A_909 = arith.constant 0 : i32
        %dma_start3A_910 = arith.constant 0 : i32
        %dma_start3A_911 = tpu.memref_slice %arg11[%dma_start3A_909, %dma_start3A_910] : memref<10240x128xf32, #tpu.memory_space<vmem_shared>> -> memref<10240x128xf32, #tpu.memory_space<vmem_shared>>
        tpu.enqueue_indirect_dma source(%arg7 : memref<128x128xf32, #tpu.memory_space<vmem>>) target(%dma_start3A_911 : memref<10240x128xf32, #tpu.memory_space<vmem_shared>>) offsets(%dma_start3A_908 : memref<128xi32, #tpu.memory_space<vmem>>) semaphore(%run_scoped3A_906 : memref<!tpu.dma_semaphore, #tpu.memory_space<semaphore_mem>>) {add = true}
        %dma_wait3A = arith.constant 0 : i32
        %dma_wait3A_912 = tpu.memref_slice %arg6[%run_scoped3A_905, %dma_wait3A] : memref<2x128xi32, #tpu.memory_space<vmem>> -> memref<1x128xi32, #tpu.memory_space<vmem>>
        %dma_wait3A_913 = tpu.memref_squeeze %dma_wait3A_912 : memref<1x128xi32, #tpu.memory_space<vmem>> -> memref<128xi32, #tpu.memory_space<vmem>>
        %dma_wait3A_914 = arith.constant 0 : i32
        %dma_wait3A_915 = arith.constant 0 : i32
        %dma_wait3A_916 = tpu.memref_slice %arg11[%dma_wait3A_914, %dma_wait3A_915] : memref<10240x128xf32, #tpu.memory_space<vmem_shared>> -> memref<10240x128xf32, #tpu.memory_space<vmem_shared>>
        tpu.wait_indirect_dma semaphore(%run_scoped3A_906 : memref<!tpu.dma_semaphore, #tpu.memory_space<semaphore_mem>>) src(%arg7 : memref<128x128xf32, #tpu.memory_space<vmem>>) dst(%dma_wait3A_916 : memref<10240x128xf32, #tpu.memory_space<vmem_shared>>)
        tpu.yield
      }) : () -> ()
    }
    %scan3A_895 = arith.constant 79 : i32
    %barrier3A_896 = arith.constant 0 : index
    tpu.barrier barrier_id(%barrier3A_896)
    %mul3A_897 = arith.constant 10240 : i32
    %mul3A_898 = arith.muli %arg0, %mul3A_897 : i32
    %add3A_899 = arith.addi %mul3A_898, %mul3A_809 : i32
    "tpu.region"() ({
      %run_scoped3A_901 = tpu.sem_alloc : memref<!tpu.dma_semaphore, #tpu.memory_space<semaphore_mem>>
      %dma_start3A = arith.constant 0 : i32
      %dma_start3A_902 = tpu.memref_slice %arg4[%add3A_899, %dma_start3A] : memref<20480x128xf32, #tpu.memory_space<hbm>> -> memref<640x128xf32, #tpu.memory_space<hbm>>
      %dma_start3A_903 = arith.constant 0 : i32
      %dma_start3A_904 = tpu.memref_slice %arg11[%mul3A_809, %dma_start3A_903] : memref<10240x128xf32, #tpu.memory_space<vmem_shared>> -> memref<640x128xf32, #tpu.memory_space<vmem_shared>>
      tpu.enqueue_dma source(%dma_start3A_904 : memref<640x128xf32, #tpu.memory_space<vmem_shared>>) target(%dma_start3A_902 : memref<640x128xf32, #tpu.memory_space<hbm>>) target_semaphore(%run_scoped3A_901 : memref<!tpu.dma_semaphore, #tpu.memory_space<semaphore_mem>>)
      %dma_wait3A = arith.constant 0 : i32
      %dma_wait3A_905 = tpu.memref_slice %arg4[%add3A_899, %dma_wait3A] : memref<20480x128xf32, #tpu.memory_space<hbm>> -> memref<640x128xf32, #tpu.memory_space<hbm>>
      %dma_wait3A_906 = arith.constant 0 : i32
      %dma_wait3A_907 = tpu.memref_slice %arg11[%mul3A_809, %dma_wait3A_906] : memref<10240x128xf32, #tpu.memory_space<vmem_shared>> -> memref<640x128xf32, #tpu.memory_space<vmem_shared>>
      tpu.wait_dma2 semaphore(%run_scoped3A_901 : memref<!tpu.dma_semaphore, #tpu.memory_space<semaphore_mem>>) src(%dma_wait3A_907 : memref<640x128xf32, #tpu.memory_space<vmem_shared>>) dst(%dma_wait3A_905 : memref<640x128xf32, #tpu.memory_space<hbm>>)
      tpu.yield
    }) : () -> ()
    %run_scoped3A = arith.constant 0 : i32
    "tpu.region"() ({
      %run_scoped3A_901 = tpu.sem_alloc : memref<!tpu.dma_semaphore, #tpu.memory_space<semaphore_mem>>
      %dma_start3A = tpu.memref_slice %arg5[%arg0, %run_scoped3A, %mul3A_809] : memref<2x2x10240xf32, #tpu.memory_space<hbm>> -> memref<1x1x640xf32, #tpu.memory_space<hbm>>
      %dma_start3A_902 = tpu.memref_squeeze %dma_start3A : memref<1x1x640xf32, #tpu.memory_space<hbm>> -> memref<640xf32, #tpu.memory_space<hbm>>
      %dma_start3A_903 = tpu.memref_slice %arg12[%mul3A_809] : memref<10240xf32, #tpu.memory_space<vmem_shared>> -> memref<640xf32, #tpu.memory_space<vmem_shared>>
      tpu.enqueue_dma source(%dma_start3A_903 : memref<640xf32, #tpu.memory_space<vmem_shared>>) target(%dma_start3A_902 : memref<640xf32, #tpu.memory_space<hbm>>) target_semaphore(%run_scoped3A_901 : memref<!tpu.dma_semaphore, #tpu.memory_space<semaphore_mem>>)
      %dma_wait3A = tpu.memref_slice %arg5[%arg0, %run_scoped3A, %mul3A_809] : memref<2x2x10240xf32, #tpu.memory_space<hbm>> -> memref<1x1x640xf32, #tpu.memory_space<hbm>>
      %dma_wait3A_904 = tpu.memref_squeeze %dma_wait3A : memref<1x1x640xf32, #tpu.memory_space<hbm>> -> memref<640xf32, #tpu.memory_space<hbm>>
      %dma_wait3A_905 = tpu.memref_slice %arg12[%mul3A_809] : memref<10240xf32, #tpu.memory_space<vmem_shared>> -> memref<640xf32, #tpu.memory_space<vmem_shared>>
      tpu.wait_dma2 semaphore(%run_scoped3A_901 : memref<!tpu.dma_semaphore, #tpu.memory_space<semaphore_mem>>) src(%dma_wait3A_905 : memref<640xf32, #tpu.memory_space<vmem_shared>>) dst(%dma_wait3A_904 : memref<640xf32, #tpu.memory_space<hbm>>)
      tpu.yield
    }) : () -> ()
    %run_scoped3A_900 = arith.constant 1 : i32
    "tpu.region"() ({
      %run_scoped3A_901 = tpu.sem_alloc : memref<!tpu.dma_semaphore, #tpu.memory_space<semaphore_mem>>
      %dma_start3A = tpu.memref_slice %arg5[%arg0, %run_scoped3A_900, %mul3A_809] : memref<2x2x10240xf32, #tpu.memory_space<hbm>> -> memref<1x1x640xf32, #tpu.memory_space<hbm>>
      %dma_start3A_902 = tpu.memref_squeeze %dma_start3A : memref<1x1x640xf32, #tpu.memory_space<hbm>> -> memref<640xf32, #tpu.memory_space<hbm>>
      %dma_start3A_903 = tpu.memref_slice %arg13[%mul3A_809] : memref<10240xf32, #tpu.memory_space<vmem_shared>> -> memref<640xf32, #tpu.memory_space<vmem_shared>>
      tpu.enqueue_dma source(%dma_start3A_903 : memref<640xf32, #tpu.memory_space<vmem_shared>>) target(%dma_start3A_902 : memref<640xf32, #tpu.memory_space<hbm>>) target_semaphore(%run_scoped3A_901 : memref<!tpu.dma_semaphore, #tpu.memory_space<semaphore_mem>>)
      %dma_wait3A = tpu.memref_slice %arg5[%arg0, %run_scoped3A_900, %mul3A_809] : memref<2x2x10240xf32, #tpu.memory_space<hbm>> -> memref<1x1x640xf32, #tpu.memory_space<hbm>>
      %dma_wait3A_904 = tpu.memref_squeeze %dma_wait3A : memref<1x1x640xf32, #tpu.memory_space<hbm>> -> memref<640xf32, #tpu.memory_space<hbm>>
      %dma_wait3A_905 = tpu.memref_slice %arg13[%mul3A_809] : memref<10240xf32, #tpu.memory_space<vmem_shared>> -> memref<640xf32, #tpu.memory_space<vmem_shared>>
      tpu.wait_dma2 semaphore(%run_scoped3A_901 : memref<!tpu.dma_semaphore, #tpu.memory_space<semaphore_mem>>) src(%dma_wait3A_905 : memref<640xf32, #tpu.memory_space<vmem_shared>>) dst(%dma_wait3A_904 : memref<640xf32, #tpu.memory_space<hbm>>)
      tpu.yield
    }) : () -> ()
    return
  }
}

module attributes {stable_mosaic.version = 14 : i64} {
  func.func @_tc_body(%arg0: memref<10000x128xf32, #tpu.memory_space<vmem>>, %arg1: memref<2x10000x128xf32, #tpu.memory_space<vmem>>, %arg2: memref<2x2x10000xf32, #tpu.memory_space<vmem>>, %arg3: memref<10000xf32, #tpu.memory_space<vmem>>, %arg4: memref<128x128xf32, #tpu.memory_space<vmem>>, %arg5: memref<1x1xf32, #tpu.memory_space<vmem>>) attributes {dimension_semantics = [], scalar_prefetch = 0 : i64, scratch_operands = 0 : i64, tpu.core_type = #tpu.core_type<tc>} {
    %get3A = arith.constant 0 : index
    %get3A_0 = arith.constant 0 : index
    %get3A_1 = vector.load %arg0[%get3A, %get3A_0] : memref<10000x128xf32, #tpu.memory_space<vmem>>, vector<10000x128xf32>
    %get3A_2 = arith.constant 0 : index
    %get3A_3 = arith.constant 0 : index
    %get3A_4 = arith.constant 0 : index
    %get3A_5 = vector.load %arg1[%get3A_2, %get3A_3, %get3A_4] : memref<2x10000x128xf32, #tpu.memory_space<vmem>>, vector<1x10000x128xf32>
    %get3A_6 = vector.shape_cast %get3A_5 : vector<1x10000x128xf32> to vector<10000x128xf32>
    %get3A_7 = arith.constant 1 : index
    %get3A_8 = arith.constant 0 : index
    %get3A_9 = arith.constant 0 : index
    %get3A_10 = vector.load %arg1[%get3A_7, %get3A_8, %get3A_9] : memref<2x10000x128xf32, #tpu.memory_space<vmem>>, vector<1x10000x128xf32>
    %get3A_11 = vector.shape_cast %get3A_10 : vector<1x10000x128xf32> to vector<10000x128xf32>
    %add3A = arith.addf %get3A_6, %get3A_11 : vector<10000x128xf32>
    %get3A_12 = arith.constant 0 : index
    %get3A_13 = arith.constant 0 : index
    %get3A_14 = arith.constant 0 : index
    %get3A_15 = vector.load %arg2[%get3A_12, %get3A_13, %get3A_14] : memref<2x2x10000xf32, #tpu.memory_space<vmem>>, vector<1x1x10000xf32>
    %get3A_16 = vector.shape_cast %get3A_15 : vector<1x1x10000xf32> to vector<10000xf32>
    %get3A_17 = arith.constant 1 : index
    %get3A_18 = arith.constant 0 : index
    %get3A_19 = arith.constant 0 : index
    %get3A_20 = vector.load %arg2[%get3A_17, %get3A_18, %get3A_19] : memref<2x2x10000xf32, #tpu.memory_space<vmem>>, vector<1x1x10000xf32>
    %get3A_21 = vector.shape_cast %get3A_20 : vector<1x1x10000xf32> to vector<10000xf32>
    %add3A_22 = arith.addf %get3A_16, %get3A_21 : vector<10000xf32>
    %get3A_23 = arith.constant 0 : index
    %get3A_24 = arith.constant 1 : index
    %get3A_25 = arith.constant 0 : index
    %get3A_26 = vector.load %arg2[%get3A_23, %get3A_24, %get3A_25] : memref<2x2x10000xf32, #tpu.memory_space<vmem>>, vector<1x1x10000xf32>
    %get3A_27 = vector.shape_cast %get3A_26 : vector<1x1x10000xf32> to vector<10000xf32>
    %get3A_28 = arith.constant 1 : index
    %get3A_29 = arith.constant 1 : index
    %get3A_30 = arith.constant 0 : index
    %get3A_31 = vector.load %arg2[%get3A_28, %get3A_29, %get3A_30] : memref<2x2x10000xf32, #tpu.memory_space<vmem>>, vector<1x1x10000xf32>
    %get3A_32 = vector.shape_cast %get3A_31 : vector<1x1x10000xf32> to vector<10000xf32>
    %add3A_33 = arith.addf %get3A_27, %get3A_32 : vector<10000xf32>
    %get3A_34 = arith.constant 0 : index
    %get3A_35 = vector.load %arg3[%get3A_34] : memref<10000xf32, #tpu.memory_space<vmem>>, vector<10000xf32>
    %get3A_36 = arith.constant 0 : index
    %get3A_37 = arith.constant 0 : index
    %get3A_38 = vector.load %arg4[%get3A_36, %get3A_37] : memref<128x128xf32, #tpu.memory_space<vmem>>, vector<128x128xf32>
    %dot_general3A = arith.constant dense<0.000000e+00> : vector<10000x128xf32>
    %dot_general3A_39 = tpu.matmul %get3A_1, %get3A_38, %dot_general3A {dimension_numbers = #tpu.dot_dimension_numbers<[1], [0], [0], [1], [0, 0, 1, 1], [], []>, transpose_lhs_hint = false} : vector<10000x128xf32>, vector<128x128xf32>, vector<10000x128xf32> -> vector<10000x128xf32>
    %max3A = arith.constant 1.000000e+00 : f32
    %max3A_40 = vector.broadcast %max3A : f32 to vector<10000xf32>
    %max3A_41 = arith.maximumf %add3A_22, %max3A_40 : vector<10000xf32>
    %broadcast_in_dim3A = vector.shape_cast %max3A_41 : vector<10000xf32> to vector<10000x1xf32>
    %div3A = vector.broadcast %broadcast_in_dim3A : vector<10000x1xf32> to vector<10000x128xf32>
    %div3A_42 = arith.divf %add3A, %div3A : vector<10000x128xf32>
    %sub3A = arith.subf %dot_general3A_39, %div3A_42 : vector<10000x128xf32>
    %mul3A = arith.mulf %sub3A, %sub3A : vector<10000x128xf32>
    %reduce_sum3A = arith.constant dense<0.000000e+00> : vector<10000xf32>
    %reduce_sum3A_43 = vector.multi_reduction <add>, %mul3A, %reduce_sum3A [1] : vector<10000x128xf32> to vector<10000xf32>
    %mul3A_44 = arith.mulf %get3A_35, %reduce_sum3A_43 : vector<10000xf32>
    %reduce_sum3A_45 = vector.shape_cast %mul3A_44 : vector<10000xf32> to vector<1x10000xf32>
    %reduce_sum3A_46 = arith.constant dense<0.000000e+00> : vector<1xf32>
    %reduce_sum3A_47 = vector.multi_reduction <add>, %reduce_sum3A_45, %reduce_sum3A_46 [1] : vector<1x10000xf32> to vector<1xf32>
    %reduce_sum3A_48 = vector.shape_cast %reduce_sum3A_47 : vector<1xf32> to vector<1x1xf32>
    %reduce_sum3A_49 = vector.extract %reduce_sum3A_48[0, 0] : f32 from vector<1x1xf32>
    %mul3A_50 = arith.mulf %get3A_1, %get3A_1 : vector<10000x128xf32>
    %reduce_sum3A_51 = arith.constant dense<0.000000e+00> : vector<10000xf32>
    %reduce_sum3A_52 = vector.multi_reduction <add>, %mul3A_50, %reduce_sum3A_51 [1] : vector<10000x128xf32> to vector<10000xf32>
    %add3A_53 = arith.addf %add3A_22, %add3A_33 : vector<10000xf32>
    %mul3A_54 = arith.mulf %add3A_53, %reduce_sum3A_52 : vector<10000xf32>
    %reduce_sum3A_55 = vector.shape_cast %mul3A_54 : vector<10000xf32> to vector<1x10000xf32>
    %reduce_sum3A_56 = arith.constant dense<0.000000e+00> : vector<1xf32>
    %reduce_sum3A_57 = vector.multi_reduction <add>, %reduce_sum3A_55, %reduce_sum3A_56 [1] : vector<1x10000xf32> to vector<1xf32>
    %reduce_sum3A_58 = vector.shape_cast %reduce_sum3A_57 : vector<1xf32> to vector<1x1xf32>
    %reduce_sum3A_59 = vector.extract %reduce_sum3A_58[0, 0] : f32 from vector<1x1xf32>
    %mul3A_60 = arith.mulf %get3A_1, %add3A : vector<10000x128xf32>
    %reduce_sum3A_61 = vector.shape_cast %mul3A_60 : vector<10000x128xf32> to vector<1x10000x128xf32>
    %reduce_sum3A_62 = arith.constant dense<0.000000e+00> : vector<1xf32>
    %reduce_sum3A_63 = vector.multi_reduction <add>, %reduce_sum3A_61, %reduce_sum3A_62 [1, 2] : vector<1x10000x128xf32> to vector<1xf32>
    %reduce_sum3A_64 = vector.shape_cast %reduce_sum3A_63 : vector<1xf32> to vector<1x1x1xf32>
    %reduce_sum3A_65 = vector.extract %reduce_sum3A_64[0, 0, 0] : f32 from vector<1x1x1xf32>
    %div3A_66 = arith.constant 6.400000e+05 : f32
    %div3A_67 = arith.divf %reduce_sum3A_49, %div3A_66 : f32
    %mul3A_68 = arith.constant 2.000000e+00 : f32
    %mul3A_69 = arith.mulf %mul3A_68, %reduce_sum3A_65 : f32
    %sub3A_70 = arith.subf %reduce_sum3A_59, %mul3A_69 : f32
    %div3A_71 = arith.constant 3.200000e+05 : f32
    %div3A_72 = arith.divf %sub3A_70, %div3A_71 : f32
    %mul3A_73 = arith.constant 5.000000e-01 : f32
    %mul3A_74 = arith.mulf %mul3A_73, %div3A_72 : f32
    %add3A_75 = arith.addf %div3A_67, %mul3A_74 : f32
    %broadcast_in_dim3A_76 = vector.broadcast %add3A_75 : f32 to vector<1x1xf32>
    %swap3A = arith.constant 0 : index
    %swap3A_77 = arith.constant 0 : index
    %swap3A_78 = vector.load %arg5[%swap3A, %swap3A_77] : memref<1x1xf32, #tpu.memory_space<vmem>>, vector<1x1xf32>
    tpu.vector_store %arg5[%swap3A, %swap3A_77], %broadcast_in_dim3A_76 {strides = array<i32>} : memref<1x1xf32, #tpu.memory_space<vmem>>, vector<1x1xf32>,
    return
  }
}

</mosaic_0001>

<sc_bundles>
// kernel: kernel.6.cloned.1.call-start
scs
__scs_entry_jumppad:
0x0: {  	(pc) =	sbr.rel $0x88, $3  }
0x1: {  	(tag) =	ssettag $0x0;
	lr =	simm.s32 $0x1  }
0x2: {  	[smem:$0x3F9F] =	sst lr;
	_ =	strace $0xD0000000  }
0x3: {  	_ = 	snop  }
0x4: {  	_ = 	snop  }
0x5: {  	_ = 	snop  }
0x6: {  	_ = 	snop  }
0x7: {  	_ = 	snop  }
__scs_overlays_trampoline_lowered:
0x8: {  	[smem:$0x3FAE] =	sst s0  }
0x9: {  	[smem:$0x3FAF] =	sst s1  }
0xa: {  	[smem:$0x3FB0] =	sst s2  }
0xb: {  	[smem:$0x3FB1] =	sst s3  }
0xc: {  	[smem:$0x3FB2] =	sst s4  }
0xd: {  	[smem:$0x3FB3] =	sst s5  }
0xe: {  	[smem:$0x3FB4] =	sst s6  }
0xf: {  	[smem:$0x3FB5] =	sst s7  }
0x10: {  	[smem:$0x3FB6] =	sst s8  }
0x11: {  	[smem:$0x3FB7] =	sst s9;
	s0 =	simm.s32 @!p0 $0x0  }
0x12: {  	s1 =	sld [smem:$0x3F9D];
	s0 =	simm.s32 @p0 $0x1  }
0x13: {  	[smem:$0x3FB8] =	sst s0;
	s0 =	simm.s32 @!p1 $0x0  }
0x14: {  	s2 =	sld [smem:$0x3F9C];
	s0 =	simm.s32 @p1 $0x1  }
0x15: {  	[smem:$0x3FB9] =	sst s0;
	s0 =	simm.s32 @!p2 $0x0  }
0x16: {  	s3 =	sld [smem:$0x3FDB];
	s0 =	simm.s32 @p2 $0x1  }
0x17: {  	s4 =	simm.s32 $0x1BF5;
	[smem:$0x3FBB] =	sst s0  }
0x18: {  	s0 =	sld [smem:$0x3F9E];
	_ =	swait.ge [sflag:s4], $0x0  }
0x19: {  	s7 =	sld [smem:$0x3F9F]  }
0x1a: {  	s8 =	sadd.s32 $0xFFFFE003, lr  }
0x1b: {  	s9 =	sadd.s32 $0xFFFFFEF7, lr;
	s5 =	simm.s32 $0xFFFFFFFF;
	p2 =	slt.u32 s8, $0xFFFFF086  }
0x1c: {  	p1 =	slt.u32 s9, $0xF7A;
	s5 =	simm.s32 @!p2 $0x0  }
0x1d: {  	s5 =	simm.s32 @p1 $0x1;
	p0 =	seq.s32 s7, s2  }
0x1e: {  	s7 =	smul.u32 @!p0 $0xF7A, s2;
	p2 =	seq.s32 @!p0 s5, $0x0  }
0x1f: {  	s9 =	smul.u32 $0xF7A, s1;
	s8 =	simm.s32 @!p0 $0x1BF5;
	p2 =	por !p2, p0  }
0x20: {  	[sflag:s8] =	ssyncset.s32 @!p0 $0xFFFFF086;
	s6 =	sadd.s32 @!p0 s3, s7;
	s7 =	simm.s32 @!p0 $0x108  }
0x21: {  	s3 =	sadd.s32 s3, s9;
	s6 =	sadd.s32 @!p0 $0x88, s6;
	s7 =	simm.s32 @p2 $0x1082  }
0x22: {  	[simem:s7], [sflag:s8] =	dma.local @!p0 [hbm:s6], $0xF7A  }
0x23: {  	s9 =	sor.u32 $0xD0000000, s2;
	s6 =	simm.s32 $0x108;
	_ =	swait.ge @!p0 [sflag:s8], $0x0  }
0x24: {  	s3 =	sadd.s32 $0x88, s3;
	s6 =	simm.s32 @!p1 $0x1082;
	[sflag:s4] =	ssyncset.s32 $0xFFFFF086  }
0x25: {  	[simem:s6], [sflag:s4] =	dma.local [hbm:s3], $0xF7A  }
0x26: {  	[smem:$0x3F9F] =	sst s1;
	(tag) =	ssettag s2;
	_ =	strace s9  }
0x27: {  	s1 =	sld [smem:$0x3FAF]  }
0x28: {  	s2 =	sld [smem:$0x3FB0]  }
0x29: {  	s4 =	sld [smem:$0x3FB2]  }
0x2a: {  	p0 =	seq.s32 s5, $0x0;
	s5 =	sld [smem:$0x3FB3]  }
0x2b: {  	s6 =	sld [smem:$0x3FB4]  }
0x2c: {  	s7 =	sld [smem:$0x3FB5]  }
0x2d: {  	s3 =	simm.s32 $0x108;
	s8 =	sld [smem:$0x3FB6]  }
0x2e: {  	s3 =	simm.s32 @!p0 $0x1082;
	s9 =	sld [smem:$0x3FB7]  }
0x2f: {  	lr =	sadd.s32 s0, s3;
	s0 =	sld [smem:$0x3FAE]  }
0x30: {  	s3 =	sld [smem:$0x3FB1]  }
0x31: {  	[smem:$0x3FBA] =	sst s10  }
0x32: {  	s10 =	sld [smem:$0x3FB8];
	_ =	sdelay $0x3  }
0x33: {  	p0 =	seq.s32 s10, $0x1;
	s10 =	sld [smem:$0x3FBA];
	_ =	sdelay $0x3  }
0x34: {  	[smem:$0x3FBA] =	sst s10  }
0x35: {  	s10 =	sld [smem:$0x3FB9];
	_ =	sdelay $0x3  }
0x36: {  	p1 =	seq.s32 s10, $0x1;
	s10 =	sld [smem:$0x3FBA];
	_ =	sdelay $0x3  }
0x37: {  	[smem:$0x3FBA] =	sst s10  }
0x38: {  	s10 =	sld [smem:$0x3FBB]  }
0x39: {  	_ = 	snop;
	(pc) =	sbr.ind lr, $3  }
0x3a: {  	_ = 	snop  }
0x3b: {  	_ = 	snop  }
0x3c: {  	p2 =	seq.s32 s10, $0x1;
	s10 =	sld [smem:$0x3FBA]  }
0x3d: {  	_ =	shalt  }
0x3e: {  	_ =	shalt  }
0x3f: {  	_ =	shalt  }
0x40: {  	_ =	shalt  }
0x41: {  	_ =	shalt  }
0x42: {  	_ =	shalt  }
0x43: {  	_ =	shalt  }
0x44: {  	_ =	shalt  }
0x45: {  	_ =	shalt  }
0x46: {  	_ =	shalt  }
0x47: {  	_ =	shalt  }
0x48: {  	_ =	shalt  }
0x49: {  	_ =	shalt  }
0x4a: {  	_ =	shalt  }
0x4b: {  	_ =	shalt  }
0x4c: {  	_ =	shalt  }
0x4d: {  	_ =	shalt  }
0x4e: {  	_ =	shalt  }
0x4f: {  	_ =	shalt  }
0x50: {  	_ =	shalt  }
0x51: {  	_ =	shalt  }
0x52: {  	_ =	shalt  }
0x53: {  	_ =	shalt  }
0x54: {  	_ =	shalt  }
0x55: {  	_ =	shalt  }
0x56: {  	_ =	shalt  }
0x57: {  	_ =	shalt  }
0x58: {  	_ =	shalt  }
0x59: {  	_ =	shalt  }
0x5a: {  	_ =	shalt  }
0x5b: {  	_ =	shalt  }
0x5c: {  	_ =	shalt  }
0x5d: {  	_ =	shalt  }
0x5e: {  	_ =	shalt  }
0x5f: {  	_ =	shalt  }
0x60: {  	_ =	shalt  }
0x61: {  	_ =	shalt  }
0x62: {  	_ =	shalt  }
0x63: {  	_ =	shalt  }
0x64: {  	_ =	shalt  }
0x65: {  	_ =	shalt  }
0x66: {  	_ =	shalt  }
0x67: {  	_ =	shalt  }
0x68: {  	_ =	shalt  }
0x69: {  	_ =	shalt  }
0x6a: {  	_ =	shalt  }
0x6b: {  	_ =	shalt  }
0x6c: {  	_ =	shalt  }
0x6d: {  	_ =	shalt  }
0x6e: {  	_ =	shalt  }
0x6f: {  	_ =	shalt  }
0x70: {  	_ =	shalt  }
0x71: {  	_ =	shalt  }
0x72: {  	_ =	shalt  }
0x73: {  	_ =	shalt  }
0x74: {  	_ =	shalt  }
0x75: {  	_ =	shalt  }
0x76: {  	_ =	shalt  }
0x77: {  	_ =	shalt  }
0x78: {  	_ =	shalt  }
0x79: {  	_ =	shalt  }
0x7a: {  	_ =	shalt  }
0x7b: {  	_ =	shalt  }
0x7c: {  	_ =	shalt  }
0x7d: {  	_ =	shalt  }
0x7e: {  	_ =	shalt  }
0x7f: {  	_ =	shalt  }
0x80: {  	_ =	shalt  }
0x81: {  	_ =	shalt  }
0x82: {  	_ =	shalt  }
0x83: {  	_ =	shalt  }
0x84: {  	_ =	shalt  }
0x85: {  	_ =	shalt  }
0x86: {  	_ =	shalt  }
0x87: {  	_ =	shalt  }
.Lfunc_end0:
.L_simem_size_0:
called_computation_lowered:
.L_overlay_start_0:
0x88: {  	s2 =	sld [smem:$0x3FD9]  }
0x89: {  	s3 =	sld [smem:$0x3FFE];
	_ =	sdelay $0x1  }
0x8a: {  	s1 =	srdreg.scid  }
0x8b: {  	s0 =	sand.u32 $0x1, s1  }
0x8c: {  	s16 =	sshll.u32 s0, $0xA;
	s2 =	sadd.s32 s3, s2  }
0x8d: {  	s2 =	sadd.s32 s2, s16  }
0x8e: {  	[smem:$0x3FC6] =	sst s2  }
0x8f: {  	_ = 	snop  }
0x90: {  	(tm) =	ssettm $0x1  }
0x91: {  	s17 =	sld [smem:$0x3FFB];
	_ =	sdelay $0x3  }
0x92: {  	_ =	strace s17  }
0x93: {  	s2 =	sld [smem:$0x3FFC];
	_ =	sdelay $0x3  }
0x94: {  	_ =	strace s2  }
0x95: {  	s2 =	sld [smem:$0x3FFD];
	_ =	sdelay $0x3  }
0x96: {  	_ =	strace s2  }
0x97: {  	_ =	strace $0x8FFFFFFF  }
0x98: {  	s18 =	sld [smem:$0x3FDB];
	_ =	sdelay $0x1  }
0x99: {  	s19 =	simm.s32 $_scs_section_size  }
0x9a: {  	s4 =	simm.s32 $_size__tile_overlayer_lowered;
	s5 =	simm.s32 $_tile_overlayer_lowered  }
0x9b: {  	s22 =	simm.s32 $0x1BFF;
	s21 =	sshll.u32 s5, $0x1;
	s2 =	sadd.s32 s19, s18  }
0x9c: {  	s6 =	simm.s32 $0x0;
	s20 =	sshll.u32 s4, $0x1;
	s4 =	sadd.s32 s21, s2  }
0x9d: {  	[timem:s6], [sflag:s22] =	dma.local [hbm:s4], s20  }
0x9e: {  	_ =	swait.ge [sflag:s22], s20  }
0x9f: {  	s3 =	ssub.s32 $0x0, s20;
	[sflag:s22] =	ssyncset.done $0x0  }
0xa0: {  	[sflag:s22] =	ssyncadd.s32 s3;
	_ =	sdelay $0x1  }
0xa1: {  	s23 =	simm.s32 $0x1B8B  }
0xa2: {  	_ =	swait.ge [sflag:s23], $0x1  }
0xa3: {  	[sflag:s23] =	ssyncset.done $0x0  }
0xa4: {  	s25 =	simm.s32 $0x1B8E;
	s24 =	sld [smem:$0x3FFE];
	[sflag:s23] =	ssyncadd.s32 $0xFFFFFFFF  }
0xa5: {  	s26 =	simm.s32 $execute0_lowered;
	[smem:$0x3FD2] =	sst s25  }
0xa6: {  	s4 =	sshll.u32 s26, $0x1;
	_ =	strace $0x80000046;
	[dreg:$0x1] =	wrdreg $0xFFFFFFFF  }
0xa7: {  	s28 =	simm.s32 $_size_execute0_lowered;
	s2 =	sadd.s32 s2, s4;
	[dreg:$0x0] =	wrdreg $0x0  }
0xa8: {  	s4 =	sshll.u32 s28, $0x1;
	[dreg:$0x2] =	wrdreg s2  }
0xa9: {  	[dreg:$0x3] =	wrdreg s4  }
0xaa: {  	[dreg:$0x4] =	wrdreg $0xC0  }
0xab: {  	_ =	task [dreg:s6], $0x5FFFF  }
0xac: {  	[dreg:$0x1] =	wrdreg $0xFFFFFFFF  }
0xad: {  	[dreg:$0x0] =	wrdreg $0x60  }
0xae: {  	[dreg:$0x2] =	wrdreg s24  }
0xaf: {  	[dreg:$0x3] =	wrdreg $0x4C000  }
0xb0: {  	[dreg:$0x4] =	wrdreg $0x18C000  }
0xb1: {  	[dreg:$0x5] =	wrdreg $0x18E800  }
0xb2: {  	[dreg:$0x6] =	wrdreg $0x9  }
0xb3: {  	_ =	task.clear_ibuf [dreg:s6], $0x7FFFF;
	_ =	strace $0x90000046  }
0xb4: {  	s29 =	simm.s32 $0x9;
	_ =	strace $0x80000048  }
0xb5: {  	_ =	swait.ge [sflag:s29], $0x1  }
0xb6: {  	[sflag:s29] =	ssyncadd.s32 $0xFFFFFFFF  }
0xb7: {  	_ =	strace $0x90000048  }
0xb8: {  	_ =	sfence  }
0xb9: {  	s30 =	sld [smem:$0x0];
	_ =	sdelay $0x2  }
0xba: {  	s31 =	sshll.u32 s1, $0xD;
	s1 =	sshrl.u32 s1, $0x2  }
0xbb: {  	s3 =	sand.u32 $0x4000, s31;
	s1 =	sadd.s32 s1, s30  }
0xbc: {  	s0 =	sor.u32 s3, s0;
	s1 =	sshll.u32 s1, $0x11  }
0xbd: {  	s0 =	sor.u32 s1, s0  }
0xbe: {  	s0 =	sadd.s32 $0x8F2B, s0  }
0xbf: {  	[sflag:s0] =	ssyncadd.remote.s32 $0x1  }
0xc0: {  	_ =	sfence.sel $0xFFFF  }
0xc1: {  	[dreg:$0x0] =	wrdreg $0xFFFFFFFF;
	(pc) =	sbr.abs _section_cstart, $3  }
0xc2: {  	[dreg:$0x1] =	wrdreg $0xFFFFFFFF  }
0xc3: {  	_ =	task.clear_ibuf [dreg:s6], $0x2FFFF;
	_ =	strace $0x9FFFFFFF  }
0xc4: {  	(tm) =	ssettm $0x7FFFFFFF  }
0xc5: {  	_ =	shalt  }
tec
execute0_lowered:
.L_overlay_start_1:
0x0: {  	(tag) =	ssettag $0x1  }
0x1: {  	s14 =	stileid.u32  }
0x2: {  	s0 =	rddreg [dreg:$0x0];
	s8 =	smul.u32 $0x280, s14  }
0x3: {  	s1 =	rddreg [dreg:$0x1];
	s10 =	smul.u32 $0x500, s14  }
0x4: {  	s2 =	srdreg.scid;
	s11 =	smul.u32 $0x50000, s14  }
0x5: {  	s3 =	rddreg [dreg:$0x2];
	s2 =	sand.u32 $0x1, s2;
	s24 =	smul.u32 $0x4F00, s14  }
0x6: {  	s4 =	rddreg [dreg:$0x3];
	s6 =	smul.u32 $0x2800, s2  }
0x7: {  	s5 =	simm.s32 $0x0;
	s7 =	smul.u32 $0x5000, s2;
	s17 =	ssub.s32 $0x2, s2  }
0x8: {  	[smem:$0x7FF] =	sst s5;
	s2 =	smul.u32 $0x4F000, s2;
	s18 =	sshrl.u32 s17, $0x1  }
0x9: {  	s19 =	sshrl.u32 s11, $0x2;
	s9 =	sadd.s32 s8, s6;
	s7 =	sadd.s32 s10, s7  }
0xa: {  	s10 =	ssub.s32 s17, s18;
	s2 =	sadd.s32 s24, s2;
	s9 =	sshll.u32 s9, $0x4  }
0xb: {  	s24 =	smax.u32 s10, $0x1;
	s12 =	sadd.s32 s9, s0;
	s9 =	sadd.s32 s19, s1  }
0xc: {  	_ =	strace $0x80000047;
	[dreg:$0x13] =	wrdreg s24;
	s20 =	sadd.s32 $0x800, s9  }
0xd: {  	s21 =	sadd.s32 $0x1000, s9;
	[dreg:$0x5] =	wrdreg s20  }
0xe: {  	s22 =	sadd.s32 $0x1800, s9;
	[dreg:$0x6] =	wrdreg s21  }
0xf: {  	s23 =	sadd.s32 $0x2000, s9;
	[dreg:$0x7] =	wrdreg s22  }
0x10: {  	s25 =	sadd.s32 $0x2800, s9;
	[dreg:$0x8] =	wrdreg s23  }
0x11: {  	s26 =	sadd.s32 $0x3000, s9;
	[dreg:$0x9] =	wrdreg s25  }
0x12: {  	s15 =	sadd.s32 $0x3800, s9;
	[dreg:$0xa] =	wrdreg s26  }
0x13: {  	s16 =	sadd.s32 $0x4000, s9;
	[dreg:$0xb] =	wrdreg s15  }
0x14: {  	s17 =	sadd.s32 $0x4800, s9;
	[dreg:$0xc] =	wrdreg s16  }
0x15: {  	s18 =	sadd.s32 $0x5000, s9;
	[dreg:$0xd] =	wrdreg s17  }
0x16: {  	s19 =	sadd.s32 $0x5800, s9;
	[dreg:$0xe] =	wrdreg s18  }
0x17: {  	s10 =	sadd.s32 $0x7800, s9;
	[dreg:$0xf] =	wrdreg s19  }
0x18: {  	s11 =	sadd.s32 $0x8000, s9;
	[dreg:$0x17] =	wrdreg s10  }
0x19: {  	s6 =	sadd.s32 $0x13C00, s0;
	s14 =	sadd.s32 $0x9800, s9;
	[dreg:$0x18] =	wrdreg s11  }
0x1a: {  	s7 =	sshrl.u32 s7, $0x3;
	s24 =	sadd.s32 $0xE000, s9;
	[dreg:$0x1b] =	wrdreg s14  }
0x1b: {  	s13 =	sadd.s32 s7, s0;
	s20 =	sadd.s32 $0x3AE00, s12;
	[smem:$0x7FB] =	sst s24  }
0x1c: {  	s2 =	sshrl.u32 s2, $0x3;
	s21 =	sadd.s32 $0x8AE00, s13;
	[dreg:$0x10] =	wrdreg s20  }
0x1d: {  	s7 =	sadd.s32 s8, s3;
	s23 =	sadd.s32 $0x8AE10, s13;
	[dreg:$0x11] =	wrdreg s21  }
0x1e: {  	s8 =	sadd.s32 s8, s4;
	s25 =	sadd.s32 $0x6000, s9;
	[dreg:$0x12] =	wrdreg s23  }
0x1f: {  	s28 =	sadd.s32 $0x11800, s9;
	s26 =	sadd.s32 $0x6800, s9;
	[dreg:$0x14] =	wrdreg s25  }
0x20: {  	s22 =	sadd.s32 s2, s0;
	s2 =	sadd.s32 $0x7000, s9;
	[dreg:$0x15] =	wrdreg s26  }
0x21: {  	s29 =	sadd.s32 $0x12000, s9;
	s12 =	sadd.s32 $0x8800, s9;
	[dreg:$0x16] =	wrdreg s2  }
0x22: {  	s30 =	sadd.s32 $0x12800, s9;
	s13 =	sadd.s32 $0x9000, s9;
	[dreg:$0x19] =	wrdreg s12  }
0x23: {  	s31 =	sadd.s32 $0x13000, s9;
	s15 =	sadd.s32 $0xA000, s9;
	[dreg:$0x1a] =	wrdreg s13  }
0x24: {  	s16 =	sadd.s32 $0xA800, s9;
	s17 =	sadd.s32 $0xB000, s9;
	[dreg:$0x1c] =	wrdreg s15  }
0x25: {  	s18 =	sadd.s32 $0xB800, s9;
	s19 =	sadd.s32 $0xC000, s9;
	[dreg:$0x1d] =	wrdreg s16  }
0x26: {  	s24 =	sadd.s32 $0x10000, s9;
	s0 =	simm.s32 $0x4980;
	[dreg:$0x1e] =	wrdreg s17  }
0x27: {  	s10 =	simm.s32 $0x1;
	s11 =	simm.s32 $0x4100;
	[dreg:$0x1f] =	wrdreg s18  }
0x28: {  	s14 =	simm.s32 $0x4900;
	[smem:$0x7F7] =	sst s19;
	s20 =	sadd.s32 $0xC800, s9  }
0x29: {  	s21 =	sadd.s32 $0xD000, s9;
	s23 =	sadd.s32 $0xD800, s9;
	[smem:$0x7F8] =	sst s20  }
0x2a: {  	s25 =	sadd.s32 $0xE800, s9;
	s26 =	sadd.s32 $0xF000, s9;
	[smem:$0x7F9] =	sst s21  }
0x2b: {  	s2 =	sadd.s32 $0x13800, s9;
	s12 =	simm.s32 $0x80;
	[smem:$0x7FA] =	sst s23  }
0x2c: {  	s13 =	simm.s32 $0x100;
	s15 =	simm.s32 $0x20;
	[smem:$0x7FC] =	sst s25  }
0x2d: {  	s16 =	simm.s32 $0x10;
	s17 =	simm.s32 $0x0;
	[smem:$0x7FD] =	sst s26  }
0x2e: {  	v0 =	vimm.f32 $0.0e+00;
	v1 =	vimm.f32 $1.000000000e+00;
	s23 =	sadd.s32 $0xF800, s9;
	s25 =	sadd.s32 $0x10800, s9;
	s26 =	sadd.s32 $0x11000, s9  }
.LBB2_1:
0x2f: {  	[tilespmem:$0x4100] =	vst v0  }
0x30: {  	[tilespmem:$0x4110] =	vst v0  }
0x31: {  	[tilespmem:$0x4120] =	vst v0  }
0x32: {  	[tilespmem:$0x4130] =	vst v0  }
0x33: {  	[tilespmem:$0x4140] =	vst v0  }
0x34: {  	[tilespmem:$0x4150] =	vst v0  }
0x35: {  	[tilespmem:$0x4160] =	vst v0  }
0x36: {  	[tilespmem:$0x4170] =	vst v0  }
0x37: {  	[tilespmem:$0x4180] =	vst v0  }
0x38: {  	[tilespmem:$0x4190] =	vst v0  }
0x39: {  	[tilespmem:$0x41A0] =	vst v0  }
0x3a: {  	[tilespmem:$0x41B0] =	vst v0  }
0x3b: {  	[tilespmem:$0x41C0] =	vst v0  }
0x3c: {  	[tilespmem:$0x41D0] =	vst v0  }
0x3d: {  	[tilespmem:$0x41E0] =	vst v0  }
0x3e: {  	[tilespmem:$0x41F0] =	vst v0  }
0x3f: {  	[tilespmem:$0x4200] =	vst v0  }
0x40: {  	[tilespmem:$0x4210] =	vst v0  }
0x41: {  	[tilespmem:$0x4220] =	vst v0  }
0x42: {  	[tilespmem:$0x4230] =	vst v0  }
0x43: {  	[tilespmem:$0x4240] =	vst v0  }
0x44: {  	[tilespmem:$0x4250] =	vst v0  }
0x45: {  	[tilespmem:$0x4260] =	vst v0  }
0x46: {  	[tilespmem:$0x4270] =	vst v0  }
0x47: {  	[tilespmem:$0x4280] =	vst v0  }
0x48: {  	[tilespmem:$0x4290] =	vst v0  }
0x49: {  	[tilespmem:$0x42A0] =	vst v0  }
0x4a: {  	[tilespmem:$0x42B0] =	vst v0  }
0x4b: {  	[tilespmem:$0x42C0] =	vst v0  }
0x4c: {  	[tilespmem:$0x42D0] =	vst v0  }
0x4d: {  	[tilespmem:$0x42E0] =	vst v0  }
0x4e: {  	[tilespmem:$0x42F0] =	vst v0  }
0x4f: {  	[tilespmem:$0x4300] =	vst v0  }
0x50: {  	[tilespmem:$0x4310] =	vst v0  }
0x51: {  	[tilespmem:$0x4320] =	vst v0  }
0x52: {  	[tilespmem:$0x4330] =	vst v0  }
0x53: {  	[tilespmem:$0x4340] =	vst v0  }
0x54: {  	[tilespmem:$0x4350] =	vst v0  }
0x55: {  	[tilespmem:$0x4360] =	vst v0  }
0x56: {  	[tilespmem:$0x4370] =	vst v0  }
0x57: {  	[tilespmem:$0x4380] =	vst v0  }
0x58: {  	[tilespmem:$0x4390] =	vst v0  }
0x59: {  	[tilespmem:$0x43A0] =	vst v0  }
0x5a: {  	[tilespmem:$0x43B0] =	vst v0  }
0x5b: {  	[tilespmem:$0x43C0] =	vst v0  }
0x5c: {  	[tilespmem:$0x43D0] =	vst v0  }
0x5d: {  	[tilespmem:$0x43E0] =	vst v0  }
0x5e: {  	[tilespmem:$0x43F0] =	vst v0  }
0x5f: {  	[tilespmem:$0x4400] =	vst v0  }
0x60: {  	[tilespmem:$0x4410] =	vst v0  }
0x61: {  	[tilespmem:$0x4420] =	vst v0  }
0x62: {  	[tilespmem:$0x4430] =	vst v0  }
0x63: {  	[tilespmem:$0x4440] =	vst v0  }
0x64: {  	[tilespmem:$0x4450] =	vst v0  }
0x65: {  	[tilespmem:$0x4460] =	vst v0  }
0x66: {  	[tilespmem:$0x4470] =	vst v0  }
0x67: {  	[tilespmem:$0x4480] =	vst v0  }
0x68: {  	[tilespmem:$0x4490] =	vst v0  }
0x69: {  	[tilespmem:$0x44A0] =	vst v0  }
0x6a: {  	[tilespmem:$0x44B0] =	vst v0  }
0x6b: {  	[tilespmem:$0x44C0] =	vst v0  }
0x6c: {  	[tilespmem:$0x44D0] =	vst v0  }
0x6d: {  	[tilespmem:$0x44E0] =	vst v0  }
0x6e: {  	[tilespmem:$0x44F0] =	vst v0  }
0x6f: {  	[tilespmem:$0x4500] =	vst v0  }
0x70: {  	[tilespmem:$0x4510] =	vst v0  }
0x71: {  	[tilespmem:$0x4520] =	vst v0  }
0x72: {  	[tilespmem:$0x4530] =	vst v0  }
0x73: {  	[tilespmem:$0x4540] =	vst v0  }
0x74: {  	[tilespmem:$0x4550] =	vst v0  }
0x75: {  	[tilespmem:$0x4560] =	vst v0  }
0x76: {  	[tilespmem:$0x4570] =	vst v0  }
0x77: {  	[tilespmem:$0x4580] =	vst v0  }
0x78: {  	[tilespmem:$0x4590] =	vst v0  }
0x79: {  	[tilespmem:$0x45A0] =	vst v0  }
0x7a: {  	[tilespmem:$0x45B0] =	vst v0  }
0x7b: {  	[tilespmem:$0x45C0] =	vst v0  }
0x7c: {  	[tilespmem:$0x45D0] =	vst v0  }
0x7d: {  	[tilespmem:$0x45E0] =	vst v0  }
0x7e: {  	[tilespmem:$0x45F0] =	vst v0  }
0x7f: {  	[tilespmem:$0x4600] =	vst v0  }
0x80: {  	[tilespmem:$0x4610] =	vst v0  }
0x81: {  	[tilespmem:$0x4620] =	vst v0  }
0x82: {  	[tilespmem:$0x4630] =	vst v0  }
0x83: {  	[tilespmem:$0x4640] =	vst v0  }
0x84: {  	[tilespmem:$0x4650] =	vst v0  }
0x85: {  	[tilespmem:$0x4660] =	vst v0  }
0x86: {  	[tilespmem:$0x4670] =	vst v0  }
0x87: {  	[tilespmem:$0x4680] =	vst v0  }
0x88: {  	[tilespmem:$0x4690] =	vst v0  }
0x89: {  	[tilespmem:$0x46A0] =	vst v0  }
0x8a: {  	[tilespmem:$0x46B0] =	vst v0  }
0x8b: {  	[tilespmem:$0x46C0] =	vst v0  }
0x8c: {  	[tilespmem:$0x46D0] =	vst v0  }
0x8d: {  	[tilespmem:$0x46E0] =	vst v0  }
0x8e: {  	[tilespmem:$0x46F0] =	vst v0  }
0x8f: {  	[tilespmem:$0x4700] =	vst v0  }
0x90: {  	[tilespmem:$0x4710] =	vst v0  }
0x91: {  	[tilespmem:$0x4720] =	vst v0  }
0x92: {  	[tilespmem:$0x4730] =	vst v0  }
0x93: {  	[tilespmem:$0x4740] =	vst v0  }
0x94: {  	[tilespmem:$0x4750] =	vst v0  }
0x95: {  	[tilespmem:$0x4760] =	vst v0  }
0x96: {  	[tilespmem:$0x4770] =	vst v0  }
0x97: {  	[tilespmem:$0x4780] =	vst v0  }
0x98: {  	[tilespmem:$0x4790] =	vst v0  }
0x99: {  	[tilespmem:$0x47A0] =	vst v0  }
0x9a: {  	[tilespmem:$0x47B0] =	vst v0  }
0x9b: {  	[tilespmem:$0x47C0] =	vst v0  }
0x9c: {  	[tilespmem:$0x47D0] =	vst v0  }
0x9d: {  	[tilespmem:$0x47E0] =	vst v0  }
0x9e: {  	[tilespmem:$0x47F0] =	vst v0  }
0x9f: {  	[tilespmem:$0x4800] =	vst v0  }
0xa0: {  	[tilespmem:$0x4810] =	vst v0  }
0xa1: {  	[tilespmem:$0x4820] =	vst v0  }
0xa2: {  	[tilespmem:$0x4830] =	vst v0  }
0xa3: {  	[tilespmem:$0x4840] =	vst v0  }
0xa4: {  	[tilespmem:$0x4850] =	vst v0  }
0xa5: {  	[tilespmem:$0x4860] =	vst v0  }
0xa6: {  	[tilespmem:$0x4870] =	vst v0  }
0xa7: {  	[tilespmem:$0x4880] =	vst v0  }
0xa8: {  	[tilespmem:$0x4890] =	vst v0  }
0xa9: {  	[tilespmem:$0x48A0] =	vst v0  }
0xaa: {  	[tilespmem:$0x48B0] =	vst v0  }
0xab: {  	[tilespmem:$0x48C0] =	vst v0  }
0xac: {  	[tilespmem:$0x48D0] =	vst v0  }
0xad: {  	[tilespmem:$0x48E0] =	vst v0  }
0xae: {  	[tilespmem:$0x48F0] =	vst v0  }
0xaf: {  	[tilespmem:$0x4900] =	vst v1  }
0xb0: {  	[tilespmem:$0x4910] =	vst v1  }
0xb1: {  	[tilespmem:$0x4920] =	vst v1  }
0xb2: {  	[tilespmem:$0x4930] =	vst v1  }
0xb3: {  	[tilespmem:$0x4940] =	vst v1  }
0xb4: {  	[tilespmem:$0x4950] =	vst v1  }
0xb5: {  	[tilespmem:$0x4960] =	vst v1  }
0xb6: {  	[tilespmem:$0x4970] =	vst v1  }
0xb7: {  	[tilespmem:$0x4980] =	vst v0  }
0xb8: {  	[tilespmem:$0x4990] =	vst v0  }
0xb9: {  	[tilespmem:$0x49A0] =	vst v0  }
0xba: {  	[tilespmem:$0x49B0] =	vst v0  }
0xbb: {  	[tilespmem:$0x49C0] =	vst v0  }
0xbc: {  	[tilespmem:$0x49D0] =	vst v0  }
0xbd: {  	[tilespmem:$0x49E0] =	vst v0  }
0xbe: {  	[tilespmem:$0x49F0] =	vst v0  }
0xbf: {  	[tilespmem:$0x4A00] =	vst v0  }
0xc0: {  	[tilespmem:$0x4A10] =	vst v0  }
0xc1: {  	[tilespmem:$0x4A20] =	vst v0  }
0xc2: {  	[tilespmem:$0x4A30] =	vst v0  }
0xc3: {  	[tilespmem:$0x4A40] =	vst v0  }
0xc4: {  	[tilespmem:$0x4A50] =	vst v0  }
0xc5: {  	[tilespmem:$0x4A60] =	vst v0  }
0xc6: {  	[tilespmem:$0x4A70] =	vst v0  }
0xc7: {  	[tilespmem:$0x4A80] =	vst v0  }
0xc8: {  	[tilespmem:$0x4A90] =	vst v0  }
0xc9: {  	[tilespmem:$0x4AA0] =	vst v0  }
0xca: {  	[tilespmem:$0x4AB0] =	vst v0  }
0xcb: {  	[tilespmem:$0x4AC0] =	vst v0  }
0xcc: {  	[tilespmem:$0x4AD0] =	vst v0  }
0xcd: {  	[tilespmem:$0x4AE0] =	vst v0  }
0xce: {  	[tilespmem:$0x4AF0] =	vst v0  }
0xcf: {  	[tilespmem:$0x4B00] =	vst v0  }
0xd0: {  	[tilespmem:$0x4B10] =	vst v0  }
0xd1: {  	[tilespmem:$0x4B20] =	vst v0  }
0xd2: {  	[tilespmem:$0x4B30] =	vst v0  }
0xd3: {  	[tilespmem:$0x4B40] =	vst v0  }
0xd4: {  	[tilespmem:$0x4B50] =	vst v0  }
0xd5: {  	[tilespmem:$0x4B60] =	vst v0  }
0xd6: {  	[tilespmem:$0x4B70] =	vst v0  }
0xd7: {  	[tilespmem:$0x4B80] =	vst v0  }
0xd8: {  	[tilespmem:$0x4B90] =	vst v0  }
0xd9: {  	[tilespmem:$0x4BA0] =	vst v0  }
0xda: {  	[tilespmem:$0x4BB0] =	vst v0  }
0xdb: {  	[tilespmem:$0x4BC0] =	vst v0  }
0xdc: {  	[tilespmem:$0x4BD0] =	vst v0  }
0xdd: {  	[tilespmem:$0x4BE0] =	vst v0  }
0xde: {  	[tilespmem:$0x4BF0] =	vst v0  }
0xdf: {  	[spmem:s7] =	stream.linear.scatter [tilespmem:s0], [sflag:$0x1], $0x280, $0x38;
	[tilespmem:$0x19100] =	vst v63  }
0xe0: {  	_ =	swait.ge [sflag:s10], $0x280  }
0xe1: {  	[sflag:s10] =	ssyncset.done $0x0  }
0xe2: {  	[sflag:s10] =	ssyncadd.s32 $0xFFFFFD80  }
0xe3: {  	[spmem:s8] =	stream.linear.scatter [tilespmem:s0], [sflag:$0x1], $0x280, $0x38;
	[tilespmem:$0x19100] =	vst v63  }
0xe4: {  	_ =	swait.ge [sflag:s10], $0x280  }
0xe5: {  	[sflag:s10] =	ssyncset.done $0x0  }
0xe6: {  	[sflag:s10] =	ssyncadd.s32 $0xFFFFFD80  }
0xe7: {  	[spmem:s9] =	stream.linear.scatter [tilespmem:s11], [sflag:$0x1], $0x800, $0x38;
	[tilespmem:$0x19100] =	vst v63  }
0xe8: {  	_ =	swait.ge [sflag:s10], $0x800  }
0xe9: {  	[sflag:s10] =	ssyncset.done $0x0  }
0xea: {  	s18 =	rddreg [dreg:$0x5];
	[sflag:s10] =	ssyncadd.s32 $0xFFFFF800  }
0xeb: {  	[spmem:s18] =	stream.linear.scatter [tilespmem:s11], [sflag:$0x1], $0x800, $0x38;
	[tilespmem:$0x19100] =	vst v63  }
0xec: {  	_ =	swait.ge [sflag:s10], $0x800  }
0xed: {  	[sflag:s10] =	ssyncset.done $0x0  }
0xee: {  	s19 =	rddreg [dreg:$0x6];
	[sflag:s10] =	ssyncadd.s32 $0xFFFFF800  }
0xef: {  	[spmem:s19] =	stream.linear.scatter [tilespmem:s11], [sflag:$0x1], $0x800, $0x38;
	[tilespmem:$0x19100] =	vst v63  }
0xf0: {  	_ =	swait.ge [sflag:s10], $0x800  }
0xf1: {  	[sflag:s10] =	ssyncset.done $0x0  }
0xf2: {  	s20 =	rddreg [dreg:$0x7];
	[sflag:s10] =	ssyncadd.s32 $0xFFFFF800  }
0xf3: {  	[spmem:s20] =	stream.linear.scatter [tilespmem:s11], [sflag:$0x1], $0x800, $0x38;
	[tilespmem:$0x19100] =	vst v63  }
0xf4: {  	_ =	swait.ge [sflag:s10], $0x800  }
0xf5: {  	[sflag:s10] =	ssyncset.done $0x0  }
0xf6: {  	s21 =	rddreg [dreg:$0x8];
	[sflag:s10] =	ssyncadd.s32 $0xFFFFF800  }
0xf7: {  	[spmem:s21] =	stream.linear.scatter [tilespmem:s11], [sflag:$0x1], $0x800, $0x38;
	[tilespmem:$0x19100] =	vst v63  }
0xf8: {  	_ =	swait.ge [sflag:s10], $0x800  }
0xf9: {  	[sflag:s10] =	ssyncset.done $0x0  }
0xfa: {  	s19 =	rddreg [dreg:$0x9];
	[sflag:s10] =	ssyncadd.s32 $0xFFFFF800  }
0xfb: {  	[spmem:s19] =	stream.linear.scatter [tilespmem:s11], [sflag:$0x1], $0x800, $0x38;
	[tilespmem:$0x19100] =	vst v63  }
0xfc: {  	_ =	swait.ge [sflag:s10], $0x800  }
0xfd: {  	[sflag:s10] =	ssyncset.done $0x0  }
0xfe: {  	s20 =	rddreg [dreg:$0xa];
	[sflag:s10] =	ssyncadd.s32 $0xFFFFF800  }
0xff: {  	[spmem:s20] =	stream.linear.scatter [tilespmem:s11], [sflag:$0x1], $0x800, $0x38;
	[tilespmem:$0x19100] =	vst v63  }
0x100: {  	_ =	swait.ge [sflag:s10], $0x800  }
0x101: {  	[sflag:s10] =	ssyncset.done $0x0  }
0x102: {  	s21 =	rddreg [dreg:$0xb];
	[sflag:s10] =	ssyncadd.s32 $0xFFFFF800  }
0x103: {  	[spmem:s21] =	stream.linear.scatter [tilespmem:s11], [sflag:$0x1], $0x800, $0x38;
	[tilespmem:$0x19100] =	vst v63  }
0x104: {  	_ =	swait.ge [sflag:s10], $0x800  }
0x105: {  	[sflag:s10] =	ssyncset.done $0x0  }
0x106: {  	s19 =	rddreg [dreg:$0xc];
	[sflag:s10] =	ssyncadd.s32 $0xFFFFF800  }
0x107: {  	[spmem:s19] =	stream.linear.scatter [tilespmem:s11], [sflag:$0x1], $0x800, $0x38;
	[tilespmem:$0x19100] =	vst v63  }
0x108: {  	_ =	swait.ge [sflag:s10], $0x800  }
0x109: {  	[sflag:s10] =	ssyncset.done $0x0  }
0x10a: {  	s20 =	rddreg [dreg:$0xd];
	[sflag:s10] =	ssyncadd.s32 $0xFFFFF800  }
0x10b: {  	[spmem:s20] =	stream.linear.scatter [tilespmem:s11], [sflag:$0x1], $0x800, $0x38;
	[tilespmem:$0x19100] =	vst v63  }
0x10c: {  	_ =	swait.ge [sflag:s10], $0x800  }
0x10d: {  	[sflag:s10] =	ssyncset.done $0x0  }
0x10e: {  	s21 =	rddreg [dreg:$0xe];
	[sflag:s10] =	ssyncadd.s32 $0xFFFFF800  }
0x10f: {  	[spmem:s21] =	stream.linear.scatter [tilespmem:s11], [sflag:$0x1], $0x800, $0x38;
	[tilespmem:$0x19100] =	vst v63  }
0x110: {  	_ =	swait.ge [sflag:s10], $0x800  }
0x111: {  	[sflag:s10] =	ssyncset.done $0x0  }
0x112: {  	s19 =	rddreg [dreg:$0xf];
	[sflag:s10] =	ssyncadd.s32 $0xFFFFF800  }
0x113: {  	[spmem:s19] =	stream.linear.scatter [tilespmem:s11], [sflag:$0x1], $0x800, $0x38;
	[tilespmem:$0x19100] =	vst v63  }
0x114: {  	_ =	swait.ge [sflag:s10], $0x800  }
0x115: {  	[sflag:s10] =	ssyncset.done $0x0  }
0x116: {  	s20 =	rddreg [dreg:$0x14];
	[sflag:s10] =	ssyncadd.s32 $0xFFFFF800  }
0x117: {  	[spmem:s20] =	stream.linear.scatter [tilespmem:s11], [sflag:$0x1], $0x800, $0x38;
	[tilespmem:$0x19100] =	vst v63  }
0x118: {  	_ =	swait.ge [sflag:s10], $0x800  }
0x119: {  	[sflag:s10] =	ssyncset.done $0x0  }
0x11a: {  	s21 =	rddreg [dreg:$0x15];
	[sflag:s10] =	ssyncadd.s32 $0xFFFFF800  }
0x11b: {  	[spmem:s21] =	stream.linear.scatter [tilespmem:s11], [sflag:$0x1], $0x800, $0x38;
	[tilespmem:$0x19100] =	vst v63  }
0x11c: {  	_ =	swait.ge [sflag:s10], $0x800  }
0x11d: {  	[sflag:s10] =	ssyncset.done $0x0  }
0x11e: {  	s19 =	rddreg [dreg:$0x16];
	[sflag:s10] =	ssyncadd.s32 $0xFFFFF800  }
0x11f: {  	[spmem:s19] =	stream.linear.scatter [tilespmem:s11], [sflag:$0x1], $0x800, $0x38;
	[tilespmem:$0x19100] =	vst v63  }
0x120: {  	_ =	swait.ge [sflag:s10], $0x800  }
0x121: {  	[sflag:s10] =	ssyncset.done $0x0  }
0x122: {  	s20 =	rddreg [dreg:$0x17];
	[sflag:s10] =	ssyncadd.s32 $0xFFFFF800  }
0x123: {  	[spmem:s20] =	stream.linear.scatter [tilespmem:s11], [sflag:$0x1], $0x800, $0x38;
	[tilespmem:$0x19100] =	vst v63  }
0x124: {  	_ =	swait.ge [sflag:s10], $0x800  }
0x125: {  	[sflag:s10] =	ssyncset.done $0x0  }
0x126: {  	s21 =	rddreg [dreg:$0x18];
	[sflag:s10] =	ssyncadd.s32 $0xFFFFF800  }
0x127: {  	[spmem:s21] =	stream.linear.scatter [tilespmem:s11], [sflag:$0x1], $0x800, $0x38;
	[tilespmem:$0x19100] =	vst v63  }
0x128: {  	_ =	swait.ge [sflag:s10], $0x800  }
0x129: {  	[sflag:s10] =	ssyncset.done $0x0  }
0x12a: {  	s19 =	rddreg [dreg:$0x19];
	[sflag:s10] =	ssyncadd.s32 $0xFFFFF800  }
0x12b: {  	[spmem:s19] =	stream.linear.scatter [tilespmem:s11], [sflag:$0x1], $0x800, $0x38;
	[tilespmem:$0x19100] =	vst v63  }
0x12c: {  	_ =	swait.ge [sflag:s10], $0x800  }
0x12d: {  	[sflag:s10] =	ssyncset.done $0x0  }
0x12e: {  	s20 =	rddreg [dreg:$0x1a];
	[sflag:s10] =	ssyncadd.s32 $0xFFFFF800  }
0x12f: {  	[spmem:s20] =	stream.linear.scatter [tilespmem:s11], [sflag:$0x1], $0x800, $0x38;
	[tilespmem:$0x19100] =	vst v63  }
0x130: {  	_ =	swait.ge [sflag:s10], $0x800  }
0x131: {  	[sflag:s10] =	ssyncset.done $0x0  }
0x132: {  	s21 =	rddreg [dreg:$0x1b];
	[sflag:s10] =	ssyncadd.s32 $0xFFFFF800  }
0x133: {  	[spmem:s21] =	stream.linear.scatter [tilespmem:s11], [sflag:$0x1], $0x800, $0x38;
	[tilespmem:$0x19100] =	vst v63  }
0x134: {  	_ =	swait.ge [sflag:s10], $0x800  }
0x135: {  	[sflag:s10] =	ssyncset.done $0x0  }
0x136: {  	s19 =	rddreg [dreg:$0x1c];
	[sflag:s10] =	ssyncadd.s32 $0xFFFFF800  }
0x137: {  	[spmem:s19] =	stream.linear.scatter [tilespmem:s11], [sflag:$0x1], $0x800, $0x38;
	[tilespmem:$0x19100] =	vst v63  }
0x138: {  	_ =	swait.ge [sflag:s10], $0x800  }
0x139: {  	[sflag:s10] =	ssyncset.done $0x0  }
0x13a: {  	s20 =	rddreg [dreg:$0x1d];
	[sflag:s10] =	ssyncadd.s32 $0xFFFFF800  }
0x13b: {  	[spmem:s20] =	stream.linear.scatter [tilespmem:s11], [sflag:$0x1], $0x800, $0x38;
	[tilespmem:$0x19100] =	vst v63  }
0x13c: {  	_ =	swait.ge [sflag:s10], $0x800  }
0x13d: {  	[sflag:s10] =	ssyncset.done $0x0  }
0x13e: {  	s21 =	rddreg [dreg:$0x1e];
	[sflag:s10] =	ssyncadd.s32 $0xFFFFF800  }
0x13f: {  	[spmem:s21] =	stream.linear.scatter [tilespmem:s11], [sflag:$0x1], $0x800, $0x38;
	[tilespmem:$0x19100] =	vst v63  }
0x140: {  	_ =	swait.ge [sflag:s10], $0x800  }
0x141: {  	[sflag:s10] =	ssyncset.done $0x0  }
0x142: {  	s19 =	rddreg [dreg:$0x1f];
	[sflag:s10] =	ssyncadd.s32 $0xFFFFF800  }
0x143: {  	[spmem:s19] =	stream.linear.scatter [tilespmem:s11], [sflag:$0x1], $0x800, $0x38;
	[tilespmem:$0x19100] =	vst v63  }
0x144: {  	_ =	swait.ge [sflag:s10], $0x800  }
0x145: {  	s20 =	sld [smem:$0x7F7]  }
0x146: {  	[sflag:s10] =	ssyncset.done $0x0  }
0x147: {  	[sflag:s10] =	ssyncadd.s32 $0xFFFFF800  }
0x148: {  	[spmem:s20] =	stream.linear.scatter [tilespmem:s11], [sflag:$0x1], $0x800, $0x38;
	[tilespmem:$0x19100] =	vst v63  }
0x149: {  	_ =	swait.ge [sflag:s10], $0x800  }
0x14a: {  	s21 =	sld [smem:$0x7F8]  }
0x14b: {  	[sflag:s10] =	ssyncset.done $0x0  }
0x14c: {  	[sflag:s10] =	ssyncadd.s32 $0xFFFFF800  }
0x14d: {  	[spmem:s21] =	stream.linear.scatter [tilespmem:s11], [sflag:$0x1], $0x800, $0x38;
	[tilespmem:$0x19100] =	vst v63  }
0x14e: {  	_ =	swait.ge [sflag:s10], $0x800  }
0x14f: {  	s19 =	sld [smem:$0x7F9]  }
0x150: {  	[sflag:s10] =	ssyncset.done $0x0  }
0x151: {  	[sflag:s10] =	ssyncadd.s32 $0xFFFFF800  }
0x152: {  	[spmem:s19] =	stream.linear.scatter [tilespmem:s11], [sflag:$0x1], $0x800, $0x38;
	[tilespmem:$0x19100] =	vst v63  }
0x153: {  	_ =	swait.ge [sflag:s10], $0x800  }
0x154: {  	s20 =	sld [smem:$0x7FA]  }
0x155: {  	[sflag:s10] =	ssyncset.done $0x0  }
0x156: {  	[sflag:s10] =	ssyncadd.s32 $0xFFFFF800  }
0x157: {  	[spmem:s20] =	stream.linear.scatter [tilespmem:s11], [sflag:$0x1], $0x800, $0x38;
	[tilespmem:$0x19100] =	vst v63  }
0x158: {  	_ =	swait.ge [sflag:s10], $0x800  }
0x159: {  	s21 =	sld [smem:$0x7FB]  }
0x15a: {  	[sflag:s10] =	ssyncset.done $0x0  }
0x15b: {  	[sflag:s10] =	ssyncadd.s32 $0xFFFFF800  }
0x15c: {  	[spmem:s21] =	stream.linear.scatter [tilespmem:s11], [sflag:$0x1], $0x800, $0x38;
	[tilespmem:$0x19100] =	vst v63  }
0x15d: {  	_ =	swait.ge [sflag:s10], $0x800  }
0x15e: {  	s19 =	sld [smem:$0x7FC]  }
0x15f: {  	[sflag:s10] =	ssyncset.done $0x0  }
0x160: {  	[sflag:s10] =	ssyncadd.s32 $0xFFFFF800  }
0x161: {  	[spmem:s19] =	stream.linear.scatter [tilespmem:s11], [sflag:$0x1], $0x800, $0x38;
	[tilespmem:$0x19100] =	vst v63  }
0x162: {  	_ =	swait.ge [sflag:s10], $0x800  }
0x163: {  	s20 =	sld [smem:$0x7FD]  }
0x164: {  	[sflag:s10] =	ssyncset.done $0x0  }
0x165: {  	[sflag:s10] =	ssyncadd.s32 $0xFFFFF800  }
0x166: {  	[spmem:s20] =	stream.linear.scatter [tilespmem:s11], [sflag:$0x1], $0x800, $0x38;
	[tilespmem:$0x19100] =	vst v63  }
0x167: {  	_ =	swait.ge [sflag:s10], $0x800  }
0x168: {  	[sflag:s10] =	ssyncset.done $0x0  }
0x169: {  	[sflag:s10] =	ssyncadd.s32 $0xFFFFF800  }
0x16a: {  	[spmem:s23] =	stream.linear.scatter [tilespmem:s11], [sflag:$0x1], $0x800, $0x38;
	[tilespmem:$0x19100] =	vst v63  }
0x16b: {  	_ =	swait.ge [sflag:s10], $0x800  }
0x16c: {  	[sflag:s10] =	ssyncset.done $0x0  }
0x16d: {  	[sflag:s10] =	ssyncadd.s32 $0xFFFFF800  }
0x16e: {  	[spmem:s24] =	stream.linear.scatter [tilespmem:s11], [sflag:$0x1], $0x800, $0x38;
	[tilespmem:$0x19100] =	vst v63  }
0x16f: {  	_ =	swait.ge [sflag:s10], $0x800  }
0x170: {  	[sflag:s10] =	ssyncset.done $0x0  }
0x171: {  	[sflag:s10] =	ssyncadd.s32 $0xFFFFF800  }
0x172: {  	[spmem:s25] =	stream.linear.scatter [tilespmem:s11], [sflag:$0x1], $0x800, $0x38;
	[tilespmem:$0x19100] =	vst v63  }
0x173: {  	_ =	swait.ge [sflag:s10], $0x800  }
0x174: {  	[sflag:s10] =	ssyncset.done $0x0  }
0x175: {  	[sflag:s10] =	ssyncadd.s32 $0xFFFFF800  }
0x176: {  	[spmem:s26] =	stream.linear.scatter [tilespmem:s11], [sflag:$0x1], $0x800, $0x38;
	[tilespmem:$0x19100] =	vst v63  }
0x177: {  	_ =	swait.ge [sflag:s10], $0x800  }
0x178: {  	[sflag:s10] =	ssyncset.done $0x0  }
0x179: {  	[sflag:s10] =	ssyncadd.s32 $0xFFFFF800  }
0x17a: {  	[spmem:s28] =	stream.linear.scatter [tilespmem:s11], [sflag:$0x1], $0x800, $0x38;
	[tilespmem:$0x19100] =	vst v63  }
0x17b: {  	_ =	swait.ge [sflag:s10], $0x800  }
0x17c: {  	[sflag:s10] =	ssyncset.done $0x0  }
0x17d: {  	[sflag:s10] =	ssyncadd.s32 $0xFFFFF800  }
0x17e: {  	[spmem:s29] =	stream.linear.scatter [tilespmem:s11], [sflag:$0x1], $0x800, $0x38;
	[tilespmem:$0x19100] =	vst v63  }
0x17f: {  	_ =	swait.ge [sflag:s10], $0x800  }
0x180: {  	[sflag:s10] =	ssyncset.done $0x0  }
0x181: {  	[sflag:s10] =	ssyncadd.s32 $0xFFFFF800  }
0x182: {  	[spmem:s30] =	stream.linear.scatter [tilespmem:s11], [sflag:$0x1], $0x800, $0x38;
	[tilespmem:$0x19100] =	vst v63  }
0x183: {  	_ =	swait.ge [sflag:s10], $0x800  }
0x184: {  	[sflag:s10] =	ssyncset.done $0x0  }
0x185: {  	[sflag:s10] =	ssyncadd.s32 $0xFFFFF800  }
0x186: {  	[spmem:s31] =	stream.linear.scatter [tilespmem:s11], [sflag:$0x1], $0x800, $0x38;
	[tilespmem:$0x19100] =	vst v63  }
0x187: {  	_ =	swait.ge [sflag:s10], $0x800  }
0x188: {  	[sflag:s10] =	ssyncset.done $0x0  }
0x189: {  	[sflag:s10] =	ssyncadd.s32 $0xFFFFF800  }
0x18a: {  	[spmem:s2] =	stream.linear.scatter [tilespmem:s11], [sflag:$0x1], $0x800, $0x38;
	[tilespmem:$0x19100] =	vst v63  }
0x18b: {  	_ =	swait.ge [sflag:s10], $0x800  }
0x18c: {  	[sflag:s10] =	ssyncset.done $0x0  }
0x18d: {  	[sflag:s10] =	ssyncadd.s32 $0xFFFFF800  }
0x18e: {  	s21 =	sadd.s32 $0x0, s22;
	[bflag:$0x0] =	sbarrier.arrive $0xFFFF  }
0x18f: {  	[tilespmem:s5], [sflag:$0x1] =	stream.linear.gather [hbm4b:s21+s5], $0x100, $0x38;
	[tilespmem:$0x19100] =	vst v63  }
0x190: {  	_ =	swait.ge [sflag:s10], $0x100  }
0x191: {  	[sflag:s10] =	ssyncset.done $0x0  }
0x192: {  	[sflag:s10] =	ssyncadd.s32 $0xFFFFFF00  }
0x193: {  	[tilespmem:s13], [sflag:$0x1] =	stream.indirect.gather [hbm4b:s6+s12], $0x80, s12, s12, $0xb8;
	[tilespmem:$0x19100] =	vst v63  }
0x194: {  	_ =	swait.ge [sflag:s10], $0x4000  }
0x195: {  	[sflag:s10] =	ssyncset.done $0x0  }
0x196: {  	[sflag:s10] =	ssyncadd.s32 $0xFFFFC000  }
0x197: {  	[spmem:s3] =	stream.indirect.scatter.add.f32 [tilespmem:s14], [sflag:$0x1], $0x1, s5, s12, $0xb8;
	[tilespmem:$0x19100] =	vst v63  }
0x198: {  	_ =	swait.ge [sflag:s10], $0x80  }
0x199: {  	[sflag:s10] =	ssyncset.done $0x0  }
0x19a: {  	[sflag:s10] =	ssyncadd.s32 $0xFFFFFF80  }
0x19b: {  	[spmem:s4] =	stream.indirect.scatter.add.f32 [tilespmem:s14], [sflag:$0x1], $0x1, s12, s12, $0xb8;
	[tilespmem:$0x19100] =	vst v63  }
0x19c: {  	_ =	swait.ge [sflag:s10], $0x80  }
0x19d: {  	[sflag:s10] =	ssyncset.done $0x0  }
0x19e: {  	[sflag:s10] =	ssyncadd.s32 $0xFFFFFF80  }
0x19f: {  	[spmem:s1] =	stream.indirect.scatter.add.f32 [tilespmem:s13], [sflag:$0x1], $0x80, s5, s12, $0xb8;
	[tilespmem:$0x19100] =	vst v63  }
0x1a0: {  	_ =	swait.ge [sflag:s10], $0x4000  }
0x1a1: {  	s18 =	simm.s32 $0x20;
	s19 =	simm.s32 $0x40;
	[sflag:s10] =	ssyncset.done $0x0  }
.LBB2_2:
0x1a2: {  	s20 =	sadd.s32 s18, s22  }
0x1a3: {  	[sflag:s10] =	ssyncadd.s32 $0xFFFFC000;
	s18 =	smov.u32 s19;
	s21 =	sadd.s32 $0x20, s19  }
0x1a4: {  	[tilespmem:s5], [sflag:$0x1] =	stream.linear.gather [hbm4b:s20+s5], $0x100, $0x38;
	[tilespmem:$0x19100] =	vst v63  }
0x1a5: {  	p0 =	sne.s32 s19, $0x9C0;
	_ =	swait.ge [sflag:s10], $0x100  }
0x1a6: {  	[sflag:s10] =	ssyncset.done $0x0  }
0x1a7: {  	[sflag:s10] =	ssyncadd.s32 $0xFFFFFF00  }
0x1a8: {  	[tilespmem:s13], [sflag:$0x1] =	stream.indirect.gather [hbm4b:s6+s12], $0x80, s12, s12, $0xb8;
	[tilespmem:$0x19100] =	vst v63  }
0x1a9: {  	_ =	swait.ge [sflag:s10], $0x4000  }
0x1aa: {  	[sflag:s10] =	ssyncset.done $0x0  }
0x1ab: {  	[sflag:s10] =	ssyncadd.s32 $0xFFFFC000  }
0x1ac: {  	[spmem:s3] =	stream.indirect.scatter.add.f32 [tilespmem:s14], [sflag:$0x1], $0x1, s5, s12, $0xb8;
	[tilespmem:$0x19100] =	vst v63  }
0x1ad: {  	_ =	swait.ge [sflag:s10], $0x80  }
0x1ae: {  	[sflag:s10] =	ssyncset.done $0x0  }
0x1af: {  	[sflag:s10] =	ssyncadd.s32 $0xFFFFFF80  }
0x1b0: {  	[spmem:s4] =	stream.indirect.scatter.add.f32 [tilespmem:s14], [sflag:$0x1], $0x1, s12, s12, $0xb8;
	[tilespmem:$0x19100] =	vst v63  }
0x1b1: {  	_ =	swait.ge [sflag:s10], $0x80  }
.Ltmp0:
0x1b2: {  	[sflag:s10] =	ssyncset.done $0x0;
	(pc) =	sbr.rel @p0 .LBB2_2-.Ltmp0, $4  }
0x1b3: {  	[sflag:s10] =	ssyncadd.s32 $0xFFFFFF80  }
0x1b4: {  	[spmem:s1] =	stream.indirect.scatter.add.f32 [tilespmem:s13], [sflag:$0x1], $0x80, s5, s12, $0xb8;
	[tilespmem:$0x19100] =	vst v63  }
0x1b5: {  	_ =	swait.ge [sflag:s10], $0x4000  }
0x1b6: {  	s19 =	smov.u32 s21;
	[sflag:s10] =	ssyncset.done $0x0  }
0x1b7: {  	s18 =	sadd.s32 s18, s22;
	[sflag:s10] =	ssyncadd.s32 $0xFFFFC000  }
0x1b8: {  	[tilespmem:s5], [sflag:$0x1] =	stream.linear.gather [hbm4b:s18+s5], $0x100, $0x38;
	[tilespmem:$0x19100] =	vst v63  }
0x1b9: {  	_ =	swait.ge [sflag:s10], $0x100  }
0x1ba: {  	[sflag:s10] =	ssyncset.done $0x0  }
0x1bb: {  	[sflag:s10] =	ssyncadd.s32 $0xFFFFFF00  }
0x1bc: {  	[tilespmem:s13], [sflag:$0x1] =	stream.indirect.gather [hbm4b:s6+s12], $0x80, s12, s12, $0xb8;
	[tilespmem:$0x19100] =	vst v63  }
0x1bd: {  	_ =	swait.ge [sflag:s10], $0x4000  }
0x1be: {  	[sflag:s10] =	ssyncset.done $0x0  }
0x1bf: {  	[sflag:s10] =	ssyncadd.s32 $0xFFFFC000  }
0x1c0: {  	[spmem:s3] =	stream.indirect.scatter.add.f32 [tilespmem:s14], [sflag:$0x1], $0x1, s5, s12, $0xb8;
	[tilespmem:$0x19100] =	vst v63  }
0x1c1: {  	_ =	swait.ge [sflag:s10], $0x80  }
0x1c2: {  	[sflag:s10] =	ssyncset.done $0x0  }
0x1c3: {  	[sflag:s10] =	ssyncadd.s32 $0xFFFFFF80  }
0x1c4: {  	[spmem:s4] =	stream.indirect.scatter.add.f32 [tilespmem:s14], [sflag:$0x1], $0x1, s12, s12, $0xb8;
	[tilespmem:$0x19100] =	vst v63  }
0x1c5: {  	_ =	swait.ge [sflag:s10], $0x80  }
0x1c6: {  	[sflag:s10] =	ssyncset.done $0x0  }
0x1c7: {  	[sflag:s10] =	ssyncadd.s32 $0xFFFFFF80  }
0x1c8: {  	[spmem:s1] =	stream.indirect.scatter.add.f32 [tilespmem:s13], [sflag:$0x1], $0x80, s5, s12, $0xb8;
	[tilespmem:$0x19100] =	vst v63  }
0x1c9: {  	_ =	swait.ge [sflag:s10], $0x4000  }
0x1ca: {  	[sflag:s10] =	ssyncset.done $0x0  }
0x1cb: {  	s19 =	stileid.u32;
	[sflag:s10] =	ssyncadd.s32 $0xFFFFC000  }
0x1cc: {  	s18 =	sshll.u32 s19, $0x6;
	[bflag:$0x0] =	sbarrier.arrive $0xFFFF  }
0x1cd: {  	s19 =	sshrl.u32 s9, $0x3;
	s18 =	sor.u32 $0x1C01, s18;
	s20 =	rddreg [dreg:$0x10]  }
0x1ce: {  	[hbm:s20], [sflag:s18] =	dma.local [spmem:s19], $0x2800  }
0x1cf: {  	_ =	swait.ge [sflag:s10], $0x2800  }
0x1d0: {  	[sflag:s10] =	ssyncset.done $0x0  }
0x1d1: {  	s20 =	sshrl.u32 s7, $0x3;
	s21 =	rddreg [dreg:$0x11];
	[sflag:s10] =	ssyncadd.s32 $0xFFFFD800  }
0x1d2: {  	[hbm:s21@s15], [sflag:s18] =	dma.strided [spmem:s20@s16], $0x50, s10, $0x10   }
0x1d3: {  	_ =	swait.ge [sflag:s10], $0x50  }
0x1d4: {  	[sflag:s10] =	ssyncset.done $0x0  }
0x1d5: {  	s20 =	sshrl.u32 s8, $0x3;
	s21 =	rddreg [dreg:$0x12];
	[sflag:s10] =	ssyncadd.s32 $0xFFFFFFB0  }
0x1d6: {  	[hbm:s21@s15], [sflag:s18] =	dma.strided [spmem:s20@s16], $0x50, s10, $0x10   }
0x1d7: {  	_ =	swait.ge [sflag:s10], $0x50  }
0x1d8: {  	s17 =	sadd.s32 $0x1, s17;
	s21 =	rddreg [dreg:$0x13]  }
0x1d9: {  	p0 =	sne.s32 s17, s21  }
.Ltmp1:
0x1da: {  	_ = 	snop;
	(pc) =	sbr.rel @p0 .LBB2_1-.Ltmp1, $3  }
0x1db: {  	_ =	sdelay $0x1  }
0x1dc: {  	[sflag:s10] =	ssyncset.done $0x0  }
0x1dd: {  	[sflag:s10] =	ssyncadd.s32 $0xFFFFFFB0  }
0x1de: {  	_ =	sfence.sel $0x180000  }
0x1df: {  	[bflag:$0x0] =	sbarrier.arrive $0xFFFF  }
0x1e0: {  	_ =	strace $0x90000047  }
0x1e1: {  	s0 =	stileid.u32;
	[bflag:$0x2] =	sbarrier.arrive $0xFFFF  }
0x1e2: {  	p0 =	sne.s32 s0, $0x0;
	s0 =	rddreg [dreg:$0x4]  }
0x1e3: {  	s0 =	sadd.s32 @!p0 $0x100000, s0  }
0x1e4: {  	[sflag:s0] =	ssyncadd.tile.s32 @!p0 $0x1;
	_ =	shalt  }
.Lfunc_end2:
_tile_overlayer_lowered:
.L_overlay_start_2:
0x1e5: {  	(tag) =	ssettag $0x2  }
0x1e6: {  	s0 =	rddreg [dreg:$0x0];
	s2 =	stileid.u32  }
0x1e7: {  	s1 =	rddreg [dreg:$0x1];
	p0 =	sne.s32 s2, $0x0  }
0x1e8: {  	s3 =	rddreg [dreg:$0x2];
	[bflag:$0x3] =	sbarrier.arrive $0xFFFF;
	s2 =	simm.s32 @!p0 $0x1C01  }
0x1e9: {  	[timem:s3], [sflag:s2] =	dma.local @!p0 [hbm:s0], s1  }
0x1ea: {  	s0 =	simm.s32 @!p0 $0x1  }
0x1eb: {  	_ =	swait.ge @!p0 [sflag:s0], s1  }
0x1ec: {  	s1 =	ssub.s32 @!p0 $0x0, s1;
	[sflag:s0] =	ssyncset.done @!p0 $0x0  }
0x1ed: {  	[sflag:s0] =	ssyncadd.s32 @!p0 s1  }
0x1ee: {  	[bflag:$0x3] =	sbarrier.arrive $0xFFFF  }
0x1ef: {  	_ =	shalt  }

</sc_bundles>
